<compile_context>
chip_gen: v7x
topology: tpu7x:2x2x1
jax: 0.10.2.dev20260603
libtpu: 0.0.44.dev20260713+nightly
codegen_flags: <defaults>
</compile_context>

<pallas_src>
import functools

import jax
import jax.numpy as jnp
from jax import lax
from jax.experimental import pallas as pl
from jax.experimental.pallas import tpu as pltpu
from jax.experimental.pallas import tpu_sc as plsc

N = 10000
E = 160000
D = 256
DH = 128
NSUB = 16
CB = 128
ROWS_PER_TILE = 640
N_PAD = NSUB * ROWS_PER_TILE
QUADS = 20
CHUNKS = 4 * QUADS
E_PAD = NSUB * CHUNKS * CB
BN = 1024


def _make_sc_agg(compute_deg: bool):
    mesh = plsc.VectorSubcoreMesh(core_axis_name="c", subcore_axis_name="s")

    out_type = [
        jax.ShapeDtypeStruct((N_PAD, DH), jnp.float32),
        jax.ShapeDtypeStruct((N_PAD, DH), jnp.float32),
    ]
    scratch = [
        pltpu.VMEM((2, CB), jnp.int32),
        pltpu.VMEM((2, CB), jnp.int32),
        pltpu.VMEM((2, CB), jnp.int32),
        pltpu.VMEM((2, CB), jnp.int32),
        pltpu.VMEM((CB, DH), jnp.float32),
        pltpu.VMEM((CB, DH), jnp.float32),
        pltpu.VMEM_SHARED((N_PAD, DH), jnp.float32),
        pltpu.SemaphoreType.DMA,
        pltpu.SemaphoreType.DMA,
        pltpu.SemaphoreType.DMA,
        pltpu.SemaphoreType.DMA,
        pltpu.SemaphoreType.DMA,
        pltpu.SemaphoreType.DMA,
        pltpu.SemaphoreType.DMA,
        pltpu.SemaphoreType.DMA,
    ]
    if compute_deg:
        out_type.append(jax.ShapeDtypeStruct((NSUB, N_PAD), jnp.float32))
        scratch.append(pltpu.VMEM((N_PAD,), jnp.float32))

    def body(h0, h1, sd_hbm, *rest):
        if compute_deg:
            (agg0_out, agg1_out, deg_out,
             sd0, sd1, sd2, sd3, rows0, rows1, agg_sh,
             si0, si1, si2, si3, sg0, sg1, ss0, ss1, hist_v) = rest
        else:
            (agg0_out, agg1_out,
             sd0, sd1, sd2, sd3, rows0, rows1, agg_sh,
             si0, si1, si2, si3, sg0, sg1, ss0, ss1) = rest
        c = lax.axis_index("c")
        s = lax.axis_index("s")
        base = s * ROWS_PER_TILE
        zeros16 = jnp.zeros((16,), jnp.float32)
        ones16 = jnp.ones((16,), jnp.float32)

        def start_gather(sd, rows, sem):
            @pl.when(c == 0)
            def _():
                pltpu.async_copy(h0.at[sd.at[0]], rows, sem)

            @pl.when(c == 1)
            def _():
                pltpu.async_copy(h1.at[sd.at[0]], rows, sem)

        def wait_gather(sd, rows, sem):
            pltpu.make_async_copy(h0.at[sd.at[0]], rows, sem).wait()

        def start_scatter(sd, rows, sem):
            pltpu.async_copy(rows, agg_sh.at[sd.at[1]], sem, add=True)

        def wait_scatter(sd, rows, sem):
            pltpu.make_async_copy(rows, agg_sh.at[sd.at[1]], sem).wait()

        def wait_idx(j, sd, sem):
            pltpu.make_async_copy(sd_hbm.at[s, j], sd, sem).wait()

        def hist_chunk(sd):
            if compute_deg:
                @pl.when(c == 0)
                def _():
                    def _dh(k, _):
                        idx = sd[1, pl.ds(k * 16, 16)]
                        plsc.addupdate_scatter(hist_v, [idx], ones16)
                        return 0
                    lax.fori_loop(0, CB // 16, _dh, 0)

        def _zrow(i, _):
            def _zcol(j, _):
                rows0[i, pl.ds(j * 16, 16)] = zeros16
                return 0
            lax.fori_loop(0, DH // 16, _zcol, 0)
            return 0
        lax.fori_loop(0, CB, _zrow, 0)
        for k in range(ROWS_PER_TILE // CB):
            pltpu.sync_copy(rows0, agg_sh.at[pl.ds(base + k * CB, CB)])

        if compute_deg:
            def _zh(i, _):
                hist_v[pl.ds(i * 16, 16)] = zeros16
                return 0
            lax.fori_loop(0, N_PAD // 16, _zh, 0)

        plsc.subcore_barrier()

        pltpu.sync_copy(sd_hbm.at[s, 0], sd0)
        start_gather(sd0, rows0, sg0)
        pltpu.async_copy(sd_hbm.at[s, 1], sd1, si1)
        pltpu.async_copy(sd_hbm.at[s, 2], sd2, si2)

        def _quad(q, _):
            j0 = 4 * q
            notlast = q < QUADS - 1

            wait_idx(j0 + 1, sd1, si1)

            @pl.when(q > 0)
            def _():
                wait_scatter(sd3, rows1, ss1)
            start_gather(sd1, rows1, sg1)
            pltpu.async_copy(sd_hbm.at[s, j0 + 3], sd3, si3)

            wait_gather(sd0, rows0, sg0)
            hist_chunk(sd0)
            start_scatter(sd0, rows0, ss0)

            wait_idx(j0 + 2, sd2, si2)
            wait_scatter(sd0, rows0, ss0)
            start_gather(sd2, rows0, sg0)

            @pl.when(notlast)
            def _():
                pltpu.async_copy(sd_hbm.at[s, j0 + 4], sd0, si0)

            wait_gather(sd1, rows1, sg1)
            hist_chunk(sd1)
            start_scatter(sd1, rows1, ss1)

            wait_idx(j0 + 3, sd3, si3)
            wait_scatter(sd1, rows1, ss1)
            start_gather(sd3, rows1, sg1)

            @pl.when(notlast)
            def _():
                pltpu.async_copy(sd_hbm.at[s, j0 + 5], sd1, si1)

            wait_gather(sd2, rows0, sg0)
            hist_chunk(sd2)
            start_scatter(sd2, rows0, ss0)

            @pl.when(notlast)
            def _():
                wait_idx(j0 + 4, sd0, si0)
                wait_scatter(sd2, rows0, ss0)
                start_gather(sd0, rows0, sg0)
                pltpu.async_copy(sd_hbm.at[s, j0 + 6], sd2, si2)

            wait_gather(sd3, rows1, sg1)
            hist_chunk(sd3)
            start_scatter(sd3, rows1, ss1)
            return 0

        lax.fori_loop(0, QUADS, _quad, 0)

        wait_scatter(sd2, rows0, ss0)
        wait_scatter(sd3, rows1, ss1)

        plsc.subcore_barrier()

        sl = pl.ds(base, ROWS_PER_TILE)

        @pl.when(c == 0)
        def _():
            pltpu.sync_copy(agg_sh.at[sl], agg0_out.at[sl])

        @pl.when(c == 1)
        def _():
            pltpu.sync_copy(agg_sh.at[sl], agg1_out.at[sl])

        if compute_deg:
            @pl.when(c == 0)
            def _():
                pltpu.sync_copy(hist_v, deg_out.at[s])

    return pl.kernel(body, out_type=out_type, mesh=mesh,
                     scratch_types=scratch,
                     compiler_params=pltpu.CompilerParams(
                         needs_layout_passes=False))


_sc_agg_deg = _make_sc_agg(compute_deg=True)
_sc_agg = _make_sc_agg(compute_deg=False)


def _tc_dense(agg0, agg1, deg_parts, h0, h1, w_l, w_r, b, *, relu, split_out):
    grid = (N_PAD // BN,)
    f32 = jnp.float32

    def body(a0, a1, dg, x0, x1, wl, wr, bb, *outs):
        deg = jnp.sum(dg[...], axis=0)[:, None]
        inv = 1.0 / jnp.maximum(deg, 1.0)
        dot = functools.partial(jnp.dot, preferred_element_type=f32,
                                precision=lax.Precision.DEFAULT)
        acc = dot(a0[...] * inv, wl[:DH, :])
        acc += dot(a1[...] * inv, wl[DH:, :])
        acc += dot(x0[...], wr[:DH, :])
        acc += dot(x1[...], wr[DH:, :])
        acc += bb[...]
        if relu:
            acc = jnp.maximum(acc, 0.0)
        if split_out:
            outs[0][...] = acc[:, :DH]
            outs[1][...] = acc[:, DH:]
        else:
            outs[0][...] = acc

    half = pl.BlockSpec((BN, DH), lambda i: (i, 0))
    full_w = pl.BlockSpec((D, D), lambda i: (0, 0))
    in_specs = [half, half, pl.BlockSpec((NSUB, BN), lambda i: (0, i)),
                half, half, full_w, full_w,
                pl.BlockSpec((1, D), lambda i: (0, 0))]
    if split_out:
        out_shape = [jax.ShapeDtypeStruct((N_PAD, DH), f32)] * 2
        out_specs = [half, half]
    else:
        out_shape = jax.ShapeDtypeStruct((N_PAD, D), f32)
        out_specs = pl.BlockSpec((BN, D), lambda i: (i, 0))

    return pl.pallas_call(
        body, grid=grid, in_specs=in_specs, out_specs=out_specs,
        out_shape=out_shape,
    )(agg0, agg1, deg_parts, h0, h1, w_l, w_r, b)


def kernel(x, edge_index, W1_l, W1_r, b1, W2_l, W2_r, b2):
    src = edge_index[0].astype(jnp.int32)
    dst = edge_index[1].astype(jnp.int32)
    pad = E_PAD - E
    src3 = jnp.concatenate([src, jnp.zeros((pad,), jnp.int32)]
                           ).reshape(NSUB, CHUNKS, CB)
    dst3 = jnp.concatenate([dst, jnp.full((pad,), N, jnp.int32)]
                           ).reshape(NSUB, CHUNKS, CB)
    sd3 = jnp.stack([src3, dst3], axis=2)

    xp = jnp.pad(x, ((0, N_PAD - N), (0, 0)))
    x0 = xp[:, :DH]
    x1 = xp[:, DH:]
    b1r = b1.reshape(1, D)
    b2r = b2.reshape(1, D)

    agg0, agg1, deg_parts = _sc_agg_deg(x0, x1, sd3)
    h0, h1 = _tc_dense(agg0, agg1, deg_parts, x0, x1, W1_l, W1_r, b1r,
                       relu=True, split_out=True)
    agg0b, agg1b = _sc_agg(h0, h1, sd3)
    out = _tc_dense(agg0b, agg1b, deg_parts, h0, h1, W2_l, W2_r, b2r,
                    relu=False, split_out=False)
    return out[:N]

# --- scband reference (transcript-rebuilt; emitter-appended) ---
"""Pipeline reference for scband-shared-module-8246337208542 (READ-ONLY COPY).

The authoritative reference and input builder live on the scoring server;
editing this copy changes nothing except your own understanding.
"""

import jax, jax.numpy as jnp
import numpy as np

N = 10000
E = 160000
D = 256


def setup_inputs(seed: int = 0) -> dict:
    key = jax.random.key(seed)
    ks = jax.random.split(key, 10)
    x = jax.random.normal(ks[0], (N, D), dtype=jnp.float32)
    edge_index = jax.random.randint(ks[1], (2, E), 0, N, dtype=jnp.int64)
    s = 1.0 / np.sqrt(D)
    W1_l = jax.random.uniform(ks[2], (D, D), jnp.float32, -s, s)
    W1_r = jax.random.uniform(ks[3], (D, D), jnp.float32, -s, s)
    b1 = jax.random.uniform(ks[4], (D,), jnp.float32, -s, s)
    W2_l = jax.random.uniform(ks[5], (D, D), jnp.float32, -s, s)
    W2_r = jax.random.uniform(ks[6], (D, D), jnp.float32, -s, s)
    b2 = jax.random.uniform(ks[7], (D,), jnp.float32, -s, s)
    return {"x": x, "edge_index": edge_index, "W1_l": W1_l, "W1_r": W1_r, "b1": b1,
            "W2_l": W2_l, "W2_r": W2_r, "b2": b2}


def _sage_conv(x, edge_index, W_l, W_r, b):
    # PyG SAGEConv (mean aggregation): out = lin_l(mean_{j in N(i)} x_j) + lin_r(x_i)
    src = edge_index[0]
    dst = edge_index[1]
    n = x.shape[0]
    msgs = jnp.take(x, src, axis=0)                      # gather (SparseCore)
    agg = jax.ops.segment_sum(msgs, dst, num_segments=n)  # scatter-add
    deg = jax.ops.segment_sum(jnp.ones((msgs.shape[0],), dtype=x.dtype), dst, num_segments=n)
    agg = agg / jnp.clip(deg, 1.0)[:, None]
    return agg @ W_l + x @ W_r + b


def reference(x, edge_index, W1_l, W1_r, b1, W2_l, W2_r, b2):
    # Faithful dense-equivalent of SharedModule.inference: layer-wise full-graph
    # propagation through self.convs with ReLU between layers (not after last).
    h = _sage_conv(x, edge_index, W1_l, W1_r, b1)
    h = jax.nn.relu(h)
    out = _sage_conv(h, edge_index, W2_l, W2_r, b2)
    return out

if __name__ == "__main__":
    import jax
    _d = setup_inputs()
    print(jax.jit(kernel)(*tuple(_d.values())))

</pallas_src>

<mosaic_0001>
#map = affine_map<(d0, d1) -> (0, 0)>
#map1 = affine_map<(d0, d1) -> (0, 0, 0, 0)>
module attributes {stable_mosaic.version = 14 : i64} {
  func.func @body(%arg0: i32, %arg1: i32, %arg2: memref<10240x128xf32, #tpu.memory_space<hbm>>, %arg3: memref<10240x128xf32, #tpu.memory_space<hbm>>, %arg4: memref<16x80x2x128xi32, #tpu.memory_space<hbm>>, %arg5: memref<10240x128xf32, #tpu.memory_space<hbm>>, %arg6: memref<10240x128xf32, #tpu.memory_space<hbm>>, %arg7: memref<2x128xi32, #tpu.memory_space<vmem>>, %arg8: memref<2x128xi32, #tpu.memory_space<vmem>>, %arg9: memref<2x128xi32, #tpu.memory_space<vmem>>, %arg10: memref<2x128xi32, #tpu.memory_space<vmem>>, %arg11: memref<128x128xf32, #tpu.memory_space<vmem>>, %arg12: memref<128x128xf32, #tpu.memory_space<vmem>>, %arg13: memref<10240x128xf32, #tpu.memory_space<vmem_shared>>, %arg14: memref<!tpu.dma_semaphore, #tpu.memory_space<semaphore_mem>>, %arg15: memref<!tpu.dma_semaphore, #tpu.memory_space<semaphore_mem>>, %arg16: memref<!tpu.dma_semaphore, #tpu.memory_space<semaphore_mem>>, %arg17: memref<!tpu.dma_semaphore, #tpu.memory_space<semaphore_mem>>, %arg18: memref<!tpu.dma_semaphore, #tpu.memory_space<semaphore_mem>>, %arg19: memref<!tpu.dma_semaphore, #tpu.memory_space<semaphore_mem>>, %arg20: memref<!tpu.dma_semaphore, #tpu.memory_space<semaphore_mem>>, %arg21: memref<!tpu.dma_semaphore, #tpu.memory_space<semaphore_mem>>) attributes {dimension_semantics = [#tpu.dimension_semantics<core_parallel>, #tpu.dimension_semantics<subcore_parallel>], iteration_bounds = array<i64: 2, 16>, scalar_prefetch = 0 : i64, scratch_operands = 15 : i64, tpu.core_type = #tpu.core_type<sc_vector_subcore>, window_params = [{transform_indices = #map}, {transform_indices = #map}, {transform_indices = #map1}, {transform_indices = #map}, {transform_indices = #map}]} {
    %mul3A = arith.constant 640 : i32
    %mul3A_0 = arith.muli %arg1, %mul3A : i32
    %broadcast_in_dim3A = arith.constant 0.000000e+00 : f32
    %broadcast_in_dim3A_1 = vector.broadcast %broadcast_in_dim3A : f32 to vector<16xf32>
    %broadcast_in_dim3A_2 = arith.constant 1.000000e+00 : f32
    %broadcast_in_dim3A_3 = vector.broadcast %broadcast_in_dim3A_2 : f32 to vector<16xf32>
    %scan3A = arith.constant 0 : i32
    %scan3A_4 = arith.constant 0 : i32
    %scan3A_5 = arith.constant 128 : i32
    %scan3A_6 = arith.addi %scan3A_4, %scan3A_5 : i32
    %scan3A_7 = arith.constant 1 : i32
    %scan3A_8 = scf.for %scan3A_74 = %scan3A_4 to %scan3A_6 step %scan3A_7 iter_args(%scan3A_75 = %scan3A) -> (i32)  : i32 {
      %scan3A_76 = arith.constant 0 : i32
      %scan3A_77 = arith.constant 0 : i32
      %scan3A_78 = arith.constant 8 : i32
      %scan3A_79 = arith.addi %scan3A_77, %scan3A_78 : i32
      %scan3A_80 = arith.constant 1 : i32
      %scan3A_81 = scf.for %scan3A_84 = %scan3A_77 to %scan3A_79 step %scan3A_80 iter_args(%scan3A_85 = %scan3A_76) -> (i32)  : i32 {
        %mul3A_86 = arith.constant 16 : i32
        %mul3A_87 = arith.muli %scan3A_84, %mul3A_86 : i32
        %swap3A = arith.index_cast %scan3A_74 : i32 to index
        %swap3A_88 = arith.index_cast %mul3A_87 : i32 to index
        %swap3A_89 = tpu.vector_load %arg11[%swap3A, %swap3A_88] {strides = array<i32>} : memref<128x128xf32, #tpu.memory_space<vmem>>, vector<16xf32>,
        tpu.vector_store %arg11[%swap3A, %swap3A_88], %broadcast_in_dim3A_1 {strides = array<i32>} : memref<128x128xf32, #tpu.memory_space<vmem>>, vector<16xf32>,
        %scan3A_90 = arith.constant 0 : i32
        scf.yield %scan3A_90 : i32
      }
      %scan3A_82 = arith.constant 8 : i32
      %scan3A_83 = arith.constant 0 : i32
      scf.yield %scan3A_83 : i32
    }
    %scan3A_9 = arith.constant 128 : i32
    %add3A = arith.constant 0 : i32
    %add3A_10 = arith.addi %mul3A_0, %add3A : i32
    "tpu.region"() ({
      %run_scoped3A_74 = tpu.sem_alloc : memref<!tpu.dma_semaphore, #tpu.memory_space<semaphore_mem>>
      %dma_start3A_75 = arith.constant 0 : i32
      %dma_start3A_76 = tpu.memref_slice %arg13[%add3A_10, %dma_start3A_75] : memref<10240x128xf32, #tpu.memory_space<vmem_shared>> -> memref<128x128xf32, #tpu.memory_space<vmem_shared>>
      %dma_start3A_77 = arith.constant 0 : i32
      %dma_start3A_78 = tpu.memref_slice %arg13[%add3A_10, %dma_start3A_77] : memref<10240x128xf32, #tpu.memory_space<vmem_shared>> -> memref<128x128xf32, #tpu.memory_space<vmem_shared>>
      tpu.enqueue_dma source(%arg11 : memref<128x128xf32, #tpu.memory_space<vmem>>) target(%dma_start3A_78 : memref<128x128xf32, #tpu.memory_space<vmem_shared>>) target_semaphore(%run_scoped3A_74 : memref<!tpu.dma_semaphore, #tpu.memory_space<semaphore_mem>>)
      %dma_wait3A_79 = arith.constant 0 : i32
      %dma_wait3A_80 = tpu.memref_slice %arg13[%add3A_10, %dma_wait3A_79] : memref<10240x128xf32, #tpu.memory_space<vmem_shared>> -> memref<128x128xf32, #tpu.memory_space<vmem_shared>>
      %dma_wait3A_81 = arith.constant 0 : i32
      %dma_wait3A_82 = tpu.memref_slice %arg13[%add3A_10, %dma_wait3A_81] : memref<10240x128xf32, #tpu.memory_space<vmem_shared>> -> memref<128x128xf32, #tpu.memory_space<vmem_shared>>
      tpu.wait_dma2 semaphore(%run_scoped3A_74 : memref<!tpu.dma_semaphore, #tpu.memory_space<semaphore_mem>>) src(%arg11 : memref<128x128xf32, #tpu.memory_space<vmem>>) dst(%dma_wait3A_82 : memref<128x128xf32, #tpu.memory_space<vmem_shared>>)
      tpu.yield
    }) : () -> ()
    %add3A_11 = arith.constant 128 : i32
    %add3A_12 = arith.addi %mul3A_0, %add3A_11 : i32
    "tpu.region"() ({
      %run_scoped3A_74 = tpu.sem_alloc : memref<!tpu.dma_semaphore, #tpu.memory_space<semaphore_mem>>
      %dma_start3A_75 = arith.constant 0 : i32
      %dma_start3A_76 = tpu.memref_slice %arg13[%add3A_12, %dma_start3A_75] : memref<10240x128xf32, #tpu.memory_space<vmem_shared>> -> memref<128x128xf32, #tpu.memory_space<vmem_shared>>
      %dma_start3A_77 = arith.constant 0 : i32
      %dma_start3A_78 = tpu.memref_slice %arg13[%add3A_12, %dma_start3A_77] : memref<10240x128xf32, #tpu.memory_space<vmem_shared>> -> memref<128x128xf32, #tpu.memory_space<vmem_shared>>
      tpu.enqueue_dma source(%arg11 : memref<128x128xf32, #tpu.memory_space<vmem>>) target(%dma_start3A_78 : memref<128x128xf32, #tpu.memory_space<vmem_shared>>) target_semaphore(%run_scoped3A_74 : memref<!tpu.dma_semaphore, #tpu.memory_space<semaphore_mem>>)
      %dma_wait3A_79 = arith.constant 0 : i32
      %dma_wait3A_80 = tpu.memref_slice %arg13[%add3A_12, %dma_wait3A_79] : memref<10240x128xf32, #tpu.memory_space<vmem_shared>> -> memref<128x128xf32, #tpu.memory_space<vmem_shared>>
      %dma_wait3A_81 = arith.constant 0 : i32
      %dma_wait3A_82 = tpu.memref_slice %arg13[%add3A_12, %dma_wait3A_81] : memref<10240x128xf32, #tpu.memory_space<vmem_shared>> -> memref<128x128xf32, #tpu.memory_space<vmem_shared>>
      tpu.wait_dma2 semaphore(%run_scoped3A_74 : memref<!tpu.dma_semaphore, #tpu.memory_space<semaphore_mem>>) src(%arg11 : memref<128x128xf32, #tpu.memory_space<vmem>>) dst(%dma_wait3A_82 : memref<128x128xf32, #tpu.memory_space<vmem_shared>>)
      tpu.yield
    }) : () -> ()
    %add3A_13 = arith.constant 256 : i32
    %add3A_14 = arith.addi %mul3A_0, %add3A_13 : i32
    "tpu.region"() ({
      %run_scoped3A_74 = tpu.sem_alloc : memref<!tpu.dma_semaphore, #tpu.memory_space<semaphore_mem>>
      %dma_start3A_75 = arith.constant 0 : i32
      %dma_start3A_76 = tpu.memref_slice %arg13[%add3A_14, %dma_start3A_75] : memref<10240x128xf32, #tpu.memory_space<vmem_shared>> -> memref<128x128xf32, #tpu.memory_space<vmem_shared>>
      %dma_start3A_77 = arith.constant 0 : i32
      %dma_start3A_78 = tpu.memref_slice %arg13[%add3A_14, %dma_start3A_77] : memref<10240x128xf32, #tpu.memory_space<vmem_shared>> -> memref<128x128xf32, #tpu.memory_space<vmem_shared>>
      tpu.enqueue_dma source(%arg11 : memref<128x128xf32, #tpu.memory_space<vmem>>) target(%dma_start3A_78 : memref<128x128xf32, #tpu.memory_space<vmem_shared>>) target_semaphore(%run_scoped3A_74 : memref<!tpu.dma_semaphore, #tpu.memory_space<semaphore_mem>>)
      %dma_wait3A_79 = arith.constant 0 : i32
      %dma_wait3A_80 = tpu.memref_slice %arg13[%add3A_14, %dma_wait3A_79] : memref<10240x128xf32, #tpu.memory_space<vmem_shared>> -> memref<128x128xf32, #tpu.memory_space<vmem_shared>>
      %dma_wait3A_81 = arith.constant 0 : i32
      %dma_wait3A_82 = tpu.memref_slice %arg13[%add3A_14, %dma_wait3A_81] : memref<10240x128xf32, #tpu.memory_space<vmem_shared>> -> memref<128x128xf32, #tpu.memory_space<vmem_shared>>
      tpu.wait_dma2 semaphore(%run_scoped3A_74 : memref<!tpu.dma_semaphore, #tpu.memory_space<semaphore_mem>>) src(%arg11 : memref<128x128xf32, #tpu.memory_space<vmem>>) dst(%dma_wait3A_82 : memref<128x128xf32, #tpu.memory_space<vmem_shared>>)
      tpu.yield
    }) : () -> ()
    %add3A_15 = arith.constant 384 : i32
    %add3A_16 = arith.addi %mul3A_0, %add3A_15 : i32
    "tpu.region"() ({
      %run_scoped3A_74 = tpu.sem_alloc : memref<!tpu.dma_semaphore, #tpu.memory_space<semaphore_mem>>
      %dma_start3A_75 = arith.constant 0 : i32
      %dma_start3A_76 = tpu.memref_slice %arg13[%add3A_16, %dma_start3A_75] : memref<10240x128xf32, #tpu.memory_space<vmem_shared>> -> memref<128x128xf32, #tpu.memory_space<vmem_shared>>
      %dma_start3A_77 = arith.constant 0 : i32
      %dma_start3A_78 = tpu.memref_slice %arg13[%add3A_16, %dma_start3A_77] : memref<10240x128xf32, #tpu.memory_space<vmem_shared>> -> memref<128x128xf32, #tpu.memory_space<vmem_shared>>
      tpu.enqueue_dma source(%arg11 : memref<128x128xf32, #tpu.memory_space<vmem>>) target(%dma_start3A_78 : memref<128x128xf32, #tpu.memory_space<vmem_shared>>) target_semaphore(%run_scoped3A_74 : memref<!tpu.dma_semaphore, #tpu.memory_space<semaphore_mem>>)
      %dma_wait3A_79 = arith.constant 0 : i32
      %dma_wait3A_80 = tpu.memref_slice %arg13[%add3A_16, %dma_wait3A_79] : memref<10240x128xf32, #tpu.memory_space<vmem_shared>> -> memref<128x128xf32, #tpu.memory_space<vmem_shared>>
      %dma_wait3A_81 = arith.constant 0 : i32
      %dma_wait3A_82 = tpu.memref_slice %arg13[%add3A_16, %dma_wait3A_81] : memref<10240x128xf32, #tpu.memory_space<vmem_shared>> -> memref<128x128xf32, #tpu.memory_space<vmem_shared>>
      tpu.wait_dma2 semaphore(%run_scoped3A_74 : memref<!tpu.dma_semaphore, #tpu.memory_space<semaphore_mem>>) src(%arg11 : memref<128x128xf32, #tpu.memory_space<vmem>>) dst(%dma_wait3A_82 : memref<128x128xf32, #tpu.memory_space<vmem_shared>>)
      tpu.yield
    }) : () -> ()
    %add3A_17 = arith.constant 512 : i32
    %add3A_18 = arith.addi %mul3A_0, %add3A_17 : i32
    "tpu.region"() ({
      %run_scoped3A_74 = tpu.sem_alloc : memref<!tpu.dma_semaphore, #tpu.memory_space<semaphore_mem>>
      %dma_start3A_75 = arith.constant 0 : i32
      %dma_start3A_76 = tpu.memref_slice %arg13[%add3A_18, %dma_start3A_75] : memref<10240x128xf32, #tpu.memory_space<vmem_shared>> -> memref<128x128xf32, #tpu.memory_space<vmem_shared>>
      %dma_start3A_77 = arith.constant 0 : i32
      %dma_start3A_78 = tpu.memref_slice %arg13[%add3A_18, %dma_start3A_77] : memref<10240x128xf32, #tpu.memory_space<vmem_shared>> -> memref<128x128xf32, #tpu.memory_space<vmem_shared>>
      tpu.enqueue_dma source(%arg11 : memref<128x128xf32, #tpu.memory_space<vmem>>) target(%dma_start3A_78 : memref<128x128xf32, #tpu.memory_space<vmem_shared>>) target_semaphore(%run_scoped3A_74 : memref<!tpu.dma_semaphore, #tpu.memory_space<semaphore_mem>>)
      %dma_wait3A_79 = arith.constant 0 : i32
      %dma_wait3A_80 = tpu.memref_slice %arg13[%add3A_18, %dma_wait3A_79] : memref<10240x128xf32, #tpu.memory_space<vmem_shared>> -> memref<128x128xf32, #tpu.memory_space<vmem_shared>>
      %dma_wait3A_81 = arith.constant 0 : i32
      %dma_wait3A_82 = tpu.memref_slice %arg13[%add3A_18, %dma_wait3A_81] : memref<10240x128xf32, #tpu.memory_space<vmem_shared>> -> memref<128x128xf32, #tpu.memory_space<vmem_shared>>
      tpu.wait_dma2 semaphore(%run_scoped3A_74 : memref<!tpu.dma_semaphore, #tpu.memory_space<semaphore_mem>>) src(%arg11 : memref<128x128xf32, #tpu.memory_space<vmem>>) dst(%dma_wait3A_82 : memref<128x128xf32, #tpu.memory_space<vmem_shared>>)
      tpu.yield
    }) : () -> ()
    %barrier3A = arith.constant 0 : index
    tpu.barrier barrier_id(%barrier3A)
    %run_scoped3A = arith.constant 0 : i32
    "tpu.region"() ({
      %run_scoped3A_74 = tpu.sem_alloc : memref<!tpu.dma_semaphore, #tpu.memory_space<semaphore_mem>>
      %dma_start3A_75 = arith.constant 0 : i32
      %dma_start3A_76 = arith.constant 0 : i32
      %dma_start3A_77 = tpu.memref_slice %arg4[%arg1, %run_scoped3A, %dma_start3A_75, %dma_start3A_76] : memref<16x80x2x128xi32, #tpu.memory_space<hbm>> -> memref<1x1x2x128xi32, #tpu.memory_space<hbm>>
      %dma_start3A_78 = tpu.memref_squeeze %dma_start3A_77 : memref<1x1x2x128xi32, #tpu.memory_space<hbm>> -> memref<2x128xi32, #tpu.memory_space<hbm>>
      %dma_start3A_79 = arith.constant 0 : i32
      %dma_start3A_80 = arith.constant 0 : i32
      %dma_start3A_81 = tpu.memref_slice %arg4[%arg1, %run_scoped3A, %dma_start3A_79, %dma_start3A_80] : memref<16x80x2x128xi32, #tpu.memory_space<hbm>> -> memref<1x1x2x128xi32, #tpu.memory_space<hbm>>
      %dma_start3A_82 = tpu.memref_squeeze %dma_start3A_81 : memref<1x1x2x128xi32, #tpu.memory_space<hbm>> -> memref<2x128xi32, #tpu.memory_space<hbm>>
      tpu.enqueue_dma source(%dma_start3A_82 : memref<2x128xi32, #tpu.memory_space<hbm>>) target(%arg7 : memref<2x128xi32, #tpu.memory_space<vmem>>) target_semaphore(%run_scoped3A_74 : memref<!tpu.dma_semaphore, #tpu.memory_space<semaphore_mem>>)
      %dma_wait3A_83 = arith.constant 0 : i32
      %dma_wait3A_84 = arith.constant 0 : i32
      %dma_wait3A_85 = tpu.memref_slice %arg4[%arg1, %run_scoped3A, %dma_wait3A_83, %dma_wait3A_84] : memref<16x80x2x128xi32, #tpu.memory_space<hbm>> -> memref<1x1x2x128xi32, #tpu.memory_space<hbm>>
      %dma_wait3A_86 = tpu.memref_squeeze %dma_wait3A_85 : memref<1x1x2x128xi32, #tpu.memory_space<hbm>> -> memref<2x128xi32, #tpu.memory_space<hbm>>
      %dma_wait3A_87 = arith.constant 0 : i32
      %dma_wait3A_88 = arith.constant 0 : i32
      %dma_wait3A_89 = tpu.memref_slice %arg4[%arg1, %run_scoped3A, %dma_wait3A_87, %dma_wait3A_88] : memref<16x80x2x128xi32, #tpu.memory_space<hbm>> -> memref<1x1x2x128xi32, #tpu.memory_space<hbm>>
      %dma_wait3A_90 = tpu.memref_squeeze %dma_wait3A_89 : memref<1x1x2x128xi32, #tpu.memory_space<hbm>> -> memref<2x128xi32, #tpu.memory_space<hbm>>
      tpu.wait_dma2 semaphore(%run_scoped3A_74 : memref<!tpu.dma_semaphore, #tpu.memory_space<semaphore_mem>>) src(%dma_wait3A_90 : memref<2x128xi32, #tpu.memory_space<hbm>>) dst(%arg7 : memref<2x128xi32, #tpu.memory_space<vmem>>)
      tpu.yield
    }) : () -> ()
    %eq3A = arith.constant 0 : i32
    %eq3A_19 = arith.cmpi eq, %arg0, %eq3A : i32
    %convert_element_type3A = arith.extui %eq3A_19 : i1 to i32
    %cond3A = arith.constant 0 : i32
    %cond3A_20 = arith.cmpi ne, %convert_element_type3A, %cond3A : i32
    scf.if %cond3A_20 {
      %dma_start3A_74 = arith.constant 0 : i32
      %dma_start3A_75 = arith.constant 0 : i32
      %dma_start3A_76 = tpu.memref_slice %arg7[%dma_start3A_74, %dma_start3A_75] : memref<2x128xi32, #tpu.memory_space<vmem>> -> memref<1x128xi32, #tpu.memory_space<vmem>>
      %dma_start3A_77 = tpu.memref_squeeze %dma_start3A_76 : memref<1x128xi32, #tpu.memory_space<vmem>> -> memref<128xi32, #tpu.memory_space<vmem>>
      %dma_start3A_78 = arith.constant 0 : i32
      %dma_start3A_79 = arith.constant 0 : i32
      %dma_start3A_80 = tpu.memref_slice %arg2[%dma_start3A_78, %dma_start3A_79] : memref<10240x128xf32, #tpu.memory_space<hbm>> -> memref<10240x128xf32, #tpu.memory_space<hbm>>
      tpu.enqueue_indirect_dma source(%dma_start3A_80 : memref<10240x128xf32, #tpu.memory_space<hbm>>) target(%arg11 : memref<128x128xf32, #tpu.memory_space<vmem>>) offsets(%dma_start3A_77 : memref<128xi32, #tpu.memory_space<vmem>>) semaphore(%arg18 : memref<!tpu.dma_semaphore, #tpu.memory_space<semaphore_mem>>)
    } else {
    }
    %eq3A_21 = arith.constant 1 : i32
    %eq3A_22 = arith.cmpi eq, %arg0, %eq3A_21 : i32
    %convert_element_type3A_23 = arith.extui %eq3A_22 : i1 to i32
    %cond3A_24 = arith.constant 0 : i32
    %cond3A_25 = arith.cmpi ne, %convert_element_type3A_23, %cond3A_24 : i32
    scf.if %cond3A_25 {
      %dma_start3A_74 = arith.constant 0 : i32
      %dma_start3A_75 = arith.constant 0 : i32
      %dma_start3A_76 = tpu.memref_slice %arg7[%dma_start3A_74, %dma_start3A_75] : memref<2x128xi32, #tpu.memory_space<vmem>> -> memref<1x128xi32, #tpu.memory_space<vmem>>
      %dma_start3A_77 = tpu.memref_squeeze %dma_start3A_76 : memref<1x128xi32, #tpu.memory_space<vmem>> -> memref<128xi32, #tpu.memory_space<vmem>>
      %dma_start3A_78 = arith.constant 0 : i32
      %dma_start3A_79 = arith.constant 0 : i32
      %dma_start3A_80 = tpu.memref_slice %arg3[%dma_start3A_78, %dma_start3A_79] : memref<10240x128xf32, #tpu.memory_space<hbm>> -> memref<10240x128xf32, #tpu.memory_space<hbm>>
      tpu.enqueue_indirect_dma source(%dma_start3A_80 : memref<10240x128xf32, #tpu.memory_space<hbm>>) target(%arg11 : memref<128x128xf32, #tpu.memory_space<vmem>>) offsets(%dma_start3A_77 : memref<128xi32, #tpu.memory_space<vmem>>) semaphore(%arg18 : memref<!tpu.dma_semaphore, #tpu.memory_space<semaphore_mem>>)
    } else {
    }
    %dma_start3A = arith.constant 1 : i32
    %dma_start3A_26 = arith.constant 0 : i32
    %dma_start3A_27 = arith.constant 0 : i32
    %dma_start3A_28 = tpu.memref_slice %arg4[%arg1, %dma_start3A, %dma_start3A_26, %dma_start3A_27] : memref<16x80x2x128xi32, #tpu.memory_space<hbm>> -> memref<1x1x2x128xi32, #tpu.memory_space<hbm>>
    %dma_start3A_29 = tpu.memref_squeeze %dma_start3A_28 : memref<1x1x2x128xi32, #tpu.memory_space<hbm>> -> memref<2x128xi32, #tpu.memory_space<hbm>>
    %dma_start3A_30 = arith.constant 0 : i32
    %dma_start3A_31 = arith.constant 0 : i32
    %dma_start3A_32 = tpu.memref_slice %arg4[%arg1, %dma_start3A, %dma_start3A_30, %dma_start3A_31] : memref<16x80x2x128xi32, #tpu.memory_space<hbm>> -> memref<1x1x2x128xi32, #tpu.memory_space<hbm>>
    %dma_start3A_33 = tpu.memref_squeeze %dma_start3A_32 : memref<1x1x2x128xi32, #tpu.memory_space<hbm>> -> memref<2x128xi32, #tpu.memory_space<hbm>>
    tpu.enqueue_dma source(%dma_start3A_33 : memref<2x128xi32, #tpu.memory_space<hbm>>) target(%arg8 : memref<2x128xi32, #tpu.memory_space<vmem>>) target_semaphore(%arg15 : memref<!tpu.dma_semaphore, #tpu.memory_space<semaphore_mem>>)
    %dma_start3A_34 = arith.constant 2 : i32
    %dma_start3A_35 = arith.constant 0 : i32
    %dma_start3A_36 = arith.constant 0 : i32
    %dma_start3A_37 = tpu.memref_slice %arg4[%arg1, %dma_start3A_34, %dma_start3A_35, %dma_start3A_36] : memref<16x80x2x128xi32, #tpu.memory_space<hbm>> -> memref<1x1x2x128xi32, #tpu.memory_space<hbm>>
    %dma_start3A_38 = tpu.memref_squeeze %dma_start3A_37 : memref<1x1x2x128xi32, #tpu.memory_space<hbm>> -> memref<2x128xi32, #tpu.memory_space<hbm>>
    %dma_start3A_39 = arith.constant 0 : i32
    %dma_start3A_40 = arith.constant 0 : i32
    %dma_start3A_41 = tpu.memref_slice %arg4[%arg1, %dma_start3A_34, %dma_start3A_39, %dma_start3A_40] : memref<16x80x2x128xi32, #tpu.memory_space<hbm>> -> memref<1x1x2x128xi32, #tpu.memory_space<hbm>>
    %dma_start3A_42 = tpu.memref_squeeze %dma_start3A_41 : memref<1x1x2x128xi32, #tpu.memory_space<hbm>> -> memref<2x128xi32, #tpu.memory_space<hbm>>
    tpu.enqueue_dma source(%dma_start3A_42 : memref<2x128xi32, #tpu.memory_space<hbm>>) target(%arg9 : memref<2x128xi32, #tpu.memory_space<vmem>>) target_semaphore(%arg16 : memref<!tpu.dma_semaphore, #tpu.memory_space<semaphore_mem>>)
    %scan3A_43 = arith.constant 0 : i32
    %scan3A_44 = arith.constant 0 : i32
    %scan3A_45 = arith.constant 20 : i32
    %scan3A_46 = arith.addi %scan3A_44, %scan3A_45 : i32
    %scan3A_47 = arith.constant 1 : i32
    %scan3A_48 = scf.for %scan3A_74 = %scan3A_44 to %scan3A_46 step %scan3A_47 iter_args(%scan3A_75 = %scan3A_43) -> (i32)  : i32 {
      %mul3A_76 = arith.constant 4 : i32
      %mul3A_77 = arith.muli %mul3A_76, %scan3A_74 : i32
      %lt3A = arith.constant 19 : i32
      %lt3A_78 = arith.cmpi slt, %scan3A_74, %lt3A : i32
      %add3A_79 = arith.constant 1 : i32
      %add3A_80 = arith.addi %mul3A_77, %add3A_79 : i32
      %dma_wait3A_81 = arith.constant 0 : i32
      %dma_wait3A_82 = arith.constant 0 : i32
      %dma_wait3A_83 = tpu.memref_slice %arg4[%arg1, %add3A_80, %dma_wait3A_81, %dma_wait3A_82] : memref<16x80x2x128xi32, #tpu.memory_space<hbm>> -> memref<1x1x2x128xi32, #tpu.memory_space<hbm>>
      %dma_wait3A_84 = tpu.memref_squeeze %dma_wait3A_83 : memref<1x1x2x128xi32, #tpu.memory_space<hbm>> -> memref<2x128xi32, #tpu.memory_space<hbm>>
      %dma_wait3A_85 = arith.constant 0 : i32
      %dma_wait3A_86 = arith.constant 0 : i32
      %dma_wait3A_87 = tpu.memref_slice %arg4[%arg1, %add3A_80, %dma_wait3A_85, %dma_wait3A_86] : memref<16x80x2x128xi32, #tpu.memory_space<hbm>> -> memref<1x1x2x128xi32, #tpu.memory_space<hbm>>
      %dma_wait3A_88 = tpu.memref_squeeze %dma_wait3A_87 : memref<1x1x2x128xi32, #tpu.memory_space<hbm>> -> memref<2x128xi32, #tpu.memory_space<hbm>>
      tpu.wait_dma2 semaphore(%arg15 : memref<!tpu.dma_semaphore, #tpu.memory_space<semaphore_mem>>) src(%dma_wait3A_88 : memref<2x128xi32, #tpu.memory_space<hbm>>) dst(%arg8 : memref<2x128xi32, #tpu.memory_space<vmem>>)
      %gt3A = arith.constant 0 : i32
      %gt3A_89 = arith.cmpi sgt, %scan3A_74, %gt3A : i32
      %convert_element_type3A_90 = arith.extui %gt3A_89 : i1 to i32
      %cond3A_91 = arith.constant 0 : i32
      %cond3A_92 = arith.cmpi ne, %convert_element_type3A_90, %cond3A_91 : i32
      scf.if %cond3A_92 {
        %dma_wait3A_233 = arith.constant 1 : i32
        %dma_wait3A_234 = arith.constant 0 : i32
        %dma_wait3A_235 = tpu.memref_slice %arg10[%dma_wait3A_233, %dma_wait3A_234] : memref<2x128xi32, #tpu.memory_space<vmem>> -> memref<1x128xi32, #tpu.memory_space<vmem>>
        %dma_wait3A_236 = tpu.memref_squeeze %dma_wait3A_235 : memref<1x128xi32, #tpu.memory_space<vmem>> -> memref<128xi32, #tpu.memory_space<vmem>>
        %dma_wait3A_237 = arith.constant 0 : i32
        %dma_wait3A_238 = arith.constant 0 : i32
        %dma_wait3A_239 = tpu.memref_slice %arg13[%dma_wait3A_237, %dma_wait3A_238] : memref<10240x128xf32, #tpu.memory_space<vmem_shared>> -> memref<10240x128xf32, #tpu.memory_space<vmem_shared>>
        tpu.wait_indirect_dma semaphore(%arg21 : memref<!tpu.dma_semaphore, #tpu.memory_space<semaphore_mem>>) src(%arg12 : memref<128x128xf32, #tpu.memory_space<vmem>>) dst(%dma_wait3A_239 : memref<10240x128xf32, #tpu.memory_space<vmem_shared>>)
      } else {
      }
      %eq3A_93 = arith.constant 0 : i32
      %eq3A_94 = arith.cmpi eq, %arg0, %eq3A_93 : i32
      %convert_element_type3A_95 = arith.extui %eq3A_94 : i1 to i32
      %cond3A_96 = arith.constant 0 : i32
      %cond3A_97 = arith.cmpi ne, %convert_element_type3A_95, %cond3A_96 : i32
      scf.if %cond3A_97 {
        %dma_start3A_233 = arith.constant 0 : i32
        %dma_start3A_234 = arith.constant 0 : i32
        %dma_start3A_235 = tpu.memref_slice %arg8[%dma_start3A_233, %dma_start3A_234] : memref<2x128xi32, #tpu.memory_space<vmem>> -> memref<1x128xi32, #tpu.memory_space<vmem>>
        %dma_start3A_236 = tpu.memref_squeeze %dma_start3A_235 : memref<1x128xi32, #tpu.memory_space<vmem>> -> memref<128xi32, #tpu.memory_space<vmem>>
        %dma_start3A_237 = arith.constant 0 : i32
        %dma_start3A_238 = arith.constant 0 : i32
        %dma_start3A_239 = tpu.memref_slice %arg2[%dma_start3A_237, %dma_start3A_238] : memref<10240x128xf32, #tpu.memory_space<hbm>> -> memref<10240x128xf32, #tpu.memory_space<hbm>>
        tpu.enqueue_indirect_dma source(%dma_start3A_239 : memref<10240x128xf32, #tpu.memory_space<hbm>>) target(%arg12 : memref<128x128xf32, #tpu.memory_space<vmem>>) offsets(%dma_start3A_236 : memref<128xi32, #tpu.memory_space<vmem>>) semaphore(%arg19 : memref<!tpu.dma_semaphore, #tpu.memory_space<semaphore_mem>>)
      } else {
      }
      %eq3A_98 = arith.constant 1 : i32
      %eq3A_99 = arith.cmpi eq, %arg0, %eq3A_98 : i32
      %convert_element_type3A_100 = arith.extui %eq3A_99 : i1 to i32
      %cond3A_101 = arith.constant 0 : i32
      %cond3A_102 = arith.cmpi ne, %convert_element_type3A_100, %cond3A_101 : i32
      scf.if %cond3A_102 {
        %dma_start3A_233 = arith.constant 0 : i32
        %dma_start3A_234 = arith.constant 0 : i32
        %dma_start3A_235 = tpu.memref_slice %arg8[%dma_start3A_233, %dma_start3A_234] : memref<2x128xi32, #tpu.memory_space<vmem>> -> memref<1x128xi32, #tpu.memory_space<vmem>>
        %dma_start3A_236 = tpu.memref_squeeze %dma_start3A_235 : memref<1x128xi32, #tpu.memory_space<vmem>> -> memref<128xi32, #tpu.memory_space<vmem>>
        %dma_start3A_237 = arith.constant 0 : i32
        %dma_start3A_238 = arith.constant 0 : i32
        %dma_start3A_239 = tpu.memref_slice %arg3[%dma_start3A_237, %dma_start3A_238] : memref<10240x128xf32, #tpu.memory_space<hbm>> -> memref<10240x128xf32, #tpu.memory_space<hbm>>
        tpu.enqueue_indirect_dma source(%dma_start3A_239 : memref<10240x128xf32, #tpu.memory_space<hbm>>) target(%arg12 : memref<128x128xf32, #tpu.memory_space<vmem>>) offsets(%dma_start3A_236 : memref<128xi32, #tpu.memory_space<vmem>>) semaphore(%arg19 : memref<!tpu.dma_semaphore, #tpu.memory_space<semaphore_mem>>)
      } else {
      }
      %add3A_103 = arith.constant 3 : i32
      %add3A_104 = arith.addi %mul3A_77, %add3A_103 : i32
      %dma_start3A_105 = arith.constant 0 : i32
      %dma_start3A_106 = arith.constant 0 : i32
      %dma_start3A_107 = tpu.memref_slice %arg4[%arg1, %add3A_104, %dma_start3A_105, %dma_start3A_106] : memref<16x80x2x128xi32, #tpu.memory_space<hbm>> -> memref<1x1x2x128xi32, #tpu.memory_space<hbm>>
      %dma_start3A_108 = tpu.memref_squeeze %dma_start3A_107 : memref<1x1x2x128xi32, #tpu.memory_space<hbm>> -> memref<2x128xi32, #tpu.memory_space<hbm>>
      %dma_start3A_109 = arith.constant 0 : i32
      %dma_start3A_110 = arith.constant 0 : i32
      %dma_start3A_111 = tpu.memref_slice %arg4[%arg1, %add3A_104, %dma_start3A_109, %dma_start3A_110] : memref<16x80x2x128xi32, #tpu.memory_space<hbm>> -> memref<1x1x2x128xi32, #tpu.memory_space<hbm>>
      %dma_start3A_112 = tpu.memref_squeeze %dma_start3A_111 : memref<1x1x2x128xi32, #tpu.memory_space<hbm>> -> memref<2x128xi32, #tpu.memory_space<hbm>>
      tpu.enqueue_dma source(%dma_start3A_112 : memref<2x128xi32, #tpu.memory_space<hbm>>) target(%arg10 : memref<2x128xi32, #tpu.memory_space<vmem>>) target_semaphore(%arg17 : memref<!tpu.dma_semaphore, #tpu.memory_space<semaphore_mem>>)
      %dma_wait3A_113 = arith.constant 0 : i32
      %dma_wait3A_114 = arith.constant 0 : i32
      %dma_wait3A_115 = tpu.memref_slice %arg7[%dma_wait3A_113, %dma_wait3A_114] : memref<2x128xi32, #tpu.memory_space<vmem>> -> memref<1x128xi32, #tpu.memory_space<vmem>>
      %dma_wait3A_116 = tpu.memref_squeeze %dma_wait3A_115 : memref<1x128xi32, #tpu.memory_space<vmem>> -> memref<128xi32, #tpu.memory_space<vmem>>
      %dma_wait3A_117 = arith.constant 0 : i32
      %dma_wait3A_118 = arith.constant 0 : i32
      %dma_wait3A_119 = tpu.memref_slice %arg2[%dma_wait3A_117, %dma_wait3A_118] : memref<10240x128xf32, #tpu.memory_space<hbm>> -> memref<10240x128xf32, #tpu.memory_space<hbm>>
      tpu.wait_indirect_dma semaphore(%arg18 : memref<!tpu.dma_semaphore, #tpu.memory_space<semaphore_mem>>) src(%dma_wait3A_119 : memref<10240x128xf32, #tpu.memory_space<hbm>>) dst(%arg11 : memref<128x128xf32, #tpu.memory_space<vmem>>)
      %dma_start3A_120 = arith.constant 1 : i32
      %dma_start3A_121 = arith.constant 0 : i32
      %dma_start3A_122 = tpu.memref_slice %arg7[%dma_start3A_120, %dma_start3A_121] : memref<2x128xi32, #tpu.memory_space<vmem>> -> memref<1x128xi32, #tpu.memory_space<vmem>>
      %dma_start3A_123 = tpu.memref_squeeze %dma_start3A_122 : memref<1x128xi32, #tpu.memory_space<vmem>> -> memref<128xi32, #tpu.memory_space<vmem>>
      %dma_start3A_124 = arith.constant 0 : i32
      %dma_start3A_125 = arith.constant 0 : i32
      %dma_start3A_126 = tpu.memref_slice %arg13[%dma_start3A_124, %dma_start3A_125] : memref<10240x128xf32, #tpu.memory_space<vmem_shared>> -> memref<10240x128xf32, #tpu.memory_space<vmem_shared>>
      tpu.enqueue_indirect_dma source(%arg11 : memref<128x128xf32, #tpu.memory_space<vmem>>) target(%dma_start3A_126 : memref<10240x128xf32, #tpu.memory_space<vmem_shared>>) offsets(%dma_start3A_123 : memref<128xi32, #tpu.memory_space<vmem>>) semaphore(%arg20 : memref<!tpu.dma_semaphore, #tpu.memory_space<semaphore_mem>>) {add = true}
      %add3A_127 = arith.constant 2 : i32
      %add3A_128 = arith.addi %mul3A_77, %add3A_127 : i32
      %dma_wait3A_129 = arith.constant 0 : i32
      %dma_wait3A_130 = arith.constant 0 : i32
      %dma_wait3A_131 = tpu.memref_slice %arg4[%arg1, %add3A_128, %dma_wait3A_129, %dma_wait3A_130] : memref<16x80x2x128xi32, #tpu.memory_space<hbm>> -> memref<1x1x2x128xi32, #tpu.memory_space<hbm>>
      %dma_wait3A_132 = tpu.memref_squeeze %dma_wait3A_131 : memref<1x1x2x128xi32, #tpu.memory_space<hbm>> -> memref<2x128xi32, #tpu.memory_space<hbm>>
      %dma_wait3A_133 = arith.constant 0 : i32
      %dma_wait3A_134 = arith.constant 0 : i32
      %dma_wait3A_135 = tpu.memref_slice %arg4[%arg1, %add3A_128, %dma_wait3A_133, %dma_wait3A_134] : memref<16x80x2x128xi32, #tpu.memory_space<hbm>> -> memref<1x1x2x128xi32, #tpu.memory_space<hbm>>
      %dma_wait3A_136 = tpu.memref_squeeze %dma_wait3A_135 : memref<1x1x2x128xi32, #tpu.memory_space<hbm>> -> memref<2x128xi32, #tpu.memory_space<hbm>>
      tpu.wait_dma2 semaphore(%arg16 : memref<!tpu.dma_semaphore, #tpu.memory_space<semaphore_mem>>) src(%dma_wait3A_136 : memref<2x128xi32, #tpu.memory_space<hbm>>) dst(%arg9 : memref<2x128xi32, #tpu.memory_space<vmem>>)
      %dma_wait3A_137 = arith.constant 1 : i32
      %dma_wait3A_138 = arith.constant 0 : i32
      %dma_wait3A_139 = tpu.memref_slice %arg7[%dma_wait3A_137, %dma_wait3A_138] : memref<2x128xi32, #tpu.memory_space<vmem>> -> memref<1x128xi32, #tpu.memory_space<vmem>>
      %dma_wait3A_140 = tpu.memref_squeeze %dma_wait3A_139 : memref<1x128xi32, #tpu.memory_space<vmem>> -> memref<128xi32, #tpu.memory_space<vmem>>
      %dma_wait3A_141 = arith.constant 0 : i32
      %dma_wait3A_142 = arith.constant 0 : i32
      %dma_wait3A_143 = tpu.memref_slice %arg13[%dma_wait3A_141, %dma_wait3A_142] : memref<10240x128xf32, #tpu.memory_space<vmem_shared>> -> memref<10240x128xf32, #tpu.memory_space<vmem_shared>>
      tpu.wait_indirect_dma semaphore(%arg20 : memref<!tpu.dma_semaphore, #tpu.memory_space<semaphore_mem>>) src(%arg11 : memref<128x128xf32, #tpu.memory_space<vmem>>) dst(%dma_wait3A_143 : memref<10240x128xf32, #tpu.memory_space<vmem_shared>>)
      %eq3A_144 = arith.constant 0 : i32
      %eq3A_145 = arith.cmpi eq, %arg0, %eq3A_144 : i32
      %convert_element_type3A_146 = arith.extui %eq3A_145 : i1 to i32
      %cond3A_147 = arith.constant 0 : i32
      %cond3A_148 = arith.cmpi ne, %convert_element_type3A_146, %cond3A_147 : i32
      scf.if %cond3A_148 {
        %dma_start3A_233 = arith.constant 0 : i32
        %dma_start3A_234 = arith.constant 0 : i32
        %dma_start3A_235 = tpu.memref_slice %arg9[%dma_start3A_233, %dma_start3A_234] : memref<2x128xi32, #tpu.memory_space<vmem>> -> memref<1x128xi32, #tpu.memory_space<vmem>>
        %dma_start3A_236 = tpu.memref_squeeze %dma_start3A_235 : memref<1x128xi32, #tpu.memory_space<vmem>> -> memref<128xi32, #tpu.memory_space<vmem>>
        %dma_start3A_237 = arith.constant 0 : i32
        %dma_start3A_238 = arith.constant 0 : i32
        %dma_start3A_239 = tpu.memref_slice %arg2[%dma_start3A_237, %dma_start3A_238] : memref<10240x128xf32, #tpu.memory_space<hbm>> -> memref<10240x128xf32, #tpu.memory_space<hbm>>
        tpu.enqueue_indirect_dma source(%dma_start3A_239 : memref<10240x128xf32, #tpu.memory_space<hbm>>) target(%arg11 : memref<128x128xf32, #tpu.memory_space<vmem>>) offsets(%dma_start3A_236 : memref<128xi32, #tpu.memory_space<vmem>>) semaphore(%arg18 : memref<!tpu.dma_semaphore, #tpu.memory_space<semaphore_mem>>)
      } else {
      }
      %eq3A_149 = arith.constant 1 : i32
      %eq3A_150 = arith.cmpi eq, %arg0, %eq3A_149 : i32
      %convert_element_type3A_151 = arith.extui %eq3A_150 : i1 to i32
      %cond3A_152 = arith.constant 0 : i32
      %cond3A_153 = arith.cmpi ne, %convert_element_type3A_151, %cond3A_152 : i32
      scf.if %cond3A_153 {
        %dma_start3A_233 = arith.constant 0 : i32
        %dma_start3A_234 = arith.constant 0 : i32
        %dma_start3A_235 = tpu.memref_slice %arg9[%dma_start3A_233, %dma_start3A_234] : memref<2x128xi32, #tpu.memory_space<vmem>> -> memref<1x128xi32, #tpu.memory_space<vmem>>
        %dma_start3A_236 = tpu.memref_squeeze %dma_start3A_235 : memref<1x128xi32, #tpu.memory_space<vmem>> -> memref<128xi32, #tpu.memory_space<vmem>>
        %dma_start3A_237 = arith.constant 0 : i32
        %dma_start3A_238 = arith.constant 0 : i32
        %dma_start3A_239 = tpu.memref_slice %arg3[%dma_start3A_237, %dma_start3A_238] : memref<10240x128xf32, #tpu.memory_space<hbm>> -> memref<10240x128xf32, #tpu.memory_space<hbm>>
        tpu.enqueue_indirect_dma source(%dma_start3A_239 : memref<10240x128xf32, #tpu.memory_space<hbm>>) target(%arg11 : memref<128x128xf32, #tpu.memory_space<vmem>>) offsets(%dma_start3A_236 : memref<128xi32, #tpu.memory_space<vmem>>) semaphore(%arg18 : memref<!tpu.dma_semaphore, #tpu.memory_space<semaphore_mem>>)
      } else {
      }
      %convert_element_type3A_154 = arith.extui %lt3A_78 : i1 to i32
      %cond3A_155 = arith.constant 0 : i32
      %cond3A_156 = arith.cmpi ne, %convert_element_type3A_154, %cond3A_155 : i32
      scf.if %cond3A_156 {
        %add3A_233 = arith.constant 4 : i32
        %add3A_234 = arith.addi %mul3A_77, %add3A_233 : i32
        %dma_start3A_235 = arith.constant 0 : i32
        %dma_start3A_236 = arith.constant 0 : i32
        %dma_start3A_237 = tpu.memref_slice %arg4[%arg1, %add3A_234, %dma_start3A_235, %dma_start3A_236] : memref<16x80x2x128xi32, #tpu.memory_space<hbm>> -> memref<1x1x2x128xi32, #tpu.memory_space<hbm>>
        %dma_start3A_238 = tpu.memref_squeeze %dma_start3A_237 : memref<1x1x2x128xi32, #tpu.memory_space<hbm>> -> memref<2x128xi32, #tpu.memory_space<hbm>>
        %dma_start3A_239 = arith.constant 0 : i32
        %dma_start3A_240 = arith.constant 0 : i32
        %dma_start3A_241 = tpu.memref_slice %arg4[%arg1, %add3A_234, %dma_start3A_239, %dma_start3A_240] : memref<16x80x2x128xi32, #tpu.memory_space<hbm>> -> memref<1x1x2x128xi32, #tpu.memory_space<hbm>>
        %dma_start3A_242 = tpu.memref_squeeze %dma_start3A_241 : memref<1x1x2x128xi32, #tpu.memory_space<hbm>> -> memref<2x128xi32, #tpu.memory_space<hbm>>
        tpu.enqueue_dma source(%dma_start3A_242 : memref<2x128xi32, #tpu.memory_space<hbm>>) target(%arg7 : memref<2x128xi32, #tpu.memory_space<vmem>>) target_semaphore(%arg14 : memref<!tpu.dma_semaphore, #tpu.memory_space<semaphore_mem>>)
      } else {
      }
      %dma_wait3A_157 = arith.constant 0 : i32
      %dma_wait3A_158 = arith.constant 0 : i32
      %dma_wait3A_159 = tpu.memref_slice %arg8[%dma_wait3A_157, %dma_wait3A_158] : memref<2x128xi32, #tpu.memory_space<vmem>> -> memref<1x128xi32, #tpu.memory_space<vmem>>
      %dma_wait3A_160 = tpu.memref_squeeze %dma_wait3A_159 : memref<1x128xi32, #tpu.memory_space<vmem>> -> memref<128xi32, #tpu.memory_space<vmem>>
      %dma_wait3A_161 = arith.constant 0 : i32
      %dma_wait3A_162 = arith.constant 0 : i32
      %dma_wait3A_163 = tpu.memref_slice %arg2[%dma_wait3A_161, %dma_wait3A_162] : memref<10240x128xf32, #tpu.memory_space<hbm>> -> memref<10240x128xf32, #tpu.memory_space<hbm>>
      tpu.wait_indirect_dma semaphore(%arg19 : memref<!tpu.dma_semaphore, #tpu.memory_space<semaphore_mem>>) src(%dma_wait3A_163 : memref<10240x128xf32, #tpu.memory_space<hbm>>) dst(%arg12 : memref<128x128xf32, #tpu.memory_space<vmem>>)
      %dma_start3A_164 = arith.constant 1 : i32
      %dma_start3A_165 = arith.constant 0 : i32
      %dma_start3A_166 = tpu.memref_slice %arg8[%dma_start3A_164, %dma_start3A_165] : memref<2x128xi32, #tpu.memory_space<vmem>> -> memref<1x128xi32, #tpu.memory_space<vmem>>
      %dma_start3A_167 = tpu.memref_squeeze %dma_start3A_166 : memref<1x128xi32, #tpu.memory_space<vmem>> -> memref<128xi32, #tpu.memory_space<vmem>>
      %dma_start3A_168 = arith.constant 0 : i32
      %dma_start3A_169 = arith.constant 0 : i32
      %dma_start3A_170 = tpu.memref_slice %arg13[%dma_start3A_168, %dma_start3A_169] : memref<10240x128xf32, #tpu.memory_space<vmem_shared>> -> memref<10240x128xf32, #tpu.memory_space<vmem_shared>>
      tpu.enqueue_indirect_dma source(%arg12 : memref<128x128xf32, #tpu.memory_space<vmem>>) target(%dma_start3A_170 : memref<10240x128xf32, #tpu.memory_space<vmem_shared>>) offsets(%dma_start3A_167 : memref<128xi32, #tpu.memory_space<vmem>>) semaphore(%arg21 : memref<!tpu.dma_semaphore, #tpu.memory_space<semaphore_mem>>) {add = true}
      %add3A_171 = arith.constant 3 : i32
      %add3A_172 = arith.addi %mul3A_77, %add3A_171 : i32
      %dma_wait3A_173 = arith.constant 0 : i32
      %dma_wait3A_174 = arith.constant 0 : i32
      %dma_wait3A_175 = tpu.memref_slice %arg4[%arg1, %add3A_172, %dma_wait3A_173, %dma_wait3A_174] : memref<16x80x2x128xi32, #tpu.memory_space<hbm>> -> memref<1x1x2x128xi32, #tpu.memory_space<hbm>>
      %dma_wait3A_176 = tpu.memref_squeeze %dma_wait3A_175 : memref<1x1x2x128xi32, #tpu.memory_space<hbm>> -> memref<2x128xi32, #tpu.memory_space<hbm>>
      %dma_wait3A_177 = arith.constant 0 : i32
      %dma_wait3A_178 = arith.constant 0 : i32
      %dma_wait3A_179 = tpu.memref_slice %arg4[%arg1, %add3A_172, %dma_wait3A_177, %dma_wait3A_178] : memref<16x80x2x128xi32, #tpu.memory_space<hbm>> -> memref<1x1x2x128xi32, #tpu.memory_space<hbm>>
      %dma_wait3A_180 = tpu.memref_squeeze %dma_wait3A_179 : memref<1x1x2x128xi32, #tpu.memory_space<hbm>> -> memref<2x128xi32, #tpu.memory_space<hbm>>
      tpu.wait_dma2 semaphore(%arg17 : memref<!tpu.dma_semaphore, #tpu.memory_space<semaphore_mem>>) src(%dma_wait3A_180 : memref<2x128xi32, #tpu.memory_space<hbm>>) dst(%arg10 : memref<2x128xi32, #tpu.memory_space<vmem>>)
      %dma_wait3A_181 = arith.constant 1 : i32
      %dma_wait3A_182 = arith.constant 0 : i32
      %dma_wait3A_183 = tpu.memref_slice %arg8[%dma_wait3A_181, %dma_wait3A_182] : memref<2x128xi32, #tpu.memory_space<vmem>> -> memref<1x128xi32, #tpu.memory_space<vmem>>
      %dma_wait3A_184 = tpu.memref_squeeze %dma_wait3A_183 : memref<1x128xi32, #tpu.memory_space<vmem>> -> memref<128xi32, #tpu.memory_space<vmem>>
      %dma_wait3A_185 = arith.constant 0 : i32
      %dma_wait3A_186 = arith.constant 0 : i32
      %dma_wait3A_187 = tpu.memref_slice %arg13[%dma_wait3A_185, %dma_wait3A_186] : memref<10240x128xf32, #tpu.memory_space<vmem_shared>> -> memref<10240x128xf32, #tpu.memory_space<vmem_shared>>
      tpu.wait_indirect_dma semaphore(%arg21 : memref<!tpu.dma_semaphore, #tpu.memory_space<semaphore_mem>>) src(%arg12 : memref<128x128xf32, #tpu.memory_space<vmem>>) dst(%dma_wait3A_187 : memref<10240x128xf32, #tpu.memory_space<vmem_shared>>)
      %eq3A_188 = arith.constant 0 : i32
      %eq3A_189 = arith.cmpi eq, %arg0, %eq3A_188 : i32
      %convert_element_type3A_190 = arith.extui %eq3A_189 : i1 to i32
      %cond3A_191 = arith.constant 0 : i32
      %cond3A_192 = arith.cmpi ne, %convert_element_type3A_190, %cond3A_191 : i32
      scf.if %cond3A_192 {
        %dma_start3A_233 = arith.constant 0 : i32
        %dma_start3A_234 = arith.constant 0 : i32
        %dma_start3A_235 = tpu.memref_slice %arg10[%dma_start3A_233, %dma_start3A_234] : memref<2x128xi32, #tpu.memory_space<vmem>> -> memref<1x128xi32, #tpu.memory_space<vmem>>
        %dma_start3A_236 = tpu.memref_squeeze %dma_start3A_235 : memref<1x128xi32, #tpu.memory_space<vmem>> -> memref<128xi32, #tpu.memory_space<vmem>>
        %dma_start3A_237 = arith.constant 0 : i32
        %dma_start3A_238 = arith.constant 0 : i32
        %dma_start3A_239 = tpu.memref_slice %arg2[%dma_start3A_237, %dma_start3A_238] : memref<10240x128xf32, #tpu.memory_space<hbm>> -> memref<10240x128xf32, #tpu.memory_space<hbm>>
        tpu.enqueue_indirect_dma source(%dma_start3A_239 : memref<10240x128xf32, #tpu.memory_space<hbm>>) target(%arg12 : memref<128x128xf32, #tpu.memory_space<vmem>>) offsets(%dma_start3A_236 : memref<128xi32, #tpu.memory_space<vmem>>) semaphore(%arg19 : memref<!tpu.dma_semaphore, #tpu.memory_space<semaphore_mem>>)
      } else {
      }
      %eq3A_193 = arith.constant 1 : i32
      %eq3A_194 = arith.cmpi eq, %arg0, %eq3A_193 : i32
      %convert_element_type3A_195 = arith.extui %eq3A_194 : i1 to i32
      %cond3A_196 = arith.constant 0 : i32
      %cond3A_197 = arith.cmpi ne, %convert_element_type3A_195, %cond3A_196 : i32
      scf.if %cond3A_197 {
        %dma_start3A_233 = arith.constant 0 : i32
        %dma_start3A_234 = arith.constant 0 : i32
        %dma_start3A_235 = tpu.memref_slice %arg10[%dma_start3A_233, %dma_start3A_234] : memref<2x128xi32, #tpu.memory_space<vmem>> -> memref<1x128xi32, #tpu.memory_space<vmem>>
        %dma_start3A_236 = tpu.memref_squeeze %dma_start3A_235 : memref<1x128xi32, #tpu.memory_space<vmem>> -> memref<128xi32, #tpu.memory_space<vmem>>
        %dma_start3A_237 = arith.constant 0 : i32
        %dma_start3A_238 = arith.constant 0 : i32
        %dma_start3A_239 = tpu.memref_slice %arg3[%dma_start3A_237, %dma_start3A_238] : memref<10240x128xf32, #tpu.memory_space<hbm>> -> memref<10240x128xf32, #tpu.memory_space<hbm>>
        tpu.enqueue_indirect_dma source(%dma_start3A_239 : memref<10240x128xf32, #tpu.memory_space<hbm>>) target(%arg12 : memref<128x128xf32, #tpu.memory_space<vmem>>) offsets(%dma_start3A_236 : memref<128xi32, #tpu.memory_space<vmem>>) semaphore(%arg19 : memref<!tpu.dma_semaphore, #tpu.memory_space<semaphore_mem>>)
      } else {
      }
      %convert_element_type3A_198 = arith.extui %lt3A_78 : i1 to i32
      %cond3A_199 = arith.constant 0 : i32
      %cond3A_200 = arith.cmpi ne, %convert_element_type3A_198, %cond3A_199 : i32
      scf.if %cond3A_200 {
        %add3A_233 = arith.constant 5 : i32
        %add3A_234 = arith.addi %mul3A_77, %add3A_233 : i32
        %dma_start3A_235 = arith.constant 0 : i32
        %dma_start3A_236 = arith.constant 0 : i32
        %dma_start3A_237 = tpu.memref_slice %arg4[%arg1, %add3A_234, %dma_start3A_235, %dma_start3A_236] : memref<16x80x2x128xi32, #tpu.memory_space<hbm>> -> memref<1x1x2x128xi32, #tpu.memory_space<hbm>>
        %dma_start3A_238 = tpu.memref_squeeze %dma_start3A_237 : memref<1x1x2x128xi32, #tpu.memory_space<hbm>> -> memref<2x128xi32, #tpu.memory_space<hbm>>
        %dma_start3A_239 = arith.constant 0 : i32
        %dma_start3A_240 = arith.constant 0 : i32
        %dma_start3A_241 = tpu.memref_slice %arg4[%arg1, %add3A_234, %dma_start3A_239, %dma_start3A_240] : memref<16x80x2x128xi32, #tpu.memory_space<hbm>> -> memref<1x1x2x128xi32, #tpu.memory_space<hbm>>
        %dma_start3A_242 = tpu.memref_squeeze %dma_start3A_241 : memref<1x1x2x128xi32, #tpu.memory_space<hbm>> -> memref<2x128xi32, #tpu.memory_space<hbm>>
        tpu.enqueue_dma source(%dma_start3A_242 : memref<2x128xi32, #tpu.memory_space<hbm>>) target(%arg8 : memref<2x128xi32, #tpu.memory_space<vmem>>) target_semaphore(%arg15 : memref<!tpu.dma_semaphore, #tpu.memory_space<semaphore_mem>>)
      } else {
      }
      %dma_wait3A_201 = arith.constant 0 : i32
      %dma_wait3A_202 = arith.constant 0 : i32
      %dma_wait3A_203 = tpu.memref_slice %arg9[%dma_wait3A_201, %dma_wait3A_202] : memref<2x128xi32, #tpu.memory_space<vmem>> -> memref<1x128xi32, #tpu.memory_space<vmem>>
      %dma_wait3A_204 = tpu.memref_squeeze %dma_wait3A_203 : memref<1x128xi32, #tpu.memory_space<vmem>> -> memref<128xi32, #tpu.memory_space<vmem>>
      %dma_wait3A_205 = arith.constant 0 : i32
      %dma_wait3A_206 = arith.constant 0 : i32
      %dma_wait3A_207 = tpu.memref_slice %arg2[%dma_wait3A_205, %dma_wait3A_206] : memref<10240x128xf32, #tpu.memory_space<hbm>> -> memref<10240x128xf32, #tpu.memory_space<hbm>>
      tpu.wait_indirect_dma semaphore(%arg18 : memref<!tpu.dma_semaphore, #tpu.memory_space<semaphore_mem>>) src(%dma_wait3A_207 : memref<10240x128xf32, #tpu.memory_space<hbm>>) dst(%arg11 : memref<128x128xf32, #tpu.memory_space<vmem>>)
      %dma_start3A_208 = arith.constant 1 : i32
      %dma_start3A_209 = arith.constant 0 : i32
      %dma_start3A_210 = tpu.memref_slice %arg9[%dma_start3A_208, %dma_start3A_209] : memref<2x128xi32, #tpu.memory_space<vmem>> -> memref<1x128xi32, #tpu.memory_space<vmem>>
      %dma_start3A_211 = tpu.memref_squeeze %dma_start3A_210 : memref<1x128xi32, #tpu.memory_space<vmem>> -> memref<128xi32, #tpu.memory_space<vmem>>
      %dma_start3A_212 = arith.constant 0 : i32
      %dma_start3A_213 = arith.constant 0 : i32
      %dma_start3A_214 = tpu.memref_slice %arg13[%dma_start3A_212, %dma_start3A_213] : memref<10240x128xf32, #tpu.memory_space<vmem_shared>> -> memref<10240x128xf32, #tpu.memory_space<vmem_shared>>
      tpu.enqueue_indirect_dma source(%arg11 : memref<128x128xf32, #tpu.memory_space<vmem>>) target(%dma_start3A_214 : memref<10240x128xf32, #tpu.memory_space<vmem_shared>>) offsets(%dma_start3A_211 : memref<128xi32, #tpu.memory_space<vmem>>) semaphore(%arg20 : memref<!tpu.dma_semaphore, #tpu.memory_space<semaphore_mem>>) {add = true}
      %convert_element_type3A_215 = arith.extui %lt3A_78 : i1 to i32
      %cond3A_216 = arith.constant 0 : i32
      %cond3A_217 = arith.cmpi ne, %convert_element_type3A_215, %cond3A_216 : i32
      scf.if %cond3A_217 {
        %add3A_233 = arith.constant 4 : i32
        %add3A_234 = arith.addi %mul3A_77, %add3A_233 : i32
        %dma_wait3A_235 = arith.constant 0 : i32
        %dma_wait3A_236 = arith.constant 0 : i32
        %dma_wait3A_237 = tpu.memref_slice %arg4[%arg1, %add3A_234, %dma_wait3A_235, %dma_wait3A_236] : memref<16x80x2x128xi32, #tpu.memory_space<hbm>> -> memref<1x1x2x128xi32, #tpu.memory_space<hbm>>
        %dma_wait3A_238 = tpu.memref_squeeze %dma_wait3A_237 : memref<1x1x2x128xi32, #tpu.memory_space<hbm>> -> memref<2x128xi32, #tpu.memory_space<hbm>>
        %dma_wait3A_239 = arith.constant 0 : i32
        %dma_wait3A_240 = arith.constant 0 : i32
        %dma_wait3A_241 = tpu.memref_slice %arg4[%arg1, %add3A_234, %dma_wait3A_239, %dma_wait3A_240] : memref<16x80x2x128xi32, #tpu.memory_space<hbm>> -> memref<1x1x2x128xi32, #tpu.memory_space<hbm>>
        %dma_wait3A_242 = tpu.memref_squeeze %dma_wait3A_241 : memref<1x1x2x128xi32, #tpu.memory_space<hbm>> -> memref<2x128xi32, #tpu.memory_space<hbm>>
        tpu.wait_dma2 semaphore(%arg14 : memref<!tpu.dma_semaphore, #tpu.memory_space<semaphore_mem>>) src(%dma_wait3A_242 : memref<2x128xi32, #tpu.memory_space<hbm>>) dst(%arg7 : memref<2x128xi32, #tpu.memory_space<vmem>>)
        %dma_wait3A_243 = arith.constant 1 : i32
        %dma_wait3A_244 = arith.constant 0 : i32
        %dma_wait3A_245 = tpu.memref_slice %arg9[%dma_wait3A_243, %dma_wait3A_244] : memref<2x128xi32, #tpu.memory_space<vmem>> -> memref<1x128xi32, #tpu.memory_space<vmem>>
        %dma_wait3A_246 = tpu.memref_squeeze %dma_wait3A_245 : memref<1x128xi32, #tpu.memory_space<vmem>> -> memref<128xi32, #tpu.memory_space<vmem>>
        %dma_wait3A_247 = arith.constant 0 : i32
        %dma_wait3A_248 = arith.constant 0 : i32
        %dma_wait3A_249 = tpu.memref_slice %arg13[%dma_wait3A_247, %dma_wait3A_248] : memref<10240x128xf32, #tpu.memory_space<vmem_shared>> -> memref<10240x128xf32, #tpu.memory_space<vmem_shared>>
        tpu.wait_indirect_dma semaphore(%arg20 : memref<!tpu.dma_semaphore, #tpu.memory_space<semaphore_mem>>) src(%arg11 : memref<128x128xf32, #tpu.memory_space<vmem>>) dst(%dma_wait3A_249 : memref<10240x128xf32, #tpu.memory_space<vmem_shared>>)
        %eq3A_250 = arith.constant 0 : i32
        %eq3A_251 = arith.cmpi eq, %arg0, %eq3A_250 : i32
        %convert_element_type3A_252 = arith.extui %eq3A_251 : i1 to i32
        %cond3A_253 = arith.constant 0 : i32
        %cond3A_254 = arith.cmpi ne, %convert_element_type3A_252, %cond3A_253 : i32
        scf.if %cond3A_254 {
          %dma_start3A_270 = arith.constant 0 : i32
          %dma_start3A_271 = arith.constant 0 : i32
          %dma_start3A_272 = tpu.memref_slice %arg7[%dma_start3A_270, %dma_start3A_271] : memref<2x128xi32, #tpu.memory_space<vmem>> -> memref<1x128xi32, #tpu.memory_space<vmem>>
          %dma_start3A_273 = tpu.memref_squeeze %dma_start3A_272 : memref<1x128xi32, #tpu.memory_space<vmem>> -> memref<128xi32, #tpu.memory_space<vmem>>
          %dma_start3A_274 = arith.constant 0 : i32
          %dma_start3A_275 = arith.constant 0 : i32
          %dma_start3A_276 = tpu.memref_slice %arg2[%dma_start3A_274, %dma_start3A_275] : memref<10240x128xf32, #tpu.memory_space<hbm>> -> memref<10240x128xf32, #tpu.memory_space<hbm>>
          tpu.enqueue_indirect_dma source(%dma_start3A_276 : memref<10240x128xf32, #tpu.memory_space<hbm>>) target(%arg11 : memref<128x128xf32, #tpu.memory_space<vmem>>) offsets(%dma_start3A_273 : memref<128xi32, #tpu.memory_space<vmem>>) semaphore(%arg18 : memref<!tpu.dma_semaphore, #tpu.memory_space<semaphore_mem>>)
        } else {
        }
        %eq3A_255 = arith.constant 1 : i32
        %eq3A_256 = arith.cmpi eq, %arg0, %eq3A_255 : i32
        %convert_element_type3A_257 = arith.extui %eq3A_256 : i1 to i32
        %cond3A_258 = arith.constant 0 : i32
        %cond3A_259 = arith.cmpi ne, %convert_element_type3A_257, %cond3A_258 : i32
        scf.if %cond3A_259 {
          %dma_start3A_270 = arith.constant 0 : i32
          %dma_start3A_271 = arith.constant 0 : i32
          %dma_start3A_272 = tpu.memref_slice %arg7[%dma_start3A_270, %dma_start3A_271] : memref<2x128xi32, #tpu.memory_space<vmem>> -> memref<1x128xi32, #tpu.memory_space<vmem>>
          %dma_start3A_273 = tpu.memref_squeeze %dma_start3A_272 : memref<1x128xi32, #tpu.memory_space<vmem>> -> memref<128xi32, #tpu.memory_space<vmem>>
          %dma_start3A_274 = arith.constant 0 : i32
          %dma_start3A_275 = arith.constant 0 : i32
          %dma_start3A_276 = tpu.memref_slice %arg3[%dma_start3A_274, %dma_start3A_275] : memref<10240x128xf32, #tpu.memory_space<hbm>> -> memref<10240x128xf32, #tpu.memory_space<hbm>>
          tpu.enqueue_indirect_dma source(%dma_start3A_276 : memref<10240x128xf32, #tpu.memory_space<hbm>>) target(%arg11 : memref<128x128xf32, #tpu.memory_space<vmem>>) offsets(%dma_start3A_273 : memref<128xi32, #tpu.memory_space<vmem>>) semaphore(%arg18 : memref<!tpu.dma_semaphore, #tpu.memory_space<semaphore_mem>>)
        } else {
        }
        %add3A_260 = arith.constant 6 : i32
        %add3A_261 = arith.addi %mul3A_77, %add3A_260 : i32
        %dma_start3A_262 = arith.constant 0 : i32
        %dma_start3A_263 = arith.constant 0 : i32
        %dma_start3A_264 = tpu.memref_slice %arg4[%arg1, %add3A_261, %dma_start3A_262, %dma_start3A_263] : memref<16x80x2x128xi32, #tpu.memory_space<hbm>> -> memref<1x1x2x128xi32, #tpu.memory_space<hbm>>
        %dma_start3A_265 = tpu.memref_squeeze %dma_start3A_264 : memref<1x1x2x128xi32, #tpu.memory_space<hbm>> -> memref<2x128xi32, #tpu.memory_space<hbm>>
        %dma_start3A_266 = arith.constant 0 : i32
        %dma_start3A_267 = arith.constant 0 : i32
        %dma_start3A_268 = tpu.memref_slice %arg4[%arg1, %add3A_261, %dma_start3A_266, %dma_start3A_267] : memref<16x80x2x128xi32, #tpu.memory_space<hbm>> -> memref<1x1x2x128xi32, #tpu.memory_space<hbm>>
        %dma_start3A_269 = tpu.memref_squeeze %dma_start3A_268 : memref<1x1x2x128xi32, #tpu.memory_space<hbm>> -> memref<2x128xi32, #tpu.memory_space<hbm>>
        tpu.enqueue_dma source(%dma_start3A_269 : memref<2x128xi32, #tpu.memory_space<hbm>>) target(%arg9 : memref<2x128xi32, #tpu.memory_space<vmem>>) target_semaphore(%arg16 : memref<!tpu.dma_semaphore, #tpu.memory_space<semaphore_mem>>)
      } else {
      }
      %dma_wait3A_218 = arith.constant 0 : i32
      %dma_wait3A_219 = arith.constant 0 : i32
      %dma_wait3A_220 = tpu.memref_slice %arg10[%dma_wait3A_218, %dma_wait3A_219] : memref<2x128xi32, #tpu.memory_space<vmem>> -> memref<1x128xi32, #tpu.memory_space<vmem>>
      %dma_wait3A_221 = tpu.memref_squeeze %dma_wait3A_220 : memref<1x128xi32, #tpu.memory_space<vmem>> -> memref<128xi32, #tpu.memory_space<vmem>>
      %dma_wait3A_222 = arith.constant 0 : i32
      %dma_wait3A_223 = arith.constant 0 : i32
      %dma_wait3A_224 = tpu.memref_slice %arg2[%dma_wait3A_222, %dma_wait3A_223] : memref<10240x128xf32, #tpu.memory_space<hbm>> -> memref<10240x128xf32, #tpu.memory_space<hbm>>
      tpu.wait_indirect_dma semaphore(%arg19 : memref<!tpu.dma_semaphore, #tpu.memory_space<semaphore_mem>>) src(%dma_wait3A_224 : memref<10240x128xf32, #tpu.memory_space<hbm>>) dst(%arg12 : memref<128x128xf32, #tpu.memory_space<vmem>>)
      %dma_start3A_225 = arith.constant 1 : i32
      %dma_start3A_226 = arith.constant 0 : i32
      %dma_start3A_227 = tpu.memref_slice %arg10[%dma_start3A_225, %dma_start3A_226] : memref<2x128xi32, #tpu.memory_space<vmem>> -> memref<1x128xi32, #tpu.memory_space<vmem>>
      %dma_start3A_228 = tpu.memref_squeeze %dma_start3A_227 : memref<1x128xi32, #tpu.memory_space<vmem>> -> memref<128xi32, #tpu.memory_space<vmem>>
      %dma_start3A_229 = arith.constant 0 : i32
      %dma_start3A_230 = arith.constant 0 : i32
      %dma_start3A_231 = tpu.memref_slice %arg13[%dma_start3A_229, %dma_start3A_230] : memref<10240x128xf32, #tpu.memory_space<vmem_shared>> -> memref<10240x128xf32, #tpu.memory_space<vmem_shared>>
      tpu.enqueue_indirect_dma source(%arg12 : memref<128x128xf32, #tpu.memory_space<vmem>>) target(%dma_start3A_231 : memref<10240x128xf32, #tpu.memory_space<vmem_shared>>) offsets(%dma_start3A_228 : memref<128xi32, #tpu.memory_space<vmem>>) semaphore(%arg21 : memref<!tpu.dma_semaphore, #tpu.memory_space<semaphore_mem>>) {add = true}
      %scan3A_232 = arith.constant 0 : i32
      scf.yield %scan3A_232 : i32
    }
    %scan3A_49 = arith.constant 20 : i32
    %dma_wait3A = arith.constant 1 : i32
    %dma_wait3A_50 = arith.constant 0 : i32
    %dma_wait3A_51 = tpu.memref_slice %arg9[%dma_wait3A, %dma_wait3A_50] : memref<2x128xi32, #tpu.memory_space<vmem>> -> memref<1x128xi32, #tpu.memory_space<vmem>>
    %dma_wait3A_52 = tpu.memref_squeeze %dma_wait3A_51 : memref<1x128xi32, #tpu.memory_space<vmem>> -> memref<128xi32, #tpu.memory_space<vmem>>
    %dma_wait3A_53 = arith.constant 0 : i32
    %dma_wait3A_54 = arith.constant 0 : i32
    %dma_wait3A_55 = tpu.memref_slice %arg13[%dma_wait3A_53, %dma_wait3A_54] : memref<10240x128xf32, #tpu.memory_space<vmem_shared>> -> memref<10240x128xf32, #tpu.memory_space<vmem_shared>>
    tpu.wait_indirect_dma semaphore(%arg20 : memref<!tpu.dma_semaphore, #tpu.memory_space<semaphore_mem>>) src(%arg11 : memref<128x128xf32, #tpu.memory_space<vmem>>) dst(%dma_wait3A_55 : memref<10240x128xf32, #tpu.memory_space<vmem_shared>>)
    %dma_wait3A_56 = arith.constant 1 : i32
    %dma_wait3A_57 = arith.constant 0 : i32
    %dma_wait3A_58 = tpu.memref_slice %arg10[%dma_wait3A_56, %dma_wait3A_57] : memref<2x128xi32, #tpu.memory_space<vmem>> -> memref<1x128xi32, #tpu.memory_space<vmem>>
    %dma_wait3A_59 = tpu.memref_squeeze %dma_wait3A_58 : memref<1x128xi32, #tpu.memory_space<vmem>> -> memref<128xi32, #tpu.memory_space<vmem>>
    %dma_wait3A_60 = arith.constant 0 : i32
    %dma_wait3A_61 = arith.constant 0 : i32
    %dma_wait3A_62 = tpu.memref_slice %arg13[%dma_wait3A_60, %dma_wait3A_61] : memref<10240x128xf32, #tpu.memory_space<vmem_shared>> -> memref<10240x128xf32, #tpu.memory_space<vmem_shared>>
    tpu.wait_indirect_dma semaphore(%arg21 : memref<!tpu.dma_semaphore, #tpu.memory_space<semaphore_mem>>) src(%arg12 : memref<128x128xf32, #tpu.memory_space<vmem>>) dst(%dma_wait3A_62 : memref<10240x128xf32, #tpu.memory_space<vmem_shared>>)
    %barrier3A_63 = arith.constant 0 : index
    tpu.barrier barrier_id(%barrier3A_63)
    %eq3A_64 = arith.constant 0 : i32
    %eq3A_65 = arith.cmpi eq, %arg0, %eq3A_64 : i32
    %convert_element_type3A_66 = arith.extui %eq3A_65 : i1 to i32
    %cond3A_67 = arith.constant 0 : i32
    %cond3A_68 = arith.cmpi ne, %convert_element_type3A_66, %cond3A_67 : i32
    scf.if %cond3A_68 {
      "tpu.region"() ({
        %run_scoped3A_74 = tpu.sem_alloc : memref<!tpu.dma_semaphore, #tpu.memory_space<semaphore_mem>>
        %dma_start3A_75 = arith.constant 0 : i32
        %dma_start3A_76 = tpu.memref_slice %arg5[%mul3A_0, %dma_start3A_75] : memref<10240x128xf32, #tpu.memory_space<hbm>> -> memref<640x128xf32, #tpu.memory_space<hbm>>
        %dma_start3A_77 = arith.constant 0 : i32
        %dma_start3A_78 = tpu.memref_slice %arg13[%mul3A_0, %dma_start3A_77] : memref<10240x128xf32, #tpu.memory_space<vmem_shared>> -> memref<640x128xf32, #tpu.memory_space<vmem_shared>>
        tpu.enqueue_dma source(%dma_start3A_78 : memref<640x128xf32, #tpu.memory_space<vmem_shared>>) target(%dma_start3A_76 : memref<640x128xf32, #tpu.memory_space<hbm>>) target_semaphore(%run_scoped3A_74 : memref<!tpu.dma_semaphore, #tpu.memory_space<semaphore_mem>>)
        %dma_wait3A_79 = arith.constant 0 : i32
        %dma_wait3A_80 = tpu.memref_slice %arg5[%mul3A_0, %dma_wait3A_79] : memref<10240x128xf32, #tpu.memory_space<hbm>> -> memref<640x128xf32, #tpu.memory_space<hbm>>
        %dma_wait3A_81 = arith.constant 0 : i32
        %dma_wait3A_82 = tpu.memref_slice %arg13[%mul3A_0, %dma_wait3A_81] : memref<10240x128xf32, #tpu.memory_space<vmem_shared>> -> memref<640x128xf32, #tpu.memory_space<vmem_shared>>
        tpu.wait_dma2 semaphore(%run_scoped3A_74 : memref<!tpu.dma_semaphore, #tpu.memory_space<semaphore_mem>>) src(%dma_wait3A_82 : memref<640x128xf32, #tpu.memory_space<vmem_shared>>) dst(%dma_wait3A_80 : memref<640x128xf32, #tpu.memory_space<hbm>>)
        tpu.yield
      }) : () -> ()
    } else {
    }
    %eq3A_69 = arith.constant 1 : i32
    %eq3A_70 = arith.cmpi eq, %arg0, %eq3A_69 : i32
    %convert_element_type3A_71 = arith.extui %eq3A_70 : i1 to i32
    %cond3A_72 = arith.constant 0 : i32
    %cond3A_73 = arith.cmpi ne, %convert_element_type3A_71, %cond3A_72 : i32
    scf.if %cond3A_73 {
      "tpu.region"() ({
        %run_scoped3A_74 = tpu.sem_alloc : memref<!tpu.dma_semaphore, #tpu.memory_space<semaphore_mem>>
        %dma_start3A_75 = arith.constant 0 : i32
        %dma_start3A_76 = tpu.memref_slice %arg6[%mul3A_0, %dma_start3A_75] : memref<10240x128xf32, #tpu.memory_space<hbm>> -> memref<640x128xf32, #tpu.memory_space<hbm>>
        %dma_start3A_77 = arith.constant 0 : i32
        %dma_start3A_78 = tpu.memref_slice %arg13[%mul3A_0, %dma_start3A_77] : memref<10240x128xf32, #tpu.memory_space<vmem_shared>> -> memref<640x128xf32, #tpu.memory_space<vmem_shared>>
        tpu.enqueue_dma source(%dma_start3A_78 : memref<640x128xf32, #tpu.memory_space<vmem_shared>>) target(%dma_start3A_76 : memref<640x128xf32, #tpu.memory_space<hbm>>) target_semaphore(%run_scoped3A_74 : memref<!tpu.dma_semaphore, #tpu.memory_space<semaphore_mem>>)
        %dma_wait3A_79 = arith.constant 0 : i32
        %dma_wait3A_80 = tpu.memref_slice %arg6[%mul3A_0, %dma_wait3A_79] : memref<10240x128xf32, #tpu.memory_space<hbm>> -> memref<640x128xf32, #tpu.memory_space<hbm>>
        %dma_wait3A_81 = arith.constant 0 : i32
        %dma_wait3A_82 = tpu.memref_slice %arg13[%mul3A_0, %dma_wait3A_81] : memref<10240x128xf32, #tpu.memory_space<vmem_shared>> -> memref<640x128xf32, #tpu.memory_space<vmem_shared>>
        tpu.wait_dma2 semaphore(%run_scoped3A_74 : memref<!tpu.dma_semaphore, #tpu.memory_space<semaphore_mem>>) src(%dma_wait3A_82 : memref<640x128xf32, #tpu.memory_space<vmem_shared>>) dst(%dma_wait3A_80 : memref<640x128xf32, #tpu.memory_space<hbm>>)
        tpu.yield
      }) : () -> ()
    } else {
    }
    return
  }
}

#map = affine_map<(d0, d1) -> (0, 0)>
#map1 = affine_map<(d0, d1) -> (0, 0, 0, 0)>
module attributes {stable_mosaic.version = 14 : i64} {
  func.func @body(%arg0: i32, %arg1: i32, %arg2: memref<10240x128xf32, #tpu.memory_space<hbm>>, %arg3: memref<10240x128xf32, #tpu.memory_space<hbm>>, %arg4: memref<16x80x2x128xi32, #tpu.memory_space<hbm>>, %arg5: memref<10240x128xf32, #tpu.memory_space<hbm>>, %arg6: memref<10240x128xf32, #tpu.memory_space<hbm>>, %arg7: memref<16x10240xf32, #tpu.memory_space<hbm>>, %arg8: memref<2x128xi32, #tpu.memory_space<vmem>>, %arg9: memref<2x128xi32, #tpu.memory_space<vmem>>, %arg10: memref<2x128xi32, #tpu.memory_space<vmem>>, %arg11: memref<2x128xi32, #tpu.memory_space<vmem>>, %arg12: memref<128x128xf32, #tpu.memory_space<vmem>>, %arg13: memref<128x128xf32, #tpu.memory_space<vmem>>, %arg14: memref<10240x128xf32, #tpu.memory_space<vmem_shared>>, %arg15: memref<!tpu.dma_semaphore, #tpu.memory_space<semaphore_mem>>, %arg16: memref<!tpu.dma_semaphore, #tpu.memory_space<semaphore_mem>>, %arg17: memref<!tpu.dma_semaphore, #tpu.memory_space<semaphore_mem>>, %arg18: memref<!tpu.dma_semaphore, #tpu.memory_space<semaphore_mem>>, %arg19: memref<!tpu.dma_semaphore, #tpu.memory_space<semaphore_mem>>, %arg20: memref<!tpu.dma_semaphore, #tpu.memory_space<semaphore_mem>>, %arg21: memref<!tpu.dma_semaphore, #tpu.memory_space<semaphore_mem>>, %arg22: memref<!tpu.dma_semaphore, #tpu.memory_space<semaphore_mem>>, %arg23: memref<10240xf32, #tpu.memory_space<vmem>>) attributes {dimension_semantics = [#tpu.dimension_semantics<core_parallel>, #tpu.dimension_semantics<subcore_parallel>], iteration_bounds = array<i64: 2, 16>, scalar_prefetch = 0 : i64, scratch_operands = 16 : i64, tpu.core_type = #tpu.core_type<sc_vector_subcore>, window_params = [{transform_indices = #map}, {transform_indices = #map}, {transform_indices = #map1}, {transform_indices = #map}, {transform_indices = #map}, {transform_indices = #map}]} {
    %mul3A = arith.constant 640 : i32
    %mul3A_0 = arith.muli %arg1, %mul3A : i32
    %broadcast_in_dim3A = arith.constant 0.000000e+00 : f32
    %broadcast_in_dim3A_1 = vector.broadcast %broadcast_in_dim3A : f32 to vector<16xf32>
    %broadcast_in_dim3A_2 = arith.constant 1.000000e+00 : f32
    %broadcast_in_dim3A_3 = vector.broadcast %broadcast_in_dim3A_2 : f32 to vector<16xf32>
    %scan3A = arith.constant 0 : i32
    %scan3A_4 = arith.constant 0 : i32
    %scan3A_5 = arith.constant 128 : i32
    %scan3A_6 = arith.addi %scan3A_4, %scan3A_5 : i32
    %scan3A_7 = arith.constant 1 : i32
    %scan3A_8 = scf.for %scan3A_86 = %scan3A_4 to %scan3A_6 step %scan3A_7 iter_args(%scan3A_87 = %scan3A) -> (i32)  : i32 {
      %scan3A_88 = arith.constant 0 : i32
      %scan3A_89 = arith.constant 0 : i32
      %scan3A_90 = arith.constant 8 : i32
      %scan3A_91 = arith.addi %scan3A_89, %scan3A_90 : i32
      %scan3A_92 = arith.constant 1 : i32
      %scan3A_93 = scf.for %scan3A_96 = %scan3A_89 to %scan3A_91 step %scan3A_92 iter_args(%scan3A_97 = %scan3A_88) -> (i32)  : i32 {
        %mul3A_98 = arith.constant 16 : i32
        %mul3A_99 = arith.muli %scan3A_96, %mul3A_98 : i32
        %swap3A = arith.index_cast %scan3A_86 : i32 to index
        %swap3A_100 = arith.index_cast %mul3A_99 : i32 to index
        %swap3A_101 = tpu.vector_load %arg12[%swap3A, %swap3A_100] {strides = array<i32>} : memref<128x128xf32, #tpu.memory_space<vmem>>, vector<16xf32>,
        tpu.vector_store %arg12[%swap3A, %swap3A_100], %broadcast_in_dim3A_1 {strides = array<i32>} : memref<128x128xf32, #tpu.memory_space<vmem>>, vector<16xf32>,
        %scan3A_102 = arith.constant 0 : i32
        scf.yield %scan3A_102 : i32
      }
      %scan3A_94 = arith.constant 8 : i32
      %scan3A_95 = arith.constant 0 : i32
      scf.yield %scan3A_95 : i32
    }
    %scan3A_9 = arith.constant 128 : i32
    %add3A = arith.constant 0 : i32
    %add3A_10 = arith.addi %mul3A_0, %add3A : i32
    "tpu.region"() ({
      %run_scoped3A_86 = tpu.sem_alloc : memref<!tpu.dma_semaphore, #tpu.memory_space<semaphore_mem>>
      %dma_start3A_87 = arith.constant 0 : i32
      %dma_start3A_88 = tpu.memref_slice %arg14[%add3A_10, %dma_start3A_87] : memref<10240x128xf32, #tpu.memory_space<vmem_shared>> -> memref<128x128xf32, #tpu.memory_space<vmem_shared>>
      %dma_start3A_89 = arith.constant 0 : i32
      %dma_start3A_90 = tpu.memref_slice %arg14[%add3A_10, %dma_start3A_89] : memref<10240x128xf32, #tpu.memory_space<vmem_shared>> -> memref<128x128xf32, #tpu.memory_space<vmem_shared>>
      tpu.enqueue_dma source(%arg12 : memref<128x128xf32, #tpu.memory_space<vmem>>) target(%dma_start3A_90 : memref<128x128xf32, #tpu.memory_space<vmem_shared>>) target_semaphore(%run_scoped3A_86 : memref<!tpu.dma_semaphore, #tpu.memory_space<semaphore_mem>>)
      %dma_wait3A_91 = arith.constant 0 : i32
      %dma_wait3A_92 = tpu.memref_slice %arg14[%add3A_10, %dma_wait3A_91] : memref<10240x128xf32, #tpu.memory_space<vmem_shared>> -> memref<128x128xf32, #tpu.memory_space<vmem_shared>>
      %dma_wait3A_93 = arith.constant 0 : i32
      %dma_wait3A_94 = tpu.memref_slice %arg14[%add3A_10, %dma_wait3A_93] : memref<10240x128xf32, #tpu.memory_space<vmem_shared>> -> memref<128x128xf32, #tpu.memory_space<vmem_shared>>
      tpu.wait_dma2 semaphore(%run_scoped3A_86 : memref<!tpu.dma_semaphore, #tpu.memory_space<semaphore_mem>>) src(%arg12 : memref<128x128xf32, #tpu.memory_space<vmem>>) dst(%dma_wait3A_94 : memref<128x128xf32, #tpu.memory_space<vmem_shared>>)
      tpu.yield
    }) : () -> ()
    %add3A_11 = arith.constant 128 : i32
    %add3A_12 = arith.addi %mul3A_0, %add3A_11 : i32
    "tpu.region"() ({
      %run_scoped3A_86 = tpu.sem_alloc : memref<!tpu.dma_semaphore, #tpu.memory_space<semaphore_mem>>
      %dma_start3A_87 = arith.constant 0 : i32
      %dma_start3A_88 = tpu.memref_slice %arg14[%add3A_12, %dma_start3A_87] : memref<10240x128xf32, #tpu.memory_space<vmem_shared>> -> memref<128x128xf32, #tpu.memory_space<vmem_shared>>
      %dma_start3A_89 = arith.constant 0 : i32
      %dma_start3A_90 = tpu.memref_slice %arg14[%add3A_12, %dma_start3A_89] : memref<10240x128xf32, #tpu.memory_space<vmem_shared>> -> memref<128x128xf32, #tpu.memory_space<vmem_shared>>
      tpu.enqueue_dma source(%arg12 : memref<128x128xf32, #tpu.memory_space<vmem>>) target(%dma_start3A_90 : memref<128x128xf32, #tpu.memory_space<vmem_shared>>) target_semaphore(%run_scoped3A_86 : memref<!tpu.dma_semaphore, #tpu.memory_space<semaphore_mem>>)
      %dma_wait3A_91 = arith.constant 0 : i32
      %dma_wait3A_92 = tpu.memref_slice %arg14[%add3A_12, %dma_wait3A_91] : memref<10240x128xf32, #tpu.memory_space<vmem_shared>> -> memref<128x128xf32, #tpu.memory_space<vmem_shared>>
      %dma_wait3A_93 = arith.constant 0 : i32
      %dma_wait3A_94 = tpu.memref_slice %arg14[%add3A_12, %dma_wait3A_93] : memref<10240x128xf32, #tpu.memory_space<vmem_shared>> -> memref<128x128xf32, #tpu.memory_space<vmem_shared>>
      tpu.wait_dma2 semaphore(%run_scoped3A_86 : memref<!tpu.dma_semaphore, #tpu.memory_space<semaphore_mem>>) src(%arg12 : memref<128x128xf32, #tpu.memory_space<vmem>>) dst(%dma_wait3A_94 : memref<128x128xf32, #tpu.memory_space<vmem_shared>>)
      tpu.yield
    }) : () -> ()
    %add3A_13 = arith.constant 256 : i32
    %add3A_14 = arith.addi %mul3A_0, %add3A_13 : i32
    "tpu.region"() ({
      %run_scoped3A_86 = tpu.sem_alloc : memref<!tpu.dma_semaphore, #tpu.memory_space<semaphore_mem>>
      %dma_start3A_87 = arith.constant 0 : i32
      %dma_start3A_88 = tpu.memref_slice %arg14[%add3A_14, %dma_start3A_87] : memref<10240x128xf32, #tpu.memory_space<vmem_shared>> -> memref<128x128xf32, #tpu.memory_space<vmem_shared>>
      %dma_start3A_89 = arith.constant 0 : i32
      %dma_start3A_90 = tpu.memref_slice %arg14[%add3A_14, %dma_start3A_89] : memref<10240x128xf32, #tpu.memory_space<vmem_shared>> -> memref<128x128xf32, #tpu.memory_space<vmem_shared>>
      tpu.enqueue_dma source(%arg12 : memref<128x128xf32, #tpu.memory_space<vmem>>) target(%dma_start3A_90 : memref<128x128xf32, #tpu.memory_space<vmem_shared>>) target_semaphore(%run_scoped3A_86 : memref<!tpu.dma_semaphore, #tpu.memory_space<semaphore_mem>>)
      %dma_wait3A_91 = arith.constant 0 : i32
      %dma_wait3A_92 = tpu.memref_slice %arg14[%add3A_14, %dma_wait3A_91] : memref<10240x128xf32, #tpu.memory_space<vmem_shared>> -> memref<128x128xf32, #tpu.memory_space<vmem_shared>>
      %dma_wait3A_93 = arith.constant 0 : i32
      %dma_wait3A_94 = tpu.memref_slice %arg14[%add3A_14, %dma_wait3A_93] : memref<10240x128xf32, #tpu.memory_space<vmem_shared>> -> memref<128x128xf32, #tpu.memory_space<vmem_shared>>
      tpu.wait_dma2 semaphore(%run_scoped3A_86 : memref<!tpu.dma_semaphore, #tpu.memory_space<semaphore_mem>>) src(%arg12 : memref<128x128xf32, #tpu.memory_space<vmem>>) dst(%dma_wait3A_94 : memref<128x128xf32, #tpu.memory_space<vmem_shared>>)
      tpu.yield
    }) : () -> ()
    %add3A_15 = arith.constant 384 : i32
    %add3A_16 = arith.addi %mul3A_0, %add3A_15 : i32
    "tpu.region"() ({
      %run_scoped3A_86 = tpu.sem_alloc : memref<!tpu.dma_semaphore, #tpu.memory_space<semaphore_mem>>
      %dma_start3A_87 = arith.constant 0 : i32
      %dma_start3A_88 = tpu.memref_slice %arg14[%add3A_16, %dma_start3A_87] : memref<10240x128xf32, #tpu.memory_space<vmem_shared>> -> memref<128x128xf32, #tpu.memory_space<vmem_shared>>
      %dma_start3A_89 = arith.constant 0 : i32
      %dma_start3A_90 = tpu.memref_slice %arg14[%add3A_16, %dma_start3A_89] : memref<10240x128xf32, #tpu.memory_space<vmem_shared>> -> memref<128x128xf32, #tpu.memory_space<vmem_shared>>
      tpu.enqueue_dma source(%arg12 : memref<128x128xf32, #tpu.memory_space<vmem>>) target(%dma_start3A_90 : memref<128x128xf32, #tpu.memory_space<vmem_shared>>) target_semaphore(%run_scoped3A_86 : memref<!tpu.dma_semaphore, #tpu.memory_space<semaphore_mem>>)
      %dma_wait3A_91 = arith.constant 0 : i32
      %dma_wait3A_92 = tpu.memref_slice %arg14[%add3A_16, %dma_wait3A_91] : memref<10240x128xf32, #tpu.memory_space<vmem_shared>> -> memref<128x128xf32, #tpu.memory_space<vmem_shared>>
      %dma_wait3A_93 = arith.constant 0 : i32
      %dma_wait3A_94 = tpu.memref_slice %arg14[%add3A_16, %dma_wait3A_93] : memref<10240x128xf32, #tpu.memory_space<vmem_shared>> -> memref<128x128xf32, #tpu.memory_space<vmem_shared>>
      tpu.wait_dma2 semaphore(%run_scoped3A_86 : memref<!tpu.dma_semaphore, #tpu.memory_space<semaphore_mem>>) src(%arg12 : memref<128x128xf32, #tpu.memory_space<vmem>>) dst(%dma_wait3A_94 : memref<128x128xf32, #tpu.memory_space<vmem_shared>>)
      tpu.yield
    }) : () -> ()
    %add3A_17 = arith.constant 512 : i32
    %add3A_18 = arith.addi %mul3A_0, %add3A_17 : i32
    "tpu.region"() ({
      %run_scoped3A_86 = tpu.sem_alloc : memref<!tpu.dma_semaphore, #tpu.memory_space<semaphore_mem>>
      %dma_start3A_87 = arith.constant 0 : i32
      %dma_start3A_88 = tpu.memref_slice %arg14[%add3A_18, %dma_start3A_87] : memref<10240x128xf32, #tpu.memory_space<vmem_shared>> -> memref<128x128xf32, #tpu.memory_space<vmem_shared>>
      %dma_start3A_89 = arith.constant 0 : i32
      %dma_start3A_90 = tpu.memref_slice %arg14[%add3A_18, %dma_start3A_89] : memref<10240x128xf32, #tpu.memory_space<vmem_shared>> -> memref<128x128xf32, #tpu.memory_space<vmem_shared>>
      tpu.enqueue_dma source(%arg12 : memref<128x128xf32, #tpu.memory_space<vmem>>) target(%dma_start3A_90 : memref<128x128xf32, #tpu.memory_space<vmem_shared>>) target_semaphore(%run_scoped3A_86 : memref<!tpu.dma_semaphore, #tpu.memory_space<semaphore_mem>>)
      %dma_wait3A_91 = arith.constant 0 : i32
      %dma_wait3A_92 = tpu.memref_slice %arg14[%add3A_18, %dma_wait3A_91] : memref<10240x128xf32, #tpu.memory_space<vmem_shared>> -> memref<128x128xf32, #tpu.memory_space<vmem_shared>>
      %dma_wait3A_93 = arith.constant 0 : i32
      %dma_wait3A_94 = tpu.memref_slice %arg14[%add3A_18, %dma_wait3A_93] : memref<10240x128xf32, #tpu.memory_space<vmem_shared>> -> memref<128x128xf32, #tpu.memory_space<vmem_shared>>
      tpu.wait_dma2 semaphore(%run_scoped3A_86 : memref<!tpu.dma_semaphore, #tpu.memory_space<semaphore_mem>>) src(%arg12 : memref<128x128xf32, #tpu.memory_space<vmem>>) dst(%dma_wait3A_94 : memref<128x128xf32, #tpu.memory_space<vmem_shared>>)
      tpu.yield
    }) : () -> ()
    %scan3A_19 = arith.constant 0 : i32
    %scan3A_20 = arith.constant 0 : i32
    %scan3A_21 = arith.constant 640 : i32
    %scan3A_22 = arith.addi %scan3A_20, %scan3A_21 : i32
    %scan3A_23 = arith.constant 1 : i32
    %scan3A_24 = scf.for %scan3A_86 = %scan3A_20 to %scan3A_22 step %scan3A_23 iter_args(%scan3A_87 = %scan3A_19) -> (i32)  : i32 {
      %mul3A_88 = arith.constant 16 : i32
      %mul3A_89 = arith.muli %scan3A_86, %mul3A_88 : i32
      %swap3A = arith.index_cast %mul3A_89 : i32 to index
      %swap3A_90 = tpu.vector_load %arg23[%swap3A] {strides = array<i32>} : memref<10240xf32, #tpu.memory_space<vmem>>, vector<16xf32>,
      tpu.vector_store %arg23[%swap3A], %broadcast_in_dim3A_1 {strides = array<i32>} : memref<10240xf32, #tpu.memory_space<vmem>>, vector<16xf32>,
      %scan3A_91 = arith.constant 0 : i32
      scf.yield %scan3A_91 : i32
    }
    %scan3A_25 = arith.constant 640 : i32
    %barrier3A = arith.constant 0 : index
    tpu.barrier barrier_id(%barrier3A)
    %run_scoped3A = arith.constant 0 : i32
    "tpu.region"() ({
      %run_scoped3A_86 = tpu.sem_alloc : memref<!tpu.dma_semaphore, #tpu.memory_space<semaphore_mem>>
      %dma_start3A_87 = arith.constant 0 : i32
      %dma_start3A_88 = arith.constant 0 : i32
      %dma_start3A_89 = tpu.memref_slice %arg4[%arg1, %run_scoped3A, %dma_start3A_87, %dma_start3A_88] : memref<16x80x2x128xi32, #tpu.memory_space<hbm>> -> memref<1x1x2x128xi32, #tpu.memory_space<hbm>>
      %dma_start3A_90 = tpu.memref_squeeze %dma_start3A_89 : memref<1x1x2x128xi32, #tpu.memory_space<hbm>> -> memref<2x128xi32, #tpu.memory_space<hbm>>
      %dma_start3A_91 = arith.constant 0 : i32
      %dma_start3A_92 = arith.constant 0 : i32
      %dma_start3A_93 = tpu.memref_slice %arg4[%arg1, %run_scoped3A, %dma_start3A_91, %dma_start3A_92] : memref<16x80x2x128xi32, #tpu.memory_space<hbm>> -> memref<1x1x2x128xi32, #tpu.memory_space<hbm>>
      %dma_start3A_94 = tpu.memref_squeeze %dma_start3A_93 : memref<1x1x2x128xi32, #tpu.memory_space<hbm>> -> memref<2x128xi32, #tpu.memory_space<hbm>>
      tpu.enqueue_dma source(%dma_start3A_94 : memref<2x128xi32, #tpu.memory_space<hbm>>) target(%arg8 : memref<2x128xi32, #tpu.memory_space<vmem>>) target_semaphore(%run_scoped3A_86 : memref<!tpu.dma_semaphore, #tpu.memory_space<semaphore_mem>>)
      %dma_wait3A_95 = arith.constant 0 : i32
      %dma_wait3A_96 = arith.constant 0 : i32
      %dma_wait3A_97 = tpu.memref_slice %arg4[%arg1, %run_scoped3A, %dma_wait3A_95, %dma_wait3A_96] : memref<16x80x2x128xi32, #tpu.memory_space<hbm>> -> memref<1x1x2x128xi32, #tpu.memory_space<hbm>>
      %dma_wait3A_98 = tpu.memref_squeeze %dma_wait3A_97 : memref<1x1x2x128xi32, #tpu.memory_space<hbm>> -> memref<2x128xi32, #tpu.memory_space<hbm>>
      %dma_wait3A_99 = arith.constant 0 : i32
      %dma_wait3A_100 = arith.constant 0 : i32
      %dma_wait3A_101 = tpu.memref_slice %arg4[%arg1, %run_scoped3A, %dma_wait3A_99, %dma_wait3A_100] : memref<16x80x2x128xi32, #tpu.memory_space<hbm>> -> memref<1x1x2x128xi32, #tpu.memory_space<hbm>>
      %dma_wait3A_102 = tpu.memref_squeeze %dma_wait3A_101 : memref<1x1x2x128xi32, #tpu.memory_space<hbm>> -> memref<2x128xi32, #tpu.memory_space<hbm>>
      tpu.wait_dma2 semaphore(%run_scoped3A_86 : memref<!tpu.dma_semaphore, #tpu.memory_space<semaphore_mem>>) src(%dma_wait3A_102 : memref<2x128xi32, #tpu.memory_space<hbm>>) dst(%arg8 : memref<2x128xi32, #tpu.memory_space<vmem>>)
      tpu.yield
    }) : () -> ()
    %eq3A = arith.constant 0 : i32
    %eq3A_26 = arith.cmpi eq, %arg0, %eq3A : i32
    %convert_element_type3A = arith.extui %eq3A_26 : i1 to i32
    %cond3A = arith.constant 0 : i32
    %cond3A_27 = arith.cmpi ne, %convert_element_type3A, %cond3A : i32
    scf.if %cond3A_27 {
      %dma_start3A_86 = arith.constant 0 : i32
      %dma_start3A_87 = arith.constant 0 : i32
      %dma_start3A_88 = tpu.memref_slice %arg8[%dma_start3A_86, %dma_start3A_87] : memref<2x128xi32, #tpu.memory_space<vmem>> -> memref<1x128xi32, #tpu.memory_space<vmem>>
      %dma_start3A_89 = tpu.memref_squeeze %dma_start3A_88 : memref<1x128xi32, #tpu.memory_space<vmem>> -> memref<128xi32, #tpu.memory_space<vmem>>
      %dma_start3A_90 = arith.constant 0 : i32
      %dma_start3A_91 = arith.constant 0 : i32
      %dma_start3A_92 = tpu.memref_slice %arg2[%dma_start3A_90, %dma_start3A_91] : memref<10240x128xf32, #tpu.memory_space<hbm>> -> memref<10240x128xf32, #tpu.memory_space<hbm>>
      tpu.enqueue_indirect_dma source(%dma_start3A_92 : memref<10240x128xf32, #tpu.memory_space<hbm>>) target(%arg12 : memref<128x128xf32, #tpu.memory_space<vmem>>) offsets(%dma_start3A_89 : memref<128xi32, #tpu.memory_space<vmem>>) semaphore(%arg19 : memref<!tpu.dma_semaphore, #tpu.memory_space<semaphore_mem>>)
    } else {
    }
    %eq3A_28 = arith.constant 1 : i32
    %eq3A_29 = arith.cmpi eq, %arg0, %eq3A_28 : i32
    %convert_element_type3A_30 = arith.extui %eq3A_29 : i1 to i32
    %cond3A_31 = arith.constant 0 : i32
    %cond3A_32 = arith.cmpi ne, %convert_element_type3A_30, %cond3A_31 : i32
    scf.if %cond3A_32 {
      %dma_start3A_86 = arith.constant 0 : i32
      %dma_start3A_87 = arith.constant 0 : i32
      %dma_start3A_88 = tpu.memref_slice %arg8[%dma_start3A_86, %dma_start3A_87] : memref<2x128xi32, #tpu.memory_space<vmem>> -> memref<1x128xi32, #tpu.memory_space<vmem>>
      %dma_start3A_89 = tpu.memref_squeeze %dma_start3A_88 : memref<1x128xi32, #tpu.memory_space<vmem>> -> memref<128xi32, #tpu.memory_space<vmem>>
      %dma_start3A_90 = arith.constant 0 : i32
      %dma_start3A_91 = arith.constant 0 : i32
      %dma_start3A_92 = tpu.memref_slice %arg3[%dma_start3A_90, %dma_start3A_91] : memref<10240x128xf32, #tpu.memory_space<hbm>> -> memref<10240x128xf32, #tpu.memory_space<hbm>>
      tpu.enqueue_indirect_dma source(%dma_start3A_92 : memref<10240x128xf32, #tpu.memory_space<hbm>>) target(%arg12 : memref<128x128xf32, #tpu.memory_space<vmem>>) offsets(%dma_start3A_89 : memref<128xi32, #tpu.memory_space<vmem>>) semaphore(%arg19 : memref<!tpu.dma_semaphore, #tpu.memory_space<semaphore_mem>>)
    } else {
    }
    %dma_start3A = arith.constant 1 : i32
    %dma_start3A_33 = arith.constant 0 : i32
    %dma_start3A_34 = arith.constant 0 : i32
    %dma_start3A_35 = tpu.memref_slice %arg4[%arg1, %dma_start3A, %dma_start3A_33, %dma_start3A_34] : memref<16x80x2x128xi32, #tpu.memory_space<hbm>> -> memref<1x1x2x128xi32, #tpu.memory_space<hbm>>
    %dma_start3A_36 = tpu.memref_squeeze %dma_start3A_35 : memref<1x1x2x128xi32, #tpu.memory_space<hbm>> -> memref<2x128xi32, #tpu.memory_space<hbm>>
    %dma_start3A_37 = arith.constant 0 : i32
    %dma_start3A_38 = arith.constant 0 : i32
    %dma_start3A_39 = tpu.memref_slice %arg4[%arg1, %dma_start3A, %dma_start3A_37, %dma_start3A_38] : memref<16x80x2x128xi32, #tpu.memory_space<hbm>> -> memref<1x1x2x128xi32, #tpu.memory_space<hbm>>
    %dma_start3A_40 = tpu.memref_squeeze %dma_start3A_39 : memref<1x1x2x128xi32, #tpu.memory_space<hbm>> -> memref<2x128xi32, #tpu.memory_space<hbm>>
    tpu.enqueue_dma source(%dma_start3A_40 : memref<2x128xi32, #tpu.memory_space<hbm>>) target(%arg9 : memref<2x128xi32, #tpu.memory_space<vmem>>) target_semaphore(%arg16 : memref<!tpu.dma_semaphore, #tpu.memory_space<semaphore_mem>>)
    %dma_start3A_41 = arith.constant 2 : i32
    %dma_start3A_42 = arith.constant 0 : i32
    %dma_start3A_43 = arith.constant 0 : i32
    %dma_start3A_44 = tpu.memref_slice %arg4[%arg1, %dma_start3A_41, %dma_start3A_42, %dma_start3A_43] : memref<16x80x2x128xi32, #tpu.memory_space<hbm>> -> memref<1x1x2x128xi32, #tpu.memory_space<hbm>>
    %dma_start3A_45 = tpu.memref_squeeze %dma_start3A_44 : memref<1x1x2x128xi32, #tpu.memory_space<hbm>> -> memref<2x128xi32, #tpu.memory_space<hbm>>
    %dma_start3A_46 = arith.constant 0 : i32
    %dma_start3A_47 = arith.constant 0 : i32
    %dma_start3A_48 = tpu.memref_slice %arg4[%arg1, %dma_start3A_41, %dma_start3A_46, %dma_start3A_47] : memref<16x80x2x128xi32, #tpu.memory_space<hbm>> -> memref<1x1x2x128xi32, #tpu.memory_space<hbm>>
    %dma_start3A_49 = tpu.memref_squeeze %dma_start3A_48 : memref<1x1x2x128xi32, #tpu.memory_space<hbm>> -> memref<2x128xi32, #tpu.memory_space<hbm>>
    tpu.enqueue_dma source(%dma_start3A_49 : memref<2x128xi32, #tpu.memory_space<hbm>>) target(%arg10 : memref<2x128xi32, #tpu.memory_space<vmem>>) target_semaphore(%arg17 : memref<!tpu.dma_semaphore, #tpu.memory_space<semaphore_mem>>)
    %scan3A_50 = arith.constant 0 : i32
    %scan3A_51 = arith.constant 0 : i32
    %scan3A_52 = arith.constant 20 : i32
    %scan3A_53 = arith.addi %scan3A_51, %scan3A_52 : i32
    %scan3A_54 = arith.constant 1 : i32
    %scan3A_55 = scf.for %scan3A_86 = %scan3A_51 to %scan3A_53 step %scan3A_54 iter_args(%scan3A_87 = %scan3A_50) -> (i32)  : i32 {
      %mul3A_88 = arith.constant 4 : i32
      %mul3A_89 = arith.muli %mul3A_88, %scan3A_86 : i32
      %lt3A = arith.constant 19 : i32
      %lt3A_90 = arith.cmpi slt, %scan3A_86, %lt3A : i32
      %add3A_91 = arith.constant 1 : i32
      %add3A_92 = arith.addi %mul3A_89, %add3A_91 : i32
      %dma_wait3A_93 = arith.constant 0 : i32
      %dma_wait3A_94 = arith.constant 0 : i32
      %dma_wait3A_95 = tpu.memref_slice %arg4[%arg1, %add3A_92, %dma_wait3A_93, %dma_wait3A_94] : memref<16x80x2x128xi32, #tpu.memory_space<hbm>> -> memref<1x1x2x128xi32, #tpu.memory_space<hbm>>
      %dma_wait3A_96 = tpu.memref_squeeze %dma_wait3A_95 : memref<1x1x2x128xi32, #tpu.memory_space<hbm>> -> memref<2x128xi32, #tpu.memory_space<hbm>>
      %dma_wait3A_97 = arith.constant 0 : i32
      %dma_wait3A_98 = arith.constant 0 : i32
      %dma_wait3A_99 = tpu.memref_slice %arg4[%arg1, %add3A_92, %dma_wait3A_97, %dma_wait3A_98] : memref<16x80x2x128xi32, #tpu.memory_space<hbm>> -> memref<1x1x2x128xi32, #tpu.memory_space<hbm>>
      %dma_wait3A_100 = tpu.memref_squeeze %dma_wait3A_99 : memref<1x1x2x128xi32, #tpu.memory_space<hbm>> -> memref<2x128xi32, #tpu.memory_space<hbm>>
      tpu.wait_dma2 semaphore(%arg16 : memref<!tpu.dma_semaphore, #tpu.memory_space<semaphore_mem>>) src(%dma_wait3A_100 : memref<2x128xi32, #tpu.memory_space<hbm>>) dst(%arg9 : memref<2x128xi32, #tpu.memory_space<vmem>>)
      %gt3A = arith.constant 0 : i32
      %gt3A_101 = arith.cmpi sgt, %scan3A_86, %gt3A : i32
      %convert_element_type3A_102 = arith.extui %gt3A_101 : i1 to i32
      %cond3A_103 = arith.constant 0 : i32
      %cond3A_104 = arith.cmpi ne, %convert_element_type3A_102, %cond3A_103 : i32
      scf.if %cond3A_104 {
        %dma_wait3A_265 = arith.constant 1 : i32
        %dma_wait3A_266 = arith.constant 0 : i32
        %dma_wait3A_267 = tpu.memref_slice %arg11[%dma_wait3A_265, %dma_wait3A_266] : memref<2x128xi32, #tpu.memory_space<vmem>> -> memref<1x128xi32, #tpu.memory_space<vmem>>
        %dma_wait3A_268 = tpu.memref_squeeze %dma_wait3A_267 : memref<1x128xi32, #tpu.memory_space<vmem>> -> memref<128xi32, #tpu.memory_space<vmem>>
        %dma_wait3A_269 = arith.constant 0 : i32
        %dma_wait3A_270 = arith.constant 0 : i32
        %dma_wait3A_271 = tpu.memref_slice %arg14[%dma_wait3A_269, %dma_wait3A_270] : memref<10240x128xf32, #tpu.memory_space<vmem_shared>> -> memref<10240x128xf32, #tpu.memory_space<vmem_shared>>
        tpu.wait_indirect_dma semaphore(%arg22 : memref<!tpu.dma_semaphore, #tpu.memory_space<semaphore_mem>>) src(%arg13 : memref<128x128xf32, #tpu.memory_space<vmem>>) dst(%dma_wait3A_271 : memref<10240x128xf32, #tpu.memory_space<vmem_shared>>)
      } else {
      }
      %eq3A_105 = arith.constant 0 : i32
      %eq3A_106 = arith.cmpi eq, %arg0, %eq3A_105 : i32
      %convert_element_type3A_107 = arith.extui %eq3A_106 : i1 to i32
      %cond3A_108 = arith.constant 0 : i32
      %cond3A_109 = arith.cmpi ne, %convert_element_type3A_107, %cond3A_108 : i32
      scf.if %cond3A_109 {
        %dma_start3A_265 = arith.constant 0 : i32
        %dma_start3A_266 = arith.constant 0 : i32
        %dma_start3A_267 = tpu.memref_slice %arg9[%dma_start3A_265, %dma_start3A_266] : memref<2x128xi32, #tpu.memory_space<vmem>> -> memref<1x128xi32, #tpu.memory_space<vmem>>
        %dma_start3A_268 = tpu.memref_squeeze %dma_start3A_267 : memref<1x128xi32, #tpu.memory_space<vmem>> -> memref<128xi32, #tpu.memory_space<vmem>>
        %dma_start3A_269 = arith.constant 0 : i32
        %dma_start3A_270 = arith.constant 0 : i32
        %dma_start3A_271 = tpu.memref_slice %arg2[%dma_start3A_269, %dma_start3A_270] : memref<10240x128xf32, #tpu.memory_space<hbm>> -> memref<10240x128xf32, #tpu.memory_space<hbm>>
        tpu.enqueue_indirect_dma source(%dma_start3A_271 : memref<10240x128xf32, #tpu.memory_space<hbm>>) target(%arg13 : memref<128x128xf32, #tpu.memory_space<vmem>>) offsets(%dma_start3A_268 : memref<128xi32, #tpu.memory_space<vmem>>) semaphore(%arg20 : memref<!tpu.dma_semaphore, #tpu.memory_space<semaphore_mem>>)
      } else {
      }
      %eq3A_110 = arith.constant 1 : i32
      %eq3A_111 = arith.cmpi eq, %arg0, %eq3A_110 : i32
      %convert_element_type3A_112 = arith.extui %eq3A_111 : i1 to i32
      %cond3A_113 = arith.constant 0 : i32
      %cond3A_114 = arith.cmpi ne, %convert_element_type3A_112, %cond3A_113 : i32
      scf.if %cond3A_114 {
        %dma_start3A_265 = arith.constant 0 : i32
        %dma_start3A_266 = arith.constant 0 : i32
        %dma_start3A_267 = tpu.memref_slice %arg9[%dma_start3A_265, %dma_start3A_266] : memref<2x128xi32, #tpu.memory_space<vmem>> -> memref<1x128xi32, #tpu.memory_space<vmem>>
        %dma_start3A_268 = tpu.memref_squeeze %dma_start3A_267 : memref<1x128xi32, #tpu.memory_space<vmem>> -> memref<128xi32, #tpu.memory_space<vmem>>
        %dma_start3A_269 = arith.constant 0 : i32
        %dma_start3A_270 = arith.constant 0 : i32
        %dma_start3A_271 = tpu.memref_slice %arg3[%dma_start3A_269, %dma_start3A_270] : memref<10240x128xf32, #tpu.memory_space<hbm>> -> memref<10240x128xf32, #tpu.memory_space<hbm>>
        tpu.enqueue_indirect_dma source(%dma_start3A_271 : memref<10240x128xf32, #tpu.memory_space<hbm>>) target(%arg13 : memref<128x128xf32, #tpu.memory_space<vmem>>) offsets(%dma_start3A_268 : memref<128xi32, #tpu.memory_space<vmem>>) semaphore(%arg20 : memref<!tpu.dma_semaphore, #tpu.memory_space<semaphore_mem>>)
      } else {
      }
      %add3A_115 = arith.constant 3 : i32
      %add3A_116 = arith.addi %mul3A_89, %add3A_115 : i32
      %dma_start3A_117 = arith.constant 0 : i32
      %dma_start3A_118 = arith.constant 0 : i32
      %dma_start3A_119 = tpu.memref_slice %arg4[%arg1, %add3A_116, %dma_start3A_117, %dma_start3A_118] : memref<16x80x2x128xi32, #tpu.memory_space<hbm>> -> memref<1x1x2x128xi32, #tpu.memory_space<hbm>>
      %dma_start3A_120 = tpu.memref_squeeze %dma_start3A_119 : memref<1x1x2x128xi32, #tpu.memory_space<hbm>> -> memref<2x128xi32, #tpu.memory_space<hbm>>
      %dma_start3A_121 = arith.constant 0 : i32
      %dma_start3A_122 = arith.constant 0 : i32
      %dma_start3A_123 = tpu.memref_slice %arg4[%arg1, %add3A_116, %dma_start3A_121, %dma_start3A_122] : memref<16x80x2x128xi32, #tpu.memory_space<hbm>> -> memref<1x1x2x128xi32, #tpu.memory_space<hbm>>
      %dma_start3A_124 = tpu.memref_squeeze %dma_start3A_123 : memref<1x1x2x128xi32, #tpu.memory_space<hbm>> -> memref<2x128xi32, #tpu.memory_space<hbm>>
      tpu.enqueue_dma source(%dma_start3A_124 : memref<2x128xi32, #tpu.memory_space<hbm>>) target(%arg11 : memref<2x128xi32, #tpu.memory_space<vmem>>) target_semaphore(%arg18 : memref<!tpu.dma_semaphore, #tpu.memory_space<semaphore_mem>>)
      %dma_wait3A_125 = arith.constant 0 : i32
      %dma_wait3A_126 = arith.constant 0 : i32
      %dma_wait3A_127 = tpu.memref_slice %arg8[%dma_wait3A_125, %dma_wait3A_126] : memref<2x128xi32, #tpu.memory_space<vmem>> -> memref<1x128xi32, #tpu.memory_space<vmem>>
      %dma_wait3A_128 = tpu.memref_squeeze %dma_wait3A_127 : memref<1x128xi32, #tpu.memory_space<vmem>> -> memref<128xi32, #tpu.memory_space<vmem>>
      %dma_wait3A_129 = arith.constant 0 : i32
      %dma_wait3A_130 = arith.constant 0 : i32
      %dma_wait3A_131 = tpu.memref_slice %arg2[%dma_wait3A_129, %dma_wait3A_130] : memref<10240x128xf32, #tpu.memory_space<hbm>> -> memref<10240x128xf32, #tpu.memory_space<hbm>>
      tpu.wait_indirect_dma semaphore(%arg19 : memref<!tpu.dma_semaphore, #tpu.memory_space<semaphore_mem>>) src(%dma_wait3A_131 : memref<10240x128xf32, #tpu.memory_space<hbm>>) dst(%arg12 : memref<128x128xf32, #tpu.memory_space<vmem>>)
      %eq3A_132 = arith.constant 0 : i32
      %eq3A_133 = arith.cmpi eq, %arg0, %eq3A_132 : i32
      %convert_element_type3A_134 = arith.extui %eq3A_133 : i1 to i32
      %cond3A_135 = arith.constant 0 : i32
      %cond3A_136 = arith.cmpi ne, %convert_element_type3A_134, %cond3A_135 : i32
      scf.if %cond3A_136 {
        %scan3A_265 = arith.constant 0 : i32
        %scan3A_266 = arith.constant 0 : i32
        %scan3A_267 = arith.constant 8 : i32
        %scan3A_268 = arith.addi %scan3A_266, %scan3A_267 : i32
        %scan3A_269 = arith.constant 1 : i32
        %scan3A_270 = scf.for %scan3A_272 = %scan3A_266 to %scan3A_268 step %scan3A_269 iter_args(%scan3A_273 = %scan3A_265) -> (i32)  : i32 {
          %mul3A_274 = arith.constant 16 : i32
          %mul3A_275 = arith.muli %scan3A_272, %mul3A_274 : i32
          %get3A = arith.constant 1 : i32
          %get3A_276 = arith.index_cast %get3A : i32 to index
          %get3A_277 = arith.index_cast %mul3A_275 : i32 to index
          %get3A_278 = tpu.vector_load %arg8[%get3A_276, %get3A_277] {strides = array<i32>} : memref<2x128xi32, #tpu.memory_space<vmem>>, vector<16xi32>,
          tpu.vector_store_idx %arg23[%get3A_278], %broadcast_in_dim3A_3 {add = true} : memref<10240xf32, #tpu.memory_space<vmem>>[vector<16xi32>], vector<16xf32>,
          %scan3A_279 = arith.constant 0 : i32
          scf.yield %scan3A_279 : i32
        }
        %scan3A_271 = arith.constant 8 : i32
      } else {
      }
      %dma_start3A_137 = arith.constant 1 : i32
      %dma_start3A_138 = arith.constant 0 : i32
      %dma_start3A_139 = tpu.memref_slice %arg8[%dma_start3A_137, %dma_start3A_138] : memref<2x128xi32, #tpu.memory_space<vmem>> -> memref<1x128xi32, #tpu.memory_space<vmem>>
      %dma_start3A_140 = tpu.memref_squeeze %dma_start3A_139 : memref<1x128xi32, #tpu.memory_space<vmem>> -> memref<128xi32, #tpu.memory_space<vmem>>
      %dma_start3A_141 = arith.constant 0 : i32
      %dma_start3A_142 = arith.constant 0 : i32
      %dma_start3A_143 = tpu.memref_slice %arg14[%dma_start3A_141, %dma_start3A_142] : memref<10240x128xf32, #tpu.memory_space<vmem_shared>> -> memref<10240x128xf32, #tpu.memory_space<vmem_shared>>
      tpu.enqueue_indirect_dma source(%arg12 : memref<128x128xf32, #tpu.memory_space<vmem>>) target(%dma_start3A_143 : memref<10240x128xf32, #tpu.memory_space<vmem_shared>>) offsets(%dma_start3A_140 : memref<128xi32, #tpu.memory_space<vmem>>) semaphore(%arg21 : memref<!tpu.dma_semaphore, #tpu.memory_space<semaphore_mem>>) {add = true}
      %add3A_144 = arith.constant 2 : i32
      %add3A_145 = arith.addi %mul3A_89, %add3A_144 : i32
      %dma_wait3A_146 = arith.constant 0 : i32
      %dma_wait3A_147 = arith.constant 0 : i32
      %dma_wait3A_148 = tpu.memref_slice %arg4[%arg1, %add3A_145, %dma_wait3A_146, %dma_wait3A_147] : memref<16x80x2x128xi32, #tpu.memory_space<hbm>> -> memref<1x1x2x128xi32, #tpu.memory_space<hbm>>
      %dma_wait3A_149 = tpu.memref_squeeze %dma_wait3A_148 : memref<1x1x2x128xi32, #tpu.memory_space<hbm>> -> memref<2x128xi32, #tpu.memory_space<hbm>>
      %dma_wait3A_150 = arith.constant 0 : i32
      %dma_wait3A_151 = arith.constant 0 : i32
      %dma_wait3A_152 = tpu.memref_slice %arg4[%arg1, %add3A_145, %dma_wait3A_150, %dma_wait3A_151] : memref<16x80x2x128xi32, #tpu.memory_space<hbm>> -> memref<1x1x2x128xi32, #tpu.memory_space<hbm>>
      %dma_wait3A_153 = tpu.memref_squeeze %dma_wait3A_152 : memref<1x1x2x128xi32, #tpu.memory_space<hbm>> -> memref<2x128xi32, #tpu.memory_space<hbm>>
      tpu.wait_dma2 semaphore(%arg17 : memref<!tpu.dma_semaphore, #tpu.memory_space<semaphore_mem>>) src(%dma_wait3A_153 : memref<2x128xi32, #tpu.memory_space<hbm>>) dst(%arg10 : memref<2x128xi32, #tpu.memory_space<vmem>>)
      %dma_wait3A_154 = arith.constant 1 : i32
      %dma_wait3A_155 = arith.constant 0 : i32
      %dma_wait3A_156 = tpu.memref_slice %arg8[%dma_wait3A_154, %dma_wait3A_155] : memref<2x128xi32, #tpu.memory_space<vmem>> -> memref<1x128xi32, #tpu.memory_space<vmem>>
      %dma_wait3A_157 = tpu.memref_squeeze %dma_wait3A_156 : memref<1x128xi32, #tpu.memory_space<vmem>> -> memref<128xi32, #tpu.memory_space<vmem>>
      %dma_wait3A_158 = arith.constant 0 : i32
      %dma_wait3A_159 = arith.constant 0 : i32
      %dma_wait3A_160 = tpu.memref_slice %arg14[%dma_wait3A_158, %dma_wait3A_159] : memref<10240x128xf32, #tpu.memory_space<vmem_shared>> -> memref<10240x128xf32, #tpu.memory_space<vmem_shared>>
      tpu.wait_indirect_dma semaphore(%arg21 : memref<!tpu.dma_semaphore, #tpu.memory_space<semaphore_mem>>) src(%arg12 : memref<128x128xf32, #tpu.memory_space<vmem>>) dst(%dma_wait3A_160 : memref<10240x128xf32, #tpu.memory_space<vmem_shared>>)
      %eq3A_161 = arith.constant 0 : i32
      %eq3A_162 = arith.cmpi eq, %arg0, %eq3A_161 : i32
      %convert_element_type3A_163 = arith.extui %eq3A_162 : i1 to i32
      %cond3A_164 = arith.constant 0 : i32
      %cond3A_165 = arith.cmpi ne, %convert_element_type3A_163, %cond3A_164 : i32
      scf.if %cond3A_165 {
        %dma_start3A_265 = arith.constant 0 : i32
        %dma_start3A_266 = arith.constant 0 : i32
        %dma_start3A_267 = tpu.memref_slice %arg10[%dma_start3A_265, %dma_start3A_266] : memref<2x128xi32, #tpu.memory_space<vmem>> -> memref<1x128xi32, #tpu.memory_space<vmem>>
        %dma_start3A_268 = tpu.memref_squeeze %dma_start3A_267 : memref<1x128xi32, #tpu.memory_space<vmem>> -> memref<128xi32, #tpu.memory_space<vmem>>
        %dma_start3A_269 = arith.constant 0 : i32
        %dma_start3A_270 = arith.constant 0 : i32
        %dma_start3A_271 = tpu.memref_slice %arg2[%dma_start3A_269, %dma_start3A_270] : memref<10240x128xf32, #tpu.memory_space<hbm>> -> memref<10240x128xf32, #tpu.memory_space<hbm>>
        tpu.enqueue_indirect_dma source(%dma_start3A_271 : memref<10240x128xf32, #tpu.memory_space<hbm>>) target(%arg12 : memref<128x128xf32, #tpu.memory_space<vmem>>) offsets(%dma_start3A_268 : memref<128xi32, #tpu.memory_space<vmem>>) semaphore(%arg19 : memref<!tpu.dma_semaphore, #tpu.memory_space<semaphore_mem>>)
      } else {
      }
      %eq3A_166 = arith.constant 1 : i32
      %eq3A_167 = arith.cmpi eq, %arg0, %eq3A_166 : i32
      %convert_element_type3A_168 = arith.extui %eq3A_167 : i1 to i32
      %cond3A_169 = arith.constant 0 : i32
      %cond3A_170 = arith.cmpi ne, %convert_element_type3A_168, %cond3A_169 : i32
      scf.if %cond3A_170 {
        %dma_start3A_265 = arith.constant 0 : i32
        %dma_start3A_266 = arith.constant 0 : i32
        %dma_start3A_267 = tpu.memref_slice %arg10[%dma_start3A_265, %dma_start3A_266] : memref<2x128xi32, #tpu.memory_space<vmem>> -> memref<1x128xi32, #tpu.memory_space<vmem>>
        %dma_start3A_268 = tpu.memref_squeeze %dma_start3A_267 : memref<1x128xi32, #tpu.memory_space<vmem>> -> memref<128xi32, #tpu.memory_space<vmem>>
        %dma_start3A_269 = arith.constant 0 : i32
        %dma_start3A_270 = arith.constant 0 : i32
        %dma_start3A_271 = tpu.memref_slice %arg3[%dma_start3A_269, %dma_start3A_270] : memref<10240x128xf32, #tpu.memory_space<hbm>> -> memref<10240x128xf32, #tpu.memory_space<hbm>>
        tpu.enqueue_indirect_dma source(%dma_start3A_271 : memref<10240x128xf32, #tpu.memory_space<hbm>>) target(%arg12 : memref<128x128xf32, #tpu.memory_space<vmem>>) offsets(%dma_start3A_268 : memref<128xi32, #tpu.memory_space<vmem>>) semaphore(%arg19 : memref<!tpu.dma_semaphore, #tpu.memory_space<semaphore_mem>>)
      } else {
      }
      %convert_element_type3A_171 = arith.extui %lt3A_90 : i1 to i32
      %cond3A_172 = arith.constant 0 : i32
      %cond3A_173 = arith.cmpi ne, %convert_element_type3A_171, %cond3A_172 : i32
      scf.if %cond3A_173 {
        %add3A_265 = arith.constant 4 : i32
        %add3A_266 = arith.addi %mul3A_89, %add3A_265 : i32
        %dma_start3A_267 = arith.constant 0 : i32
        %dma_start3A_268 = arith.constant 0 : i32
        %dma_start3A_269 = tpu.memref_slice %arg4[%arg1, %add3A_266, %dma_start3A_267, %dma_start3A_268] : memref<16x80x2x128xi32, #tpu.memory_space<hbm>> -> memref<1x1x2x128xi32, #tpu.memory_space<hbm>>
        %dma_start3A_270 = tpu.memref_squeeze %dma_start3A_269 : memref<1x1x2x128xi32, #tpu.memory_space<hbm>> -> memref<2x128xi32, #tpu.memory_space<hbm>>
        %dma_start3A_271 = arith.constant 0 : i32
        %dma_start3A_272 = arith.constant 0 : i32
        %dma_start3A_273 = tpu.memref_slice %arg4[%arg1, %add3A_266, %dma_start3A_271, %dma_start3A_272] : memref<16x80x2x128xi32, #tpu.memory_space<hbm>> -> memref<1x1x2x128xi32, #tpu.memory_space<hbm>>
        %dma_start3A_274 = tpu.memref_squeeze %dma_start3A_273 : memref<1x1x2x128xi32, #tpu.memory_space<hbm>> -> memref<2x128xi32, #tpu.memory_space<hbm>>
        tpu.enqueue_dma source(%dma_start3A_274 : memref<2x128xi32, #tpu.memory_space<hbm>>) target(%arg8 : memref<2x128xi32, #tpu.memory_space<vmem>>) target_semaphore(%arg15 : memref<!tpu.dma_semaphore, #tpu.memory_space<semaphore_mem>>)
      } else {
      }
      %dma_wait3A_174 = arith.constant 0 : i32
      %dma_wait3A_175 = arith.constant 0 : i32
      %dma_wait3A_176 = tpu.memref_slice %arg9[%dma_wait3A_174, %dma_wait3A_175] : memref<2x128xi32, #tpu.memory_space<vmem>> -> memref<1x128xi32, #tpu.memory_space<vmem>>
      %dma_wait3A_177 = tpu.memref_squeeze %dma_wait3A_176 : memref<1x128xi32, #tpu.memory_space<vmem>> -> memref<128xi32, #tpu.memory_space<vmem>>
      %dma_wait3A_178 = arith.constant 0 : i32
      %dma_wait3A_179 = arith.constant 0 : i32
      %dma_wait3A_180 = tpu.memref_slice %arg2[%dma_wait3A_178, %dma_wait3A_179] : memref<10240x128xf32, #tpu.memory_space<hbm>> -> memref<10240x128xf32, #tpu.memory_space<hbm>>
      tpu.wait_indirect_dma semaphore(%arg20 : memref<!tpu.dma_semaphore, #tpu.memory_space<semaphore_mem>>) src(%dma_wait3A_180 : memref<10240x128xf32, #tpu.memory_space<hbm>>) dst(%arg13 : memref<128x128xf32, #tpu.memory_space<vmem>>)
      %eq3A_181 = arith.constant 0 : i32
      %eq3A_182 = arith.cmpi eq, %arg0, %eq3A_181 : i32
      %convert_element_type3A_183 = arith.extui %eq3A_182 : i1 to i32
      %cond3A_184 = arith.constant 0 : i32
      %cond3A_185 = arith.cmpi ne, %convert_element_type3A_183, %cond3A_184 : i32
      scf.if %cond3A_185 {
        %scan3A_265 = arith.constant 0 : i32
        %scan3A_266 = arith.constant 0 : i32
        %scan3A_267 = arith.constant 8 : i32
        %scan3A_268 = arith.addi %scan3A_266, %scan3A_267 : i32
        %scan3A_269 = arith.constant 1 : i32
        %scan3A_270 = scf.for %scan3A_272 = %scan3A_266 to %scan3A_268 step %scan3A_269 iter_args(%scan3A_273 = %scan3A_265) -> (i32)  : i32 {
          %mul3A_274 = arith.constant 16 : i32
          %mul3A_275 = arith.muli %scan3A_272, %mul3A_274 : i32
          %get3A = arith.constant 1 : i32
          %get3A_276 = arith.index_cast %get3A : i32 to index
          %get3A_277 = arith.index_cast %mul3A_275 : i32 to index
          %get3A_278 = tpu.vector_load %arg9[%get3A_276, %get3A_277] {strides = array<i32>} : memref<2x128xi32, #tpu.memory_space<vmem>>, vector<16xi32>,
          tpu.vector_store_idx %arg23[%get3A_278], %broadcast_in_dim3A_3 {add = true} : memref<10240xf32, #tpu.memory_space<vmem>>[vector<16xi32>], vector<16xf32>,
          %scan3A_279 = arith.constant 0 : i32
          scf.yield %scan3A_279 : i32
        }
        %scan3A_271 = arith.constant 8 : i32
      } else {
      }
      %dma_start3A_186 = arith.constant 1 : i32
      %dma_start3A_187 = arith.constant 0 : i32
      %dma_start3A_188 = tpu.memref_slice %arg9[%dma_start3A_186, %dma_start3A_187] : memref<2x128xi32, #tpu.memory_space<vmem>> -> memref<1x128xi32, #tpu.memory_space<vmem>>
      %dma_start3A_189 = tpu.memref_squeeze %dma_start3A_188 : memref<1x128xi32, #tpu.memory_space<vmem>> -> memref<128xi32, #tpu.memory_space<vmem>>
      %dma_start3A_190 = arith.constant 0 : i32
      %dma_start3A_191 = arith.constant 0 : i32
      %dma_start3A_192 = tpu.memref_slice %arg14[%dma_start3A_190, %dma_start3A_191] : memref<10240x128xf32, #tpu.memory_space<vmem_shared>> -> memref<10240x128xf32, #tpu.memory_space<vmem_shared>>
      tpu.enqueue_indirect_dma source(%arg13 : memref<128x128xf32, #tpu.memory_space<vmem>>) target(%dma_start3A_192 : memref<10240x128xf32, #tpu.memory_space<vmem_shared>>) offsets(%dma_start3A_189 : memref<128xi32, #tpu.memory_space<vmem>>) semaphore(%arg22 : memref<!tpu.dma_semaphore, #tpu.memory_space<semaphore_mem>>) {add = true}
      %add3A_193 = arith.constant 3 : i32
      %add3A_194 = arith.addi %mul3A_89, %add3A_193 : i32
      %dma_wait3A_195 = arith.constant 0 : i32
      %dma_wait3A_196 = arith.constant 0 : i32
      %dma_wait3A_197 = tpu.memref_slice %arg4[%arg1, %add3A_194, %dma_wait3A_195, %dma_wait3A_196] : memref<16x80x2x128xi32, #tpu.memory_space<hbm>> -> memref<1x1x2x128xi32, #tpu.memory_space<hbm>>
      %dma_wait3A_198 = tpu.memref_squeeze %dma_wait3A_197 : memref<1x1x2x128xi32, #tpu.memory_space<hbm>> -> memref<2x128xi32, #tpu.memory_space<hbm>>
      %dma_wait3A_199 = arith.constant 0 : i32
      %dma_wait3A_200 = arith.constant 0 : i32
      %dma_wait3A_201 = tpu.memref_slice %arg4[%arg1, %add3A_194, %dma_wait3A_199, %dma_wait3A_200] : memref<16x80x2x128xi32, #tpu.memory_space<hbm>> -> memref<1x1x2x128xi32, #tpu.memory_space<hbm>>
      %dma_wait3A_202 = tpu.memref_squeeze %dma_wait3A_201 : memref<1x1x2x128xi32, #tpu.memory_space<hbm>> -> memref<2x128xi32, #tpu.memory_space<hbm>>
      tpu.wait_dma2 semaphore(%arg18 : memref<!tpu.dma_semaphore, #tpu.memory_space<semaphore_mem>>) src(%dma_wait3A_202 : memref<2x128xi32, #tpu.memory_space<hbm>>) dst(%arg11 : memref<2x128xi32, #tpu.memory_space<vmem>>)
      %dma_wait3A_203 = arith.constant 1 : i32
      %dma_wait3A_204 = arith.constant 0 : i32
      %dma_wait3A_205 = tpu.memref_slice %arg9[%dma_wait3A_203, %dma_wait3A_204] : memref<2x128xi32, #tpu.memory_space<vmem>> -> memref<1x128xi32, #tpu.memory_space<vmem>>
      %dma_wait3A_206 = tpu.memref_squeeze %dma_wait3A_205 : memref<1x128xi32, #tpu.memory_space<vmem>> -> memref<128xi32, #tpu.memory_space<vmem>>
      %dma_wait3A_207 = arith.constant 0 : i32
      %dma_wait3A_208 = arith.constant 0 : i32
      %dma_wait3A_209 = tpu.memref_slice %arg14[%dma_wait3A_207, %dma_wait3A_208] : memref<10240x128xf32, #tpu.memory_space<vmem_shared>> -> memref<10240x128xf32, #tpu.memory_space<vmem_shared>>
      tpu.wait_indirect_dma semaphore(%arg22 : memref<!tpu.dma_semaphore, #tpu.memory_space<semaphore_mem>>) src(%arg13 : memref<128x128xf32, #tpu.memory_space<vmem>>) dst(%dma_wait3A_209 : memref<10240x128xf32, #tpu.memory_space<vmem_shared>>)
      %eq3A_210 = arith.constant 0 : i32
      %eq3A_211 = arith.cmpi eq, %arg0, %eq3A_210 : i32
      %convert_element_type3A_212 = arith.extui %eq3A_211 : i1 to i32
      %cond3A_213 = arith.constant 0 : i32
      %cond3A_214 = arith.cmpi ne, %convert_element_type3A_212, %cond3A_213 : i32
      scf.if %cond3A_214 {
        %dma_start3A_265 = arith.constant 0 : i32
        %dma_start3A_266 = arith.constant 0 : i32
        %dma_start3A_267 = tpu.memref_slice %arg11[%dma_start3A_265, %dma_start3A_266] : memref<2x128xi32, #tpu.memory_space<vmem>> -> memref<1x128xi32, #tpu.memory_space<vmem>>
        %dma_start3A_268 = tpu.memref_squeeze %dma_start3A_267 : memref<1x128xi32, #tpu.memory_space<vmem>> -> memref<128xi32, #tpu.memory_space<vmem>>
        %dma_start3A_269 = arith.constant 0 : i32
        %dma_start3A_270 = arith.constant 0 : i32
        %dma_start3A_271 = tpu.memref_slice %arg2[%dma_start3A_269, %dma_start3A_270] : memref<10240x128xf32, #tpu.memory_space<hbm>> -> memref<10240x128xf32, #tpu.memory_space<hbm>>
        tpu.enqueue_indirect_dma source(%dma_start3A_271 : memref<10240x128xf32, #tpu.memory_space<hbm>>) target(%arg13 : memref<128x128xf32, #tpu.memory_space<vmem>>) offsets(%dma_start3A_268 : memref<128xi32, #tpu.memory_space<vmem>>) semaphore(%arg20 : memref<!tpu.dma_semaphore, #tpu.memory_space<semaphore_mem>>)
      } else {
      }
      %eq3A_215 = arith.constant 1 : i32
      %eq3A_216 = arith.cmpi eq, %arg0, %eq3A_215 : i32
      %convert_element_type3A_217 = arith.extui %eq3A_216 : i1 to i32
      %cond3A_218 = arith.constant 0 : i32
      %cond3A_219 = arith.cmpi ne, %convert_element_type3A_217, %cond3A_218 : i32
      scf.if %cond3A_219 {
        %dma_start3A_265 = arith.constant 0 : i32
        %dma_start3A_266 = arith.constant 0 : i32
        %dma_start3A_267 = tpu.memref_slice %arg11[%dma_start3A_265, %dma_start3A_266] : memref<2x128xi32, #tpu.memory_space<vmem>> -> memref<1x128xi32, #tpu.memory_space<vmem>>
        %dma_start3A_268 = tpu.memref_squeeze %dma_start3A_267 : memref<1x128xi32, #tpu.memory_space<vmem>> -> memref<128xi32, #tpu.memory_space<vmem>>
        %dma_start3A_269 = arith.constant 0 : i32
        %dma_start3A_270 = arith.constant 0 : i32
        %dma_start3A_271 = tpu.memref_slice %arg3[%dma_start3A_269, %dma_start3A_270] : memref<10240x128xf32, #tpu.memory_space<hbm>> -> memref<10240x128xf32, #tpu.memory_space<hbm>>
        tpu.enqueue_indirect_dma source(%dma_start3A_271 : memref<10240x128xf32, #tpu.memory_space<hbm>>) target(%arg13 : memref<128x128xf32, #tpu.memory_space<vmem>>) offsets(%dma_start3A_268 : memref<128xi32, #tpu.memory_space<vmem>>) semaphore(%arg20 : memref<!tpu.dma_semaphore, #tpu.memory_space<semaphore_mem>>)
      } else {
      }
      %convert_element_type3A_220 = arith.extui %lt3A_90 : i1 to i32
      %cond3A_221 = arith.constant 0 : i32
      %cond3A_222 = arith.cmpi ne, %convert_element_type3A_220, %cond3A_221 : i32
      scf.if %cond3A_222 {
        %add3A_265 = arith.constant 5 : i32
        %add3A_266 = arith.addi %mul3A_89, %add3A_265 : i32
        %dma_start3A_267 = arith.constant 0 : i32
        %dma_start3A_268 = arith.constant 0 : i32
        %dma_start3A_269 = tpu.memref_slice %arg4[%arg1, %add3A_266, %dma_start3A_267, %dma_start3A_268] : memref<16x80x2x128xi32, #tpu.memory_space<hbm>> -> memref<1x1x2x128xi32, #tpu.memory_space<hbm>>
        %dma_start3A_270 = tpu.memref_squeeze %dma_start3A_269 : memref<1x1x2x128xi32, #tpu.memory_space<hbm>> -> memref<2x128xi32, #tpu.memory_space<hbm>>
        %dma_start3A_271 = arith.constant 0 : i32
        %dma_start3A_272 = arith.constant 0 : i32
        %dma_start3A_273 = tpu.memref_slice %arg4[%arg1, %add3A_266, %dma_start3A_271, %dma_start3A_272] : memref<16x80x2x128xi32, #tpu.memory_space<hbm>> -> memref<1x1x2x128xi32, #tpu.memory_space<hbm>>
        %dma_start3A_274 = tpu.memref_squeeze %dma_start3A_273 : memref<1x1x2x128xi32, #tpu.memory_space<hbm>> -> memref<2x128xi32, #tpu.memory_space<hbm>>
        tpu.enqueue_dma source(%dma_start3A_274 : memref<2x128xi32, #tpu.memory_space<hbm>>) target(%arg9 : memref<2x128xi32, #tpu.memory_space<vmem>>) target_semaphore(%arg16 : memref<!tpu.dma_semaphore, #tpu.memory_space<semaphore_mem>>)
      } else {
      }
      %dma_wait3A_223 = arith.constant 0 : i32
      %dma_wait3A_224 = arith.constant 0 : i32
      %dma_wait3A_225 = tpu.memref_slice %arg10[%dma_wait3A_223, %dma_wait3A_224] : memref<2x128xi32, #tpu.memory_space<vmem>> -> memref<1x128xi32, #tpu.memory_space<vmem>>
      %dma_wait3A_226 = tpu.memref_squeeze %dma_wait3A_225 : memref<1x128xi32, #tpu.memory_space<vmem>> -> memref<128xi32, #tpu.memory_space<vmem>>
      %dma_wait3A_227 = arith.constant 0 : i32
      %dma_wait3A_228 = arith.constant 0 : i32
      %dma_wait3A_229 = tpu.memref_slice %arg2[%dma_wait3A_227, %dma_wait3A_228] : memref<10240x128xf32, #tpu.memory_space<hbm>> -> memref<10240x128xf32, #tpu.memory_space<hbm>>
      tpu.wait_indirect_dma semaphore(%arg19 : memref<!tpu.dma_semaphore, #tpu.memory_space<semaphore_mem>>) src(%dma_wait3A_229 : memref<10240x128xf32, #tpu.memory_space<hbm>>) dst(%arg12 : memref<128x128xf32, #tpu.memory_space<vmem>>)
      %eq3A_230 = arith.constant 0 : i32
      %eq3A_231 = arith.cmpi eq, %arg0, %eq3A_230 : i32
      %convert_element_type3A_232 = arith.extui %eq3A_231 : i1 to i32
      %cond3A_233 = arith.constant 0 : i32
      %cond3A_234 = arith.cmpi ne, %convert_element_type3A_232, %cond3A_233 : i32
      scf.if %cond3A_234 {
        %scan3A_265 = arith.constant 0 : i32
        %scan3A_266 = arith.constant 0 : i32
        %scan3A_267 = arith.constant 8 : i32
        %scan3A_268 = arith.addi %scan3A_266, %scan3A_267 : i32
        %scan3A_269 = arith.constant 1 : i32
        %scan3A_270 = scf.for %scan3A_272 = %scan3A_266 to %scan3A_268 step %scan3A_269 iter_args(%scan3A_273 = %scan3A_265) -> (i32)  : i32 {
          %mul3A_274 = arith.constant 16 : i32
          %mul3A_275 = arith.muli %scan3A_272, %mul3A_274 : i32
          %get3A = arith.constant 1 : i32
          %get3A_276 = arith.index_cast %get3A : i32 to index
          %get3A_277 = arith.index_cast %mul3A_275 : i32 to index
          %get3A_278 = tpu.vector_load %arg10[%get3A_276, %get3A_277] {strides = array<i32>} : memref<2x128xi32, #tpu.memory_space<vmem>>, vector<16xi32>,
          tpu.vector_store_idx %arg23[%get3A_278], %broadcast_in_dim3A_3 {add = true} : memref<10240xf32, #tpu.memory_space<vmem>>[vector<16xi32>], vector<16xf32>,
          %scan3A_279 = arith.constant 0 : i32
          scf.yield %scan3A_279 : i32
        }
        %scan3A_271 = arith.constant 8 : i32
      } else {
      }
      %dma_start3A_235 = arith.constant 1 : i32
      %dma_start3A_236 = arith.constant 0 : i32
      %dma_start3A_237 = tpu.memref_slice %arg10[%dma_start3A_235, %dma_start3A_236] : memref<2x128xi32, #tpu.memory_space<vmem>> -> memref<1x128xi32, #tpu.memory_space<vmem>>
      %dma_start3A_238 = tpu.memref_squeeze %dma_start3A_237 : memref<1x128xi32, #tpu.memory_space<vmem>> -> memref<128xi32, #tpu.memory_space<vmem>>
      %dma_start3A_239 = arith.constant 0 : i32
      %dma_start3A_240 = arith.constant 0 : i32
      %dma_start3A_241 = tpu.memref_slice %arg14[%dma_start3A_239, %dma_start3A_240] : memref<10240x128xf32, #tpu.memory_space<vmem_shared>> -> memref<10240x128xf32, #tpu.memory_space<vmem_shared>>
      tpu.enqueue_indirect_dma source(%arg12 : memref<128x128xf32, #tpu.memory_space<vmem>>) target(%dma_start3A_241 : memref<10240x128xf32, #tpu.memory_space<vmem_shared>>) offsets(%dma_start3A_238 : memref<128xi32, #tpu.memory_space<vmem>>) semaphore(%arg21 : memref<!tpu.dma_semaphore, #tpu.memory_space<semaphore_mem>>) {add = true}
      %convert_element_type3A_242 = arith.extui %lt3A_90 : i1 to i32
      %cond3A_243 = arith.constant 0 : i32
      %cond3A_244 = arith.cmpi ne, %convert_element_type3A_242, %cond3A_243 : i32
      scf.if %cond3A_244 {
        %add3A_265 = arith.constant 4 : i32
        %add3A_266 = arith.addi %mul3A_89, %add3A_265 : i32
        %dma_wait3A_267 = arith.constant 0 : i32
        %dma_wait3A_268 = arith.constant 0 : i32
        %dma_wait3A_269 = tpu.memref_slice %arg4[%arg1, %add3A_266, %dma_wait3A_267, %dma_wait3A_268] : memref<16x80x2x128xi32, #tpu.memory_space<hbm>> -> memref<1x1x2x128xi32, #tpu.memory_space<hbm>>
        %dma_wait3A_270 = tpu.memref_squeeze %dma_wait3A_269 : memref<1x1x2x128xi32, #tpu.memory_space<hbm>> -> memref<2x128xi32, #tpu.memory_space<hbm>>
        %dma_wait3A_271 = arith.constant 0 : i32
        %dma_wait3A_272 = arith.constant 0 : i32
        %dma_wait3A_273 = tpu.memref_slice %arg4[%arg1, %add3A_266, %dma_wait3A_271, %dma_wait3A_272] : memref<16x80x2x128xi32, #tpu.memory_space<hbm>> -> memref<1x1x2x128xi32, #tpu.memory_space<hbm>>
        %dma_wait3A_274 = tpu.memref_squeeze %dma_wait3A_273 : memref<1x1x2x128xi32, #tpu.memory_space<hbm>> -> memref<2x128xi32, #tpu.memory_space<hbm>>
        tpu.wait_dma2 semaphore(%arg15 : memref<!tpu.dma_semaphore, #tpu.memory_space<semaphore_mem>>) src(%dma_wait3A_274 : memref<2x128xi32, #tpu.memory_space<hbm>>) dst(%arg8 : memref<2x128xi32, #tpu.memory_space<vmem>>)
        %dma_wait3A_275 = arith.constant 1 : i32
        %dma_wait3A_276 = arith.constant 0 : i32
        %dma_wait3A_277 = tpu.memref_slice %arg10[%dma_wait3A_275, %dma_wait3A_276] : memref<2x128xi32, #tpu.memory_space<vmem>> -> memref<1x128xi32, #tpu.memory_space<vmem>>
        %dma_wait3A_278 = tpu.memref_squeeze %dma_wait3A_277 : memref<1x128xi32, #tpu.memory_space<vmem>> -> memref<128xi32, #tpu.memory_space<vmem>>
        %dma_wait3A_279 = arith.constant 0 : i32
        %dma_wait3A_280 = arith.constant 0 : i32
        %dma_wait3A_281 = tpu.memref_slice %arg14[%dma_wait3A_279, %dma_wait3A_280] : memref<10240x128xf32, #tpu.memory_space<vmem_shared>> -> memref<10240x128xf32, #tpu.memory_space<vmem_shared>>
        tpu.wait_indirect_dma semaphore(%arg21 : memref<!tpu.dma_semaphore, #tpu.memory_space<semaphore_mem>>) src(%arg12 : memref<128x128xf32, #tpu.memory_space<vmem>>) dst(%dma_wait3A_281 : memref<10240x128xf32, #tpu.memory_space<vmem_shared>>)
        %eq3A_282 = arith.constant 0 : i32
        %eq3A_283 = arith.cmpi eq, %arg0, %eq3A_282 : i32
        %convert_element_type3A_284 = arith.extui %eq3A_283 : i1 to i32
        %cond3A_285 = arith.constant 0 : i32
        %cond3A_286 = arith.cmpi ne, %convert_element_type3A_284, %cond3A_285 : i32
        scf.if %cond3A_286 {
          %dma_start3A_302 = arith.constant 0 : i32
          %dma_start3A_303 = arith.constant 0 : i32
          %dma_start3A_304 = tpu.memref_slice %arg8[%dma_start3A_302, %dma_start3A_303] : memref<2x128xi32, #tpu.memory_space<vmem>> -> memref<1x128xi32, #tpu.memory_space<vmem>>
          %dma_start3A_305 = tpu.memref_squeeze %dma_start3A_304 : memref<1x128xi32, #tpu.memory_space<vmem>> -> memref<128xi32, #tpu.memory_space<vmem>>
          %dma_start3A_306 = arith.constant 0 : i32
          %dma_start3A_307 = arith.constant 0 : i32
          %dma_start3A_308 = tpu.memref_slice %arg2[%dma_start3A_306, %dma_start3A_307] : memref<10240x128xf32, #tpu.memory_space<hbm>> -> memref<10240x128xf32, #tpu.memory_space<hbm>>
          tpu.enqueue_indirect_dma source(%dma_start3A_308 : memref<10240x128xf32, #tpu.memory_space<hbm>>) target(%arg12 : memref<128x128xf32, #tpu.memory_space<vmem>>) offsets(%dma_start3A_305 : memref<128xi32, #tpu.memory_space<vmem>>) semaphore(%arg19 : memref<!tpu.dma_semaphore, #tpu.memory_space<semaphore_mem>>)
        } else {
        }
        %eq3A_287 = arith.constant 1 : i32
        %eq3A_288 = arith.cmpi eq, %arg0, %eq3A_287 : i32
        %convert_element_type3A_289 = arith.extui %eq3A_288 : i1 to i32
        %cond3A_290 = arith.constant 0 : i32
        %cond3A_291 = arith.cmpi ne, %convert_element_type3A_289, %cond3A_290 : i32
        scf.if %cond3A_291 {
          %dma_start3A_302 = arith.constant 0 : i32
          %dma_start3A_303 = arith.constant 0 : i32
          %dma_start3A_304 = tpu.memref_slice %arg8[%dma_start3A_302, %dma_start3A_303] : memref<2x128xi32, #tpu.memory_space<vmem>> -> memref<1x128xi32, #tpu.memory_space<vmem>>
          %dma_start3A_305 = tpu.memref_squeeze %dma_start3A_304 : memref<1x128xi32, #tpu.memory_space<vmem>> -> memref<128xi32, #tpu.memory_space<vmem>>
          %dma_start3A_306 = arith.constant 0 : i32
          %dma_start3A_307 = arith.constant 0 : i32
          %dma_start3A_308 = tpu.memref_slice %arg3[%dma_start3A_306, %dma_start3A_307] : memref<10240x128xf32, #tpu.memory_space<hbm>> -> memref<10240x128xf32, #tpu.memory_space<hbm>>
          tpu.enqueue_indirect_dma source(%dma_start3A_308 : memref<10240x128xf32, #tpu.memory_space<hbm>>) target(%arg12 : memref<128x128xf32, #tpu.memory_space<vmem>>) offsets(%dma_start3A_305 : memref<128xi32, #tpu.memory_space<vmem>>) semaphore(%arg19 : memref<!tpu.dma_semaphore, #tpu.memory_space<semaphore_mem>>)
        } else {
        }
        %add3A_292 = arith.constant 6 : i32
        %add3A_293 = arith.addi %mul3A_89, %add3A_292 : i32
        %dma_start3A_294 = arith.constant 0 : i32
        %dma_start3A_295 = arith.constant 0 : i32
        %dma_start3A_296 = tpu.memref_slice %arg4[%arg1, %add3A_293, %dma_start3A_294, %dma_start3A_295] : memref<16x80x2x128xi32, #tpu.memory_space<hbm>> -> memref<1x1x2x128xi32, #tpu.memory_space<hbm>>
        %dma_start3A_297 = tpu.memref_squeeze %dma_start3A_296 : memref<1x1x2x128xi32, #tpu.memory_space<hbm>> -> memref<2x128xi32, #tpu.memory_space<hbm>>
        %dma_start3A_298 = arith.constant 0 : i32
        %dma_start3A_299 = arith.constant 0 : i32
        %dma_start3A_300 = tpu.memref_slice %arg4[%arg1, %add3A_293, %dma_start3A_298, %dma_start3A_299] : memref<16x80x2x128xi32, #tpu.memory_space<hbm>> -> memref<1x1x2x128xi32, #tpu.memory_space<hbm>>
        %dma_start3A_301 = tpu.memref_squeeze %dma_start3A_300 : memref<1x1x2x128xi32, #tpu.memory_space<hbm>> -> memref<2x128xi32, #tpu.memory_space<hbm>>
        tpu.enqueue_dma source(%dma_start3A_301 : memref<2x128xi32, #tpu.memory_space<hbm>>) target(%arg10 : memref<2x128xi32, #tpu.memory_space<vmem>>) target_semaphore(%arg17 : memref<!tpu.dma_semaphore, #tpu.memory_space<semaphore_mem>>)
      } else {
      }
      %dma_wait3A_245 = arith.constant 0 : i32
      %dma_wait3A_246 = arith.constant 0 : i32
      %dma_wait3A_247 = tpu.memref_slice %arg11[%dma_wait3A_245, %dma_wait3A_246] : memref<2x128xi32, #tpu.memory_space<vmem>> -> memref<1x128xi32, #tpu.memory_space<vmem>>
      %dma_wait3A_248 = tpu.memref_squeeze %dma_wait3A_247 : memref<1x128xi32, #tpu.memory_space<vmem>> -> memref<128xi32, #tpu.memory_space<vmem>>
      %dma_wait3A_249 = arith.constant 0 : i32
      %dma_wait3A_250 = arith.constant 0 : i32
      %dma_wait3A_251 = tpu.memref_slice %arg2[%dma_wait3A_249, %dma_wait3A_250] : memref<10240x128xf32, #tpu.memory_space<hbm>> -> memref<10240x128xf32, #tpu.memory_space<hbm>>
      tpu.wait_indirect_dma semaphore(%arg20 : memref<!tpu.dma_semaphore, #tpu.memory_space<semaphore_mem>>) src(%dma_wait3A_251 : memref<10240x128xf32, #tpu.memory_space<hbm>>) dst(%arg13 : memref<128x128xf32, #tpu.memory_space<vmem>>)
      %eq3A_252 = arith.constant 0 : i32
      %eq3A_253 = arith.cmpi eq, %arg0, %eq3A_252 : i32
      %convert_element_type3A_254 = arith.extui %eq3A_253 : i1 to i32
      %cond3A_255 = arith.constant 0 : i32
      %cond3A_256 = arith.cmpi ne, %convert_element_type3A_254, %cond3A_255 : i32
      scf.if %cond3A_256 {
        %scan3A_265 = arith.constant 0 : i32
        %scan3A_266 = arith.constant 0 : i32
        %scan3A_267 = arith.constant 8 : i32
        %scan3A_268 = arith.addi %scan3A_266, %scan3A_267 : i32
        %scan3A_269 = arith.constant 1 : i32
        %scan3A_270 = scf.for %scan3A_272 = %scan3A_266 to %scan3A_268 step %scan3A_269 iter_args(%scan3A_273 = %scan3A_265) -> (i32)  : i32 {
          %mul3A_274 = arith.constant 16 : i32
          %mul3A_275 = arith.muli %scan3A_272, %mul3A_274 : i32
          %get3A = arith.constant 1 : i32
          %get3A_276 = arith.index_cast %get3A : i32 to index
          %get3A_277 = arith.index_cast %mul3A_275 : i32 to index
          %get3A_278 = tpu.vector_load %arg11[%get3A_276, %get3A_277] {strides = array<i32>} : memref<2x128xi32, #tpu.memory_space<vmem>>, vector<16xi32>,
          tpu.vector_store_idx %arg23[%get3A_278], %broadcast_in_dim3A_3 {add = true} : memref<10240xf32, #tpu.memory_space<vmem>>[vector<16xi32>], vector<16xf32>,
          %scan3A_279 = arith.constant 0 : i32
          scf.yield %scan3A_279 : i32
        }
        %scan3A_271 = arith.constant 8 : i32
      } else {
      }
      %dma_start3A_257 = arith.constant 1 : i32
      %dma_start3A_258 = arith.constant 0 : i32
      %dma_start3A_259 = tpu.memref_slice %arg11[%dma_start3A_257, %dma_start3A_258] : memref<2x128xi32, #tpu.memory_space<vmem>> -> memref<1x128xi32, #tpu.memory_space<vmem>>
      %dma_start3A_260 = tpu.memref_squeeze %dma_start3A_259 : memref<1x128xi32, #tpu.memory_space<vmem>> -> memref<128xi32, #tpu.memory_space<vmem>>
      %dma_start3A_261 = arith.constant 0 : i32
      %dma_start3A_262 = arith.constant 0 : i32
      %dma_start3A_263 = tpu.memref_slice %arg14[%dma_start3A_261, %dma_start3A_262] : memref<10240x128xf32, #tpu.memory_space<vmem_shared>> -> memref<10240x128xf32, #tpu.memory_space<vmem_shared>>
      tpu.enqueue_indirect_dma source(%arg13 : memref<128x128xf32, #tpu.memory_space<vmem>>) target(%dma_start3A_263 : memref<10240x128xf32, #tpu.memory_space<vmem_shared>>) offsets(%dma_start3A_260 : memref<128xi32, #tpu.memory_space<vmem>>) semaphore(%arg22 : memref<!tpu.dma_semaphore, #tpu.memory_space<semaphore_mem>>) {add = true}
      %scan3A_264 = arith.constant 0 : i32
      scf.yield %scan3A_264 : i32
    }
    %scan3A_56 = arith.constant 20 : i32
    %dma_wait3A = arith.constant 1 : i32
    %dma_wait3A_57 = arith.constant 0 : i32
    %dma_wait3A_58 = tpu.memref_slice %arg10[%dma_wait3A, %dma_wait3A_57] : memref<2x128xi32, #tpu.memory_space<vmem>> -> memref<1x128xi32, #tpu.memory_space<vmem>>
    %dma_wait3A_59 = tpu.memref_squeeze %dma_wait3A_58 : memref<1x128xi32, #tpu.memory_space<vmem>> -> memref<128xi32, #tpu.memory_space<vmem>>
    %dma_wait3A_60 = arith.constant 0 : i32
    %dma_wait3A_61 = arith.constant 0 : i32
    %dma_wait3A_62 = tpu.memref_slice %arg14[%dma_wait3A_60, %dma_wait3A_61] : memref<10240x128xf32, #tpu.memory_space<vmem_shared>> -> memref<10240x128xf32, #tpu.memory_space<vmem_shared>>
    tpu.wait_indirect_dma semaphore(%arg21 : memref<!tpu.dma_semaphore, #tpu.memory_space<semaphore_mem>>) src(%arg12 : memref<128x128xf32, #tpu.memory_space<vmem>>) dst(%dma_wait3A_62 : memref<10240x128xf32, #tpu.memory_space<vmem_shared>>)
    %dma_wait3A_63 = arith.constant 1 : i32
    %dma_wait3A_64 = arith.constant 0 : i32
    %dma_wait3A_65 = tpu.memref_slice %arg11[%dma_wait3A_63, %dma_wait3A_64] : memref<2x128xi32, #tpu.memory_space<vmem>> -> memref<1x128xi32, #tpu.memory_space<vmem>>
    %dma_wait3A_66 = tpu.memref_squeeze %dma_wait3A_65 : memref<1x128xi32, #tpu.memory_space<vmem>> -> memref<128xi32, #tpu.memory_space<vmem>>
    %dma_wait3A_67 = arith.constant 0 : i32
    %dma_wait3A_68 = arith.constant 0 : i32
    %dma_wait3A_69 = tpu.memref_slice %arg14[%dma_wait3A_67, %dma_wait3A_68] : memref<10240x128xf32, #tpu.memory_space<vmem_shared>> -> memref<10240x128xf32, #tpu.memory_space<vmem_shared>>
    tpu.wait_indirect_dma semaphore(%arg22 : memref<!tpu.dma_semaphore, #tpu.memory_space<semaphore_mem>>) src(%arg13 : memref<128x128xf32, #tpu.memory_space<vmem>>) dst(%dma_wait3A_69 : memref<10240x128xf32, #tpu.memory_space<vmem_shared>>)
    %barrier3A_70 = arith.constant 0 : index
    tpu.barrier barrier_id(%barrier3A_70)
    %eq3A_71 = arith.constant 0 : i32
    %eq3A_72 = arith.cmpi eq, %arg0, %eq3A_71 : i32
    %convert_element_type3A_73 = arith.extui %eq3A_72 : i1 to i32
    %cond3A_74 = arith.constant 0 : i32
    %cond3A_75 = arith.cmpi ne, %convert_element_type3A_73, %cond3A_74 : i32
    scf.if %cond3A_75 {
      "tpu.region"() ({
        %run_scoped3A_86 = tpu.sem_alloc : memref<!tpu.dma_semaphore, #tpu.memory_space<semaphore_mem>>
        %dma_start3A_87 = arith.constant 0 : i32
        %dma_start3A_88 = tpu.memref_slice %arg5[%mul3A_0, %dma_start3A_87] : memref<10240x128xf32, #tpu.memory_space<hbm>> -> memref<640x128xf32, #tpu.memory_space<hbm>>
        %dma_start3A_89 = arith.constant 0 : i32
        %dma_start3A_90 = tpu.memref_slice %arg14[%mul3A_0, %dma_start3A_89] : memref<10240x128xf32, #tpu.memory_space<vmem_shared>> -> memref<640x128xf32, #tpu.memory_space<vmem_shared>>
        tpu.enqueue_dma source(%dma_start3A_90 : memref<640x128xf32, #tpu.memory_space<vmem_shared>>) target(%dma_start3A_88 : memref<640x128xf32, #tpu.memory_space<hbm>>) target_semaphore(%run_scoped3A_86 : memref<!tpu.dma_semaphore, #tpu.memory_space<semaphore_mem>>)
        %dma_wait3A_91 = arith.constant 0 : i32
        %dma_wait3A_92 = tpu.memref_slice %arg5[%mul3A_0, %dma_wait3A_91] : memref<10240x128xf32, #tpu.memory_space<hbm>> -> memref<640x128xf32, #tpu.memory_space<hbm>>
        %dma_wait3A_93 = arith.constant 0 : i32
        %dma_wait3A_94 = tpu.memref_slice %arg14[%mul3A_0, %dma_wait3A_93] : memref<10240x128xf32, #tpu.memory_space<vmem_shared>> -> memref<640x128xf32, #tpu.memory_space<vmem_shared>>
        tpu.wait_dma2 semaphore(%run_scoped3A_86 : memref<!tpu.dma_semaphore, #tpu.memory_space<semaphore_mem>>) src(%dma_wait3A_94 : memref<640x128xf32, #tpu.memory_space<vmem_shared>>) dst(%dma_wait3A_92 : memref<640x128xf32, #tpu.memory_space<hbm>>)
        tpu.yield
      }) : () -> ()
    } else {
    }
    %eq3A_76 = arith.constant 1 : i32
    %eq3A_77 = arith.cmpi eq, %arg0, %eq3A_76 : i32
    %convert_element_type3A_78 = arith.extui %eq3A_77 : i1 to i32
    %cond3A_79 = arith.constant 0 : i32
    %cond3A_80 = arith.cmpi ne, %convert_element_type3A_78, %cond3A_79 : i32
    scf.if %cond3A_80 {
      "tpu.region"() ({
        %run_scoped3A_86 = tpu.sem_alloc : memref<!tpu.dma_semaphore, #tpu.memory_space<semaphore_mem>>
        %dma_start3A_87 = arith.constant 0 : i32
        %dma_start3A_88 = tpu.memref_slice %arg6[%mul3A_0, %dma_start3A_87] : memref<10240x128xf32, #tpu.memory_space<hbm>> -> memref<640x128xf32, #tpu.memory_space<hbm>>
        %dma_start3A_89 = arith.constant 0 : i32
        %dma_start3A_90 = tpu.memref_slice %arg14[%mul3A_0, %dma_start3A_89] : memref<10240x128xf32, #tpu.memory_space<vmem_shared>> -> memref<640x128xf32, #tpu.memory_space<vmem_shared>>
        tpu.enqueue_dma source(%dma_start3A_90 : memref<640x128xf32, #tpu.memory_space<vmem_shared>>) target(%dma_start3A_88 : memref<640x128xf32, #tpu.memory_space<hbm>>) target_semaphore(%run_scoped3A_86 : memref<!tpu.dma_semaphore, #tpu.memory_space<semaphore_mem>>)
        %dma_wait3A_91 = arith.constant 0 : i32
        %dma_wait3A_92 = tpu.memref_slice %arg6[%mul3A_0, %dma_wait3A_91] : memref<10240x128xf32, #tpu.memory_space<hbm>> -> memref<640x128xf32, #tpu.memory_space<hbm>>
        %dma_wait3A_93 = arith.constant 0 : i32
        %dma_wait3A_94 = tpu.memref_slice %arg14[%mul3A_0, %dma_wait3A_93] : memref<10240x128xf32, #tpu.memory_space<vmem_shared>> -> memref<640x128xf32, #tpu.memory_space<vmem_shared>>
        tpu.wait_dma2 semaphore(%run_scoped3A_86 : memref<!tpu.dma_semaphore, #tpu.memory_space<semaphore_mem>>) src(%dma_wait3A_94 : memref<640x128xf32, #tpu.memory_space<vmem_shared>>) dst(%dma_wait3A_92 : memref<640x128xf32, #tpu.memory_space<hbm>>)
        tpu.yield
      }) : () -> ()
    } else {
    }
    %eq3A_81 = arith.constant 0 : i32
    %eq3A_82 = arith.cmpi eq, %arg0, %eq3A_81 : i32
    %convert_element_type3A_83 = arith.extui %eq3A_82 : i1 to i32
    %cond3A_84 = arith.constant 0 : i32
    %cond3A_85 = arith.cmpi ne, %convert_element_type3A_83, %cond3A_84 : i32
    scf.if %cond3A_85 {
      "tpu.region"() ({
        %run_scoped3A_86 = tpu.sem_alloc : memref<!tpu.dma_semaphore, #tpu.memory_space<semaphore_mem>>
        %dma_start3A_87 = arith.constant 0 : i32
        %dma_start3A_88 = tpu.memref_slice %arg7[%arg1, %dma_start3A_87] : memref<16x10240xf32, #tpu.memory_space<hbm>> -> memref<1x10240xf32, #tpu.memory_space<hbm>>
        %dma_start3A_89 = tpu.memref_squeeze %dma_start3A_88 : memref<1x10240xf32, #tpu.memory_space<hbm>> -> memref<10240xf32, #tpu.memory_space<hbm>>
        %dma_start3A_90 = arith.constant 0 : i32
        %dma_start3A_91 = tpu.memref_slice %arg7[%arg1, %dma_start3A_90] : memref<16x10240xf32, #tpu.memory_space<hbm>> -> memref<1x10240xf32, #tpu.memory_space<hbm>>
        %dma_start3A_92 = tpu.memref_squeeze %dma_start3A_91 : memref<1x10240xf32, #tpu.memory_space<hbm>> -> memref<10240xf32, #tpu.memory_space<hbm>>
        tpu.enqueue_dma source(%arg23 : memref<10240xf32, #tpu.memory_space<vmem>>) target(%dma_start3A_92 : memref<10240xf32, #tpu.memory_space<hbm>>) target_semaphore(%run_scoped3A_86 : memref<!tpu.dma_semaphore, #tpu.memory_space<semaphore_mem>>)
        %dma_wait3A_93 = arith.constant 0 : i32
        %dma_wait3A_94 = tpu.memref_slice %arg7[%arg1, %dma_wait3A_93] : memref<16x10240xf32, #tpu.memory_space<hbm>> -> memref<1x10240xf32, #tpu.memory_space<hbm>>
        %dma_wait3A_95 = tpu.memref_squeeze %dma_wait3A_94 : memref<1x10240xf32, #tpu.memory_space<hbm>> -> memref<10240xf32, #tpu.memory_space<hbm>>
        %dma_wait3A_96 = arith.constant 0 : i32
        %dma_wait3A_97 = tpu.memref_slice %arg7[%arg1, %dma_wait3A_96] : memref<16x10240xf32, #tpu.memory_space<hbm>> -> memref<1x10240xf32, #tpu.memory_space<hbm>>
        %dma_wait3A_98 = tpu.memref_squeeze %dma_wait3A_97 : memref<1x10240xf32, #tpu.memory_space<hbm>> -> memref<10240xf32, #tpu.memory_space<hbm>>
        tpu.wait_dma2 semaphore(%run_scoped3A_86 : memref<!tpu.dma_semaphore, #tpu.memory_space<semaphore_mem>>) src(%arg23 : memref<10240xf32, #tpu.memory_space<vmem>>) dst(%dma_wait3A_98 : memref<10240xf32, #tpu.memory_space<hbm>>)
        tpu.yield
      }) : () -> ()
    } else {
    }
    return
  }
}

module attributes {stable_mosaic.version = 14 : i64} {
  func.func @body(%arg0: i32, %arg1: memref<1024x128xf32, #tpu.memory_space<vmem>>, %arg2: memref<1024x128xf32, #tpu.memory_space<vmem>>, %arg3: memref<16x1024xf32, #tpu.memory_space<vmem>>, %arg4: memref<1024x128xf32, #tpu.memory_space<vmem>>, %arg5: memref<1024x128xf32, #tpu.memory_space<vmem>>, %arg6: memref<256x256xf32, #tpu.memory_space<vmem>>, %arg7: memref<256x256xf32, #tpu.memory_space<vmem>>, %arg8: memref<1x256xf32, #tpu.memory_space<vmem>>, %arg9: memref<1024x128xf32, #tpu.memory_space<vmem>>, %arg10: memref<1024x128xf32, #tpu.memory_space<vmem>>) attributes {dimension_semantics = [#tpu.dimension_semantics<arbitrary>], iteration_bounds = array<i64: 10>, scalar_prefetch = 0 : i64, scratch_operands = 0 : i64, tpu.core_type = #tpu.core_type<tc>, window_params = [{transform_indices = @transform_0, window_bounds = array<i64: 1024, 128>}, {transform_indices = @transform_1, window_bounds = array<i64: 1024, 128>}, {transform_indices = @transform_2, window_bounds = array<i64: 16, 1024>}, {transform_indices = @transform_3, window_bounds = array<i64: 1024, 128>}, {transform_indices = @transform_4, window_bounds = array<i64: 1024, 128>}, {pipeline_mode = #tpu.pipeline_mode<synchronous>, transform_indices = @transform_5, window_bounds = array<i64: 256, 256>}, {pipeline_mode = #tpu.pipeline_mode<synchronous>, transform_indices = @transform_6, window_bounds = array<i64: 256, 256>}, {pipeline_mode = #tpu.pipeline_mode<synchronous>, transform_indices = @transform_7, window_bounds = array<i64: 1, 256>}, {transform_indices = @transform_8, window_bounds = array<i64: 1024, 128>}, {transform_indices = @transform_9, window_bounds = array<i64: 1024, 128>}]} {
    %get3A = arith.constant 0 : index
    %get3A_0 = arith.constant 0 : index
    %get3A_1 = vector.load %arg3[%get3A, %get3A_0] : memref<16x1024xf32, #tpu.memory_space<vmem>>, vector<16x1024xf32>
    %reduce_sum3A = arith.constant dense<0.000000e+00> : vector<1024xf32>
    %reduce_sum3A_2 = vector.multi_reduction <add>, %get3A_1, %reduce_sum3A [0] : vector<16x1024xf32> to vector<1024xf32>
    %broadcast_in_dim3A = vector.shape_cast %reduce_sum3A_2 : vector<1024xf32> to vector<1024x1xf32>
    %max3A = arith.constant 1.000000e+00 : f32
    %max3A_3 = vector.broadcast %max3A : f32 to vector<1024x1xf32>
    %max3A_4 = arith.maximumf %broadcast_in_dim3A, %max3A_3 : vector<1024x1xf32>
    %div3A = arith.constant 1.000000e+00 : f32
    %div3A_5 = vector.broadcast %div3A : f32 to vector<1024x1xf32>
    %div3A_6 = arith.divf %div3A_5, %max3A_4 : vector<1024x1xf32>
    %get3A_7 = arith.constant 0 : index
    %get3A_8 = arith.constant 0 : index
    %get3A_9 = vector.load %arg1[%get3A_7, %get3A_8] : memref<1024x128xf32, #tpu.memory_space<vmem>>, vector<1024x128xf32>
    %mul3A = vector.broadcast %div3A_6 : vector<1024x1xf32> to vector<1024x128xf32>
    %mul3A_10 = arith.mulf %get3A_9, %mul3A : vector<1024x128xf32>
    %get3A_11 = arith.constant 0 : index
    %get3A_12 = arith.constant 0 : index
    %get3A_13 = vector.load %arg6[%get3A_11, %get3A_12] : memref<256x256xf32, #tpu.memory_space<vmem>>, vector<128x256xf32>
    %dot_general3A = arith.constant dense<0.000000e+00> : vector<1024x256xf32>
    %dot_general3A_14 = tpu.matmul %mul3A_10, %get3A_13, %dot_general3A {dimension_numbers = #tpu.dot_dimension_numbers<[1], [0], [0], [1], [0, 0, 1, 1], [], []>, transpose_lhs_hint = false} : vector<1024x128xf32>, vector<128x256xf32>, vector<1024x256xf32> -> vector<1024x256xf32>
    %get3A_15 = arith.constant 0 : index
    %get3A_16 = arith.constant 0 : index
    %get3A_17 = vector.load %arg2[%get3A_15, %get3A_16] : memref<1024x128xf32, #tpu.memory_space<vmem>>, vector<1024x128xf32>
    %mul3A_18 = vector.broadcast %div3A_6 : vector<1024x1xf32> to vector<1024x128xf32>
    %mul3A_19 = arith.mulf %get3A_17, %mul3A_18 : vector<1024x128xf32>
    %get3A_20 = arith.constant 128 : index
    %get3A_21 = arith.constant 0 : index
    %get3A_22 = vector.load %arg6[%get3A_20, %get3A_21] : memref<256x256xf32, #tpu.memory_space<vmem>>, vector<128x256xf32>
    %dot_general3A_23 = arith.constant dense<0.000000e+00> : vector<1024x256xf32>
    %dot_general3A_24 = tpu.matmul %mul3A_19, %get3A_22, %dot_general3A_23 {dimension_numbers = #tpu.dot_dimension_numbers<[1], [0], [0], [1], [0, 0, 1, 1], [], []>, transpose_lhs_hint = false} : vector<1024x128xf32>, vector<128x256xf32>, vector<1024x256xf32> -> vector<1024x256xf32>
    %add3A = arith.addf %dot_general3A_14, %dot_general3A_24 : vector<1024x256xf32>
    %get3A_25 = arith.constant 0 : index
    %get3A_26 = arith.constant 0 : index
    %get3A_27 = vector.load %arg4[%get3A_25, %get3A_26] : memref<1024x128xf32, #tpu.memory_space<vmem>>, vector<1024x128xf32>
    %get3A_28 = arith.constant 0 : index
    %get3A_29 = arith.constant 0 : index
    %get3A_30 = vector.load %arg7[%get3A_28, %get3A_29] : memref<256x256xf32, #tpu.memory_space<vmem>>, vector<128x256xf32>
    %dot_general3A_31 = arith.constant dense<0.000000e+00> : vector<1024x256xf32>
    %dot_general3A_32 = tpu.matmul %get3A_27, %get3A_30, %dot_general3A_31 {dimension_numbers = #tpu.dot_dimension_numbers<[1], [0], [0], [1], [0, 0, 1, 1], [], []>, transpose_lhs_hint = false} : vector<1024x128xf32>, vector<128x256xf32>, vector<1024x256xf32> -> vector<1024x256xf32>
    %add3A_33 = arith.addf %add3A, %dot_general3A_32 : vector<1024x256xf32>
    %get3A_34 = arith.constant 0 : index
    %get3A_35 = arith.constant 0 : index
    %get3A_36 = vector.load %arg5[%get3A_34, %get3A_35] : memref<1024x128xf32, #tpu.memory_space<vmem>>, vector<1024x128xf32>
    %get3A_37 = arith.constant 128 : index
    %get3A_38 = arith.constant 0 : index
    %get3A_39 = vector.load %arg7[%get3A_37, %get3A_38] : memref<256x256xf32, #tpu.memory_space<vmem>>, vector<128x256xf32>
    %dot_general3A_40 = arith.constant dense<0.000000e+00> : vector<1024x256xf32>
    %dot_general3A_41 = tpu.matmul %get3A_36, %get3A_39, %dot_general3A_40 {dimension_numbers = #tpu.dot_dimension_numbers<[1], [0], [0], [1], [0, 0, 1, 1], [], []>, transpose_lhs_hint = false} : vector<1024x128xf32>, vector<128x256xf32>, vector<1024x256xf32> -> vector<1024x256xf32>
    %add3A_42 = arith.addf %add3A_33, %dot_general3A_41 : vector<1024x256xf32>
    %get3A_43 = arith.constant 0 : index
    %get3A_44 = arith.constant 0 : index
    %get3A_45 = vector.load %arg8[%get3A_43, %get3A_44] : memref<1x256xf32, #tpu.memory_space<vmem>>, vector<1x256xf32>
    %add3A_46 = vector.broadcast %get3A_45 : vector<1x256xf32> to vector<1024x256xf32>
    %add3A_47 = arith.addf %add3A_42, %add3A_46 : vector<1024x256xf32>
    %max3A_48 = arith.constant 0.000000e+00 : f32
    %max3A_49 = vector.broadcast %max3A_48 : f32 to vector<1024x256xf32>
    %max3A_50 = arith.maximumf %add3A_47, %max3A_49 : vector<1024x256xf32>
    %slice3A = vector.extract_strided_slice %max3A_50 {offsets = [0, 0], sizes = [1024, 128], strides = [1, 1]} : vector<1024x256xf32> to vector<1024x128xf32>
    %swap3A = arith.constant 0 : index
    %swap3A_51 = arith.constant 0 : index
    %swap3A_52 = vector.load %arg9[%swap3A, %swap3A_51] : memref<1024x128xf32, #tpu.memory_space<vmem>>, vector<1024x128xf32>
    tpu.vector_store %arg9[%swap3A, %swap3A_51], %slice3A {strides = array<i32>} : memref<1024x128xf32, #tpu.memory_space<vmem>>, vector<1024x128xf32>,
    %slice3A_53 = vector.extract_strided_slice %max3A_50 {offsets = [0, 128], sizes = [1024, 128], strides = [1, 1]} : vector<1024x256xf32> to vector<1024x128xf32>
    %swap3A_54 = arith.constant 0 : index
    %swap3A_55 = arith.constant 0 : index
    %swap3A_56 = vector.load %arg10[%swap3A_54, %swap3A_55] : memref<1024x128xf32, #tpu.memory_space<vmem>>, vector<1024x128xf32>
    tpu.vector_store %arg10[%swap3A_54, %swap3A_55], %slice3A_53 {strides = array<i32>} : memref<1024x128xf32, #tpu.memory_space<vmem>>, vector<1024x128xf32>,
    return
  }
  func.func @transform_0(%arg0: i32) -> (i32, i32) {
    %c0_i32 = arith.constant 0 : i32
    %c0_i32_0 = arith.constant 0 : i32
    return %arg0, %c0_i32 : i32, i32
  }
  func.func @transform_1(%arg0: i32) -> (i32, i32) {
    %c0_i32 = arith.constant 0 : i32
    %c0_i32_0 = arith.constant 0 : i32
    return %arg0, %c0_i32 : i32, i32
  }
  func.func @transform_2(%arg0: i32) -> (i32, i32) {
    %c0_i32 = arith.constant 0 : i32
    %c0_i32_0 = arith.constant 0 : i32
    return %c0_i32, %arg0 : i32, i32
  }
  func.func @transform_3(%arg0: i32) -> (i32, i32) {
    %c0_i32 = arith.constant 0 : i32
    %c0_i32_0 = arith.constant 0 : i32
    return %arg0, %c0_i32 : i32, i32
  }
  func.func @transform_4(%arg0: i32) -> (i32, i32) {
    %c0_i32 = arith.constant 0 : i32
    %c0_i32_0 = arith.constant 0 : i32
    return %arg0, %c0_i32 : i32, i32
  }
  func.func @transform_5(%arg0: i32) -> (i32, i32) {
    %c0_i32 = arith.constant 0 : i32
    %c0_i32_0 = arith.constant 0 : i32
    %c0_i32_1 = arith.constant 0 : i32
    return %c0_i32, %c0_i32_0 : i32, i32
  }
  func.func @transform_6(%arg0: i32) -> (i32, i32) {
    %c0_i32 = arith.constant 0 : i32
    %c0_i32_0 = arith.constant 0 : i32
    %c0_i32_1 = arith.constant 0 : i32
    return %c0_i32, %c0_i32_0 : i32, i32
  }
  func.func @transform_7(%arg0: i32) -> (i32, i32) {
    %c0_i32 = arith.constant 0 : i32
    %c0_i32_0 = arith.constant 0 : i32
    %c0_i32_1 = arith.constant 0 : i32
    return %c0_i32, %c0_i32_0 : i32, i32
  }
  func.func @transform_8(%arg0: i32) -> (i32, i32) {
    %c0_i32 = arith.constant 0 : i32
    %c0_i32_0 = arith.constant 0 : i32
    return %arg0, %c0_i32 : i32, i32
  }
  func.func @transform_9(%arg0: i32) -> (i32, i32) {
    %c0_i32 = arith.constant 0 : i32
    %c0_i32_0 = arith.constant 0 : i32
    return %arg0, %c0_i32 : i32, i32
  }
}

module attributes {stable_mosaic.version = 14 : i64} {
  func.func @body(%arg0: i32, %arg1: memref<1024x128xf32, #tpu.memory_space<vmem>>, %arg2: memref<1024x128xf32, #tpu.memory_space<vmem>>, %arg3: memref<16x1024xf32, #tpu.memory_space<vmem>>, %arg4: memref<1024x128xf32, #tpu.memory_space<vmem>>, %arg5: memref<1024x128xf32, #tpu.memory_space<vmem>>, %arg6: memref<256x256xf32, #tpu.memory_space<vmem>>, %arg7: memref<256x256xf32, #tpu.memory_space<vmem>>, %arg8: memref<1x256xf32, #tpu.memory_space<vmem>>, %arg9: memref<1024x256xf32, #tpu.memory_space<vmem>>) attributes {dimension_semantics = [#tpu.dimension_semantics<arbitrary>], iteration_bounds = array<i64: 10>, scalar_prefetch = 0 : i64, scratch_operands = 0 : i64, tpu.core_type = #tpu.core_type<tc>, window_params = [{transform_indices = @transform_0, window_bounds = array<i64: 1024, 128>}, {transform_indices = @transform_1, window_bounds = array<i64: 1024, 128>}, {transform_indices = @transform_2, window_bounds = array<i64: 16, 1024>}, {transform_indices = @transform_3, window_bounds = array<i64: 1024, 128>}, {transform_indices = @transform_4, window_bounds = array<i64: 1024, 128>}, {pipeline_mode = #tpu.pipeline_mode<synchronous>, transform_indices = @transform_5, window_bounds = array<i64: 256, 256>}, {pipeline_mode = #tpu.pipeline_mode<synchronous>, transform_indices = @transform_6, window_bounds = array<i64: 256, 256>}, {pipeline_mode = #tpu.pipeline_mode<synchronous>, transform_indices = @transform_7, window_bounds = array<i64: 1, 256>}, {transform_indices = @transform_8, window_bounds = array<i64: 1024, 256>}]} {
    %get3A = arith.constant 0 : index
    %get3A_0 = arith.constant 0 : index
    %get3A_1 = vector.load %arg3[%get3A, %get3A_0] : memref<16x1024xf32, #tpu.memory_space<vmem>>, vector<16x1024xf32>
    %reduce_sum3A = arith.constant dense<0.000000e+00> : vector<1024xf32>
    %reduce_sum3A_2 = vector.multi_reduction <add>, %get3A_1, %reduce_sum3A [0] : vector<16x1024xf32> to vector<1024xf32>
    %broadcast_in_dim3A = vector.shape_cast %reduce_sum3A_2 : vector<1024xf32> to vector<1024x1xf32>
    %max3A = arith.constant 1.000000e+00 : f32
    %max3A_3 = vector.broadcast %max3A : f32 to vector<1024x1xf32>
    %max3A_4 = arith.maximumf %broadcast_in_dim3A, %max3A_3 : vector<1024x1xf32>
    %div3A = arith.constant 1.000000e+00 : f32
    %div3A_5 = vector.broadcast %div3A : f32 to vector<1024x1xf32>
    %div3A_6 = arith.divf %div3A_5, %max3A_4 : vector<1024x1xf32>
    %get3A_7 = arith.constant 0 : index
    %get3A_8 = arith.constant 0 : index
    %get3A_9 = vector.load %arg1[%get3A_7, %get3A_8] : memref<1024x128xf32, #tpu.memory_space<vmem>>, vector<1024x128xf32>
    %mul3A = vector.broadcast %div3A_6 : vector<1024x1xf32> to vector<1024x128xf32>
    %mul3A_10 = arith.mulf %get3A_9, %mul3A : vector<1024x128xf32>
    %get3A_11 = arith.constant 0 : index
    %get3A_12 = arith.constant 0 : index
    %get3A_13 = vector.load %arg6[%get3A_11, %get3A_12] : memref<256x256xf32, #tpu.memory_space<vmem>>, vector<128x256xf32>
    %dot_general3A = arith.constant dense<0.000000e+00> : vector<1024x256xf32>
    %dot_general3A_14 = tpu.matmul %mul3A_10, %get3A_13, %dot_general3A {dimension_numbers = #tpu.dot_dimension_numbers<[1], [0], [0], [1], [0, 0, 1, 1], [], []>, transpose_lhs_hint = false} : vector<1024x128xf32>, vector<128x256xf32>, vector<1024x256xf32> -> vector<1024x256xf32>
    %get3A_15 = arith.constant 0 : index
    %get3A_16 = arith.constant 0 : index
    %get3A_17 = vector.load %arg2[%get3A_15, %get3A_16] : memref<1024x128xf32, #tpu.memory_space<vmem>>, vector<1024x128xf32>
    %mul3A_18 = vector.broadcast %div3A_6 : vector<1024x1xf32> to vector<1024x128xf32>
    %mul3A_19 = arith.mulf %get3A_17, %mul3A_18 : vector<1024x128xf32>
    %get3A_20 = arith.constant 128 : index
    %get3A_21 = arith.constant 0 : index
    %get3A_22 = vector.load %arg6[%get3A_20, %get3A_21] : memref<256x256xf32, #tpu.memory_space<vmem>>, vector<128x256xf32>
    %dot_general3A_23 = arith.constant dense<0.000000e+00> : vector<1024x256xf32>
    %dot_general3A_24 = tpu.matmul %mul3A_19, %get3A_22, %dot_general3A_23 {dimension_numbers = #tpu.dot_dimension_numbers<[1], [0], [0], [1], [0, 0, 1, 1], [], []>, transpose_lhs_hint = false} : vector<1024x128xf32>, vector<128x256xf32>, vector<1024x256xf32> -> vector<1024x256xf32>
    %add3A = arith.addf %dot_general3A_14, %dot_general3A_24 : vector<1024x256xf32>
    %get3A_25 = arith.constant 0 : index
    %get3A_26 = arith.constant 0 : index
    %get3A_27 = vector.load %arg4[%get3A_25, %get3A_26] : memref<1024x128xf32, #tpu.memory_space<vmem>>, vector<1024x128xf32>
    %get3A_28 = arith.constant 0 : index
    %get3A_29 = arith.constant 0 : index
    %get3A_30 = vector.load %arg7[%get3A_28, %get3A_29] : memref<256x256xf32, #tpu.memory_space<vmem>>, vector<128x256xf32>
    %dot_general3A_31 = arith.constant dense<0.000000e+00> : vector<1024x256xf32>
    %dot_general3A_32 = tpu.matmul %get3A_27, %get3A_30, %dot_general3A_31 {dimension_numbers = #tpu.dot_dimension_numbers<[1], [0], [0], [1], [0, 0, 1, 1], [], []>, transpose_lhs_hint = false} : vector<1024x128xf32>, vector<128x256xf32>, vector<1024x256xf32> -> vector<1024x256xf32>
    %add3A_33 = arith.addf %add3A, %dot_general3A_32 : vector<1024x256xf32>
    %get3A_34 = arith.constant 0 : index
    %get3A_35 = arith.constant 0 : index
    %get3A_36 = vector.load %arg5[%get3A_34, %get3A_35] : memref<1024x128xf32, #tpu.memory_space<vmem>>, vector<1024x128xf32>
    %get3A_37 = arith.constant 128 : index
    %get3A_38 = arith.constant 0 : index
    %get3A_39 = vector.load %arg7[%get3A_37, %get3A_38] : memref<256x256xf32, #tpu.memory_space<vmem>>, vector<128x256xf32>
    %dot_general3A_40 = arith.constant dense<0.000000e+00> : vector<1024x256xf32>
    %dot_general3A_41 = tpu.matmul %get3A_36, %get3A_39, %dot_general3A_40 {dimension_numbers = #tpu.dot_dimension_numbers<[1], [0], [0], [1], [0, 0, 1, 1], [], []>, transpose_lhs_hint = false} : vector<1024x128xf32>, vector<128x256xf32>, vector<1024x256xf32> -> vector<1024x256xf32>
    %add3A_42 = arith.addf %add3A_33, %dot_general3A_41 : vector<1024x256xf32>
    %get3A_43 = arith.constant 0 : index
    %get3A_44 = arith.constant 0 : index
    %get3A_45 = vector.load %arg8[%get3A_43, %get3A_44] : memref<1x256xf32, #tpu.memory_space<vmem>>, vector<1x256xf32>
    %add3A_46 = vector.broadcast %get3A_45 : vector<1x256xf32> to vector<1024x256xf32>
    %add3A_47 = arith.addf %add3A_42, %add3A_46 : vector<1024x256xf32>
    %swap3A = arith.constant 0 : index
    %swap3A_48 = arith.constant 0 : index
    %swap3A_49 = vector.load %arg9[%swap3A, %swap3A_48] : memref<1024x256xf32, #tpu.memory_space<vmem>>, vector<1024x256xf32>
    tpu.vector_store %arg9[%swap3A, %swap3A_48], %add3A_47 {strides = array<i32>} : memref<1024x256xf32, #tpu.memory_space<vmem>>, vector<1024x256xf32>,
    return
  }
  func.func @transform_0(%arg0: i32) -> (i32, i32) {
    %c0_i32 = arith.constant 0 : i32
    %c0_i32_0 = arith.constant 0 : i32
    return %arg0, %c0_i32 : i32, i32
  }
  func.func @transform_1(%arg0: i32) -> (i32, i32) {
    %c0_i32 = arith.constant 0 : i32
    %c0_i32_0 = arith.constant 0 : i32
    return %arg0, %c0_i32 : i32, i32
  }
  func.func @transform_2(%arg0: i32) -> (i32, i32) {
    %c0_i32 = arith.constant 0 : i32
    %c0_i32_0 = arith.constant 0 : i32
    return %c0_i32, %arg0 : i32, i32
  }
  func.func @transform_3(%arg0: i32) -> (i32, i32) {
    %c0_i32 = arith.constant 0 : i32
    %c0_i32_0 = arith.constant 0 : i32
    return %arg0, %c0_i32 : i32, i32
  }
  func.func @transform_4(%arg0: i32) -> (i32, i32) {
    %c0_i32 = arith.constant 0 : i32
    %c0_i32_0 = arith.constant 0 : i32
    return %arg0, %c0_i32 : i32, i32
  }
  func.func @transform_5(%arg0: i32) -> (i32, i32) {
    %c0_i32 = arith.constant 0 : i32
    %c0_i32_0 = arith.constant 0 : i32
    %c0_i32_1 = arith.constant 0 : i32
    return %c0_i32, %c0_i32_0 : i32, i32
  }
  func.func @transform_6(%arg0: i32) -> (i32, i32) {
    %c0_i32 = arith.constant 0 : i32
    %c0_i32_0 = arith.constant 0 : i32
    %c0_i32_1 = arith.constant 0 : i32
    return %c0_i32, %c0_i32_0 : i32, i32
  }
  func.func @transform_7(%arg0: i32) -> (i32, i32) {
    %c0_i32 = arith.constant 0 : i32
    %c0_i32_0 = arith.constant 0 : i32
    %c0_i32_1 = arith.constant 0 : i32
    return %c0_i32, %c0_i32_0 : i32, i32
  }
  func.func @transform_8(%arg0: i32) -> (i32, i32) {
    %c0_i32 = arith.constant 0 : i32
    %c0_i32_0 = arith.constant 0 : i32
    return %arg0, %c0_i32 : i32, i32
  }
}

</mosaic_0001>

<sc_bundles>
// kernel: kernel.6.cloned.1.call-start
scs
__scs_entry_jumppad:
0x0: {  	(pc) =	sbr.rel $0x88, $3  }
0x1: {  	(tag) =	ssettag $0x0;
	lr =	simm.s32 $0x1  }
0x2: {  	[smem:$0x3F99] =	sst lr;
	_ =	strace $0xD0000000  }
0x3: {  	_ = 	snop  }
0x4: {  	_ = 	snop  }
0x5: {  	_ = 	snop  }
0x6: {  	_ = 	snop  }
0x7: {  	_ = 	snop  }
__scs_overlays_trampoline_lowered:
0x8: {  	[smem:$0x3FA8] =	sst s0  }
0x9: {  	[smem:$0x3FA9] =	sst s1  }
0xa: {  	[smem:$0x3FAA] =	sst s2  }
0xb: {  	[smem:$0x3FAB] =	sst s3  }
0xc: {  	[smem:$0x3FAC] =	sst s4  }
0xd: {  	[smem:$0x3FAD] =	sst s5  }
0xe: {  	[smem:$0x3FAE] =	sst s6  }
0xf: {  	[smem:$0x3FAF] =	sst s7  }
0x10: {  	[smem:$0x3FB0] =	sst s8  }
0x11: {  	[smem:$0x3FB1] =	sst s9;
	s0 =	simm.s32 @!p0 $0x0  }
0x12: {  	s1 =	sld [smem:$0x3F97];
	s0 =	simm.s32 @p0 $0x1  }
0x13: {  	[smem:$0x3FB2] =	sst s0;
	s0 =	simm.s32 @!p1 $0x0  }
0x14: {  	s2 =	sld [smem:$0x3F96];
	s0 =	simm.s32 @p1 $0x1  }
0x15: {  	[smem:$0x3FB3] =	sst s0;
	s0 =	simm.s32 @!p2 $0x0  }
0x16: {  	s3 =	sld [smem:$0x3FDB];
	s0 =	simm.s32 @p2 $0x1  }
0x17: {  	s4 =	simm.s32 $0x1BF5;
	[smem:$0x3FB5] =	sst s0  }
0x18: {  	s0 =	sld [smem:$0x3F98];
	_ =	swait.ge [sflag:s4], $0x0  }
0x19: {  	s7 =	sld [smem:$0x3F99]  }
0x1a: {  	s8 =	sadd.s32 $0xFFFFE003, lr  }
0x1b: {  	s9 =	sadd.s32 $0xFFFFFEF7, lr;
	s5 =	simm.s32 $0xFFFFFFFF;
	p2 =	slt.u32 s8, $0xFFFFF086  }
0x1c: {  	p1 =	slt.u32 s9, $0xF7A;
	s5 =	simm.s32 @!p2 $0x0  }
0x1d: {  	s5 =	simm.s32 @p1 $0x1;
	p0 =	seq.s32 s7, s2  }
0x1e: {  	s7 =	smul.u32 @!p0 $0xF7A, s2;
	p2 =	seq.s32 @!p0 s5, $0x0  }
0x1f: {  	s9 =	smul.u32 $0xF7A, s1;
	s8 =	simm.s32 @!p0 $0x1BF5;
	p2 =	por !p2, p0  }
0x20: {  	[sflag:s8] =	ssyncset.s32 @!p0 $0xFFFFF086;
	s6 =	sadd.s32 @!p0 s3, s7;
	s7 =	simm.s32 @!p0 $0x108  }
0x21: {  	s3 =	sadd.s32 s3, s9;
	s6 =	sadd.s32 @!p0 $0x88, s6;
	s7 =	simm.s32 @p2 $0x1082  }
0x22: {  	[simem:s7], [sflag:s8] =	dma.local @!p0 [hbm:s6], $0xF7A  }
0x23: {  	s9 =	sor.u32 $0xD0000000, s2;
	s6 =	simm.s32 $0x108;
	_ =	swait.ge @!p0 [sflag:s8], $0x0  }
0x24: {  	s3 =	sadd.s32 $0x88, s3;
	s6 =	simm.s32 @!p1 $0x1082;
	[sflag:s4] =	ssyncset.s32 $0xFFFFF086  }
0x25: {  	[simem:s6], [sflag:s4] =	dma.local [hbm:s3], $0xF7A  }
0x26: {  	[smem:$0x3F99] =	sst s1;
	(tag) =	ssettag s2;
	_ =	strace s9  }
0x27: {  	s1 =	sld [smem:$0x3FA9]  }
0x28: {  	s2 =	sld [smem:$0x3FAA]  }
0x29: {  	s4 =	sld [smem:$0x3FAC]  }
0x2a: {  	p0 =	seq.s32 s5, $0x0;
	s5 =	sld [smem:$0x3FAD]  }
0x2b: {  	s6 =	sld [smem:$0x3FAE]  }
0x2c: {  	s7 =	sld [smem:$0x3FAF]  }
0x2d: {  	s3 =	simm.s32 $0x108;
	s8 =	sld [smem:$0x3FB0]  }
0x2e: {  	s3 =	simm.s32 @!p0 $0x1082;
	s9 =	sld [smem:$0x3FB1]  }
0x2f: {  	lr =	sadd.s32 s0, s3;
	s0 =	sld [smem:$0x3FA8]  }
0x30: {  	s3 =	sld [smem:$0x3FAB]  }
0x31: {  	[smem:$0x3FB4] =	sst s10  }
0x32: {  	s10 =	sld [smem:$0x3FB2];
	_ =	sdelay $0x3  }
0x33: {  	p0 =	seq.s32 s10, $0x1;
	s10 =	sld [smem:$0x3FB4];
	_ =	sdelay $0x3  }
0x34: {  	[smem:$0x3FB4] =	sst s10  }
0x35: {  	s10 =	sld [smem:$0x3FB3];
	_ =	sdelay $0x3  }
0x36: {  	p1 =	seq.s32 s10, $0x1;
	s10 =	sld [smem:$0x3FB4];
	_ =	sdelay $0x3  }
0x37: {  	[smem:$0x3FB4] =	sst s10  }
0x38: {  	s10 =	sld [smem:$0x3FB5]  }
0x39: {  	_ = 	snop;
	(pc) =	sbr.ind lr, $3  }
0x3a: {  	_ = 	snop  }
0x3b: {  	_ = 	snop  }
0x3c: {  	p2 =	seq.s32 s10, $0x1;
	s10 =	sld [smem:$0x3FB4]  }
0x3d: {  	_ =	shalt  }
0x3e: {  	_ =	shalt  }
0x3f: {  	_ =	shalt  }
0x40: {  	_ =	shalt  }
0x41: {  	_ =	shalt  }
0x42: {  	_ =	shalt  }
0x43: {  	_ =	shalt  }
0x44: {  	_ =	shalt  }
0x45: {  	_ =	shalt  }
0x46: {  	_ =	shalt  }
0x47: {  	_ =	shalt  }
0x48: {  	_ =	shalt  }
0x49: {  	_ =	shalt  }
0x4a: {  	_ =	shalt  }
0x4b: {  	_ =	shalt  }
0x4c: {  	_ =	shalt  }
0x4d: {  	_ =	shalt  }
0x4e: {  	_ =	shalt  }
0x4f: {  	_ =	shalt  }
0x50: {  	_ =	shalt  }
0x51: {  	_ =	shalt  }
0x52: {  	_ =	shalt  }
0x53: {  	_ =	shalt  }
0x54: {  	_ =	shalt  }
0x55: {  	_ =	shalt  }
0x56: {  	_ =	shalt  }
0x57: {  	_ =	shalt  }
0x58: {  	_ =	shalt  }
0x59: {  	_ =	shalt  }
0x5a: {  	_ =	shalt  }
0x5b: {  	_ =	shalt  }
0x5c: {  	_ =	shalt  }
0x5d: {  	_ =	shalt  }
0x5e: {  	_ =	shalt  }
0x5f: {  	_ =	shalt  }
0x60: {  	_ =	shalt  }
0x61: {  	_ =	shalt  }
0x62: {  	_ =	shalt  }
0x63: {  	_ =	shalt  }
0x64: {  	_ =	shalt  }
0x65: {  	_ =	shalt  }
0x66: {  	_ =	shalt  }
0x67: {  	_ =	shalt  }
0x68: {  	_ =	shalt  }
0x69: {  	_ =	shalt  }
0x6a: {  	_ =	shalt  }
0x6b: {  	_ =	shalt  }
0x6c: {  	_ =	shalt  }
0x6d: {  	_ =	shalt  }
0x6e: {  	_ =	shalt  }
0x6f: {  	_ =	shalt  }
0x70: {  	_ =	shalt  }
0x71: {  	_ =	shalt  }
0x72: {  	_ =	shalt  }
0x73: {  	_ =	shalt  }
0x74: {  	_ =	shalt  }
0x75: {  	_ =	shalt  }
0x76: {  	_ =	shalt  }
0x77: {  	_ =	shalt  }
0x78: {  	_ =	shalt  }
0x79: {  	_ =	shalt  }
0x7a: {  	_ =	shalt  }
0x7b: {  	_ =	shalt  }
0x7c: {  	_ =	shalt  }
0x7d: {  	_ =	shalt  }
0x7e: {  	_ =	shalt  }
0x7f: {  	_ =	shalt  }
0x80: {  	_ =	shalt  }
0x81: {  	_ =	shalt  }
0x82: {  	_ =	shalt  }
0x83: {  	_ =	shalt  }
0x84: {  	_ =	shalt  }
0x85: {  	_ =	shalt  }
0x86: {  	_ =	shalt  }
0x87: {  	_ =	shalt  }
.Lfunc_end0:
.L_simem_size_0:
called_computation_lowered:
.L_overlay_start_0:
0x88: {  	s2 =	sld [smem:$0x3FD9]  }
0x89: {  	s3 =	sld [smem:$0x3FFE];
	_ =	sdelay $0x1  }
0x8a: {  	s1 =	srdreg.scid  }
0x8b: {  	s0 =	sand.u32 $0x1, s1  }
0x8c: {  	s17 =	sshll.u32 s0, $0xA;
	s2 =	sadd.s32 s3, s2  }
0x8d: {  	s2 =	sadd.s32 s2, s17  }
0x8e: {  	[smem:$0x3FC0] =	sst s2  }
0x8f: {  	_ = 	snop  }
0x90: {  	s2 =	sld [smem:$0x3FD0];
	(tm) =	ssettm $0x1  }
0x91: {  	s18 =	sld [smem:$0x3FFB];
	_ =	sdelay $0x3  }
0x92: {  	_ =	strace s18  }
0x93: {  	s3 =	sld [smem:$0x3FFC];
	_ =	sdelay $0x3  }
0x94: {  	_ =	strace s3  }
0x95: {  	s3 =	sld [smem:$0x3FFD];
	_ =	sdelay $0x3  }
0x96: {  	_ =	strace s3  }
0x97: {  	_ =	strace $0x8FFFFFFF  }
0x98: {  	s19 =	sld [smem:$0x3FDB];
	_ =	sdelay $0x1  }
0x99: {  	s4 =	simm.s32 $_scs_section_size  }
0x9a: {  	s5 =	simm.s32 $_size__tile_overlayer_lowered;
	s6 =	simm.s32 $_tile_overlayer_lowered  }
0x9b: {  	s22 =	simm.s32 $0x1BFF;
	s21 =	sshll.u32 s6, $0x1;
	s3 =	sadd.s32 s4, s19  }
0x9c: {  	s7 =	simm.s32 $0x0;
	s20 =	sshll.u32 s5, $0x1;
	s5 =	sadd.s32 s21, s3  }
0x9d: {  	[timem:s7], [sflag:s22] =	dma.local [hbm:s5], s20  }
0x9e: {  	_ =	swait.ge [sflag:s22], s20  }
0x9f: {  	s4 =	ssub.s32 $0x0, s20;
	[sflag:s22] =	ssyncset.done $0x0  }
0xa0: {  	[sflag:s22] =	ssyncadd.s32 s4;
	_ =	sdelay $0x1  }
0xa1: {  	s23 =	simm.s32 $0x1B8B  }
0xa2: {  	_ =	swait.ge [sflag:s23], $0x1  }
0xa3: {  	[sflag:s23] =	ssyncset.done $0x0  }
0xa4: {  	s25 =	simm.s32 $0x1B8E;
	s24 =	sld [smem:$0x3FFE];
	[sflag:s23] =	ssyncadd.s32 $0xFFFFFFFF  }
0xa5: {  	s26 =	simm.s32 $execute0_lowered;
	[smem:$0x3FD2] =	sst s25  }
0xa6: {  	s5 =	sshll.u32 s26, $0x1;
	_ =	strace $0x80000046;
	[dreg:$0x1] =	wrdreg $0xFFFFFFFF  }
0xa7: {  	s28 =	simm.s32 $_size_execute0_lowered;
	s3 =	sadd.s32 s3, s5;
	[dreg:$0x0] =	wrdreg $0x0  }
0xa8: {  	s5 =	sshll.u32 s28, $0x1;
	[dreg:$0x2] =	wrdreg s3  }
0xa9: {  	[dreg:$0x3] =	wrdreg s5  }
0xaa: {  	[dreg:$0x4] =	wrdreg $0xC0  }
0xab: {  	_ =	task [dreg:s7], $0x5FFFF  }
0xac: {  	[dreg:$0x1] =	wrdreg $0xFFFFFFFF  }
0xad: {  	[dreg:$0x0] =	wrdreg $0x60  }
0xae: {  	[dreg:$0x2] =	wrdreg s24  }
0xaf: {  	[dreg:$0x3] =	wrdreg s2  }
0xb0: {  	[dreg:$0x4] =	wrdreg $0x84000  }
0xb1: {  	[dreg:$0x5] =	wrdreg $0x9  }
0xb2: {  	_ =	task.clear_ibuf [dreg:s7], $0x6FFFF;
	_ =	strace $0x90000046  }
0xb3: {  	s29 =	simm.s32 $0x9;
	_ =	strace $0x80000048  }
0xb4: {  	_ =	swait.ge [sflag:s29], $0x1  }
0xb5: {  	[sflag:s29] =	ssyncadd.s32 $0xFFFFFFFF  }
0xb6: {  	_ =	strace $0x90000048  }
0xb7: {  	_ =	sfence  }
0xb8: {  	s30 =	sld [smem:$0x0];
	_ =	sdelay $0x2  }
0xb9: {  	s31 =	sshll.u32 s1, $0xD;
	s1 =	sshrl.u32 s1, $0x2  }
0xba: {  	s3 =	sand.u32 $0x4000, s31;
	s1 =	sadd.s32 s1, s30  }
0xbb: {  	s0 =	sor.u32 s3, s0;
	s1 =	sshll.u32 s1, $0x11  }
0xbc: {  	s0 =	sor.u32 s1, s0  }
0xbd: {  	s0 =	sadd.s32 $0x8F2B, s0  }
0xbe: {  	[sflag:s0] =	ssyncadd.remote.s32 $0x1  }
0xbf: {  	_ =	sfence.sel $0xFFFF  }
0xc0: {  	[dreg:$0x0] =	wrdreg $0xFFFFFFFF;
	(pc) =	sbr.abs _section_cstart, $3  }
0xc1: {  	[dreg:$0x1] =	wrdreg $0xFFFFFFFF  }
0xc2: {  	_ =	task.clear_ibuf [dreg:s7], $0x2FFFF;
	_ =	strace $0x9FFFFFFF  }
0xc3: {  	(tm) =	ssettm $0x7FFFFFFF  }
tec
execute0_lowered:
.L_overlay_start_1:
0x0: {  	(tag) =	ssettag $0x1  }
0x1: {  	s0 =	rddreg [dreg:$0x0]  }
0x2: {  	s1 =	rddreg [dreg:$0x1]  }
0x3: {  	s3 =	rddreg [dreg:$0x2];
	s4 =	simm.s32 $0x0;
	s5 =	stileid.u32  }
0x4: {  	s26 =	srdreg.scid;
	s24 =	simm.s32 $0x180;
	s25 =	simm.s32 $0x280  }
0x5: {  	s28 =	simm.s32 $0x300;
	s29 =	simm.s32 $0x5;
	s30 =	simm.s32 $0x3  }
0x6: {  	s31 =	simm.s32 $0x7;
	[smem:$0x7FF] =	sst s4;
	s8 =	smul.u32 $0x2800, s5  }
0x7: {  	s2 =	sshrl.u32 s5, $0x3;
	s14 =	sadd.s32 $0x2C00, s0;
	s9 =	smul.u32 $0x50000, s5  }
0x8: {  	s6 =	sshll.u32 s5, $0x7;
	s7 =	sadd.s32 $0x2AC00, s0;
	s12 =	smul.u32 $0x5000, s5  }
0x9: {  	s11 =	sand.u32 $0x1, s26;
	s22 =	smul.u32 $0xA00, s5;
	s26 =	simm.s32 $0x380  }
0xa: {  	_ =	strace $0x80000047;
	s2 =	smul.u32 $0x14000, s2;
	s6 =	sand.u32 $0x380, s6  }
0xb: {  	s10 =	ssub.s32 $0x2, s11;
	p0 =	seq.s32 s11, $0x0;
	[dreg:$0x4] =	wrdreg s24  }
0xc: {  	p1 =	sne.s32 s11, $0x0;
	[dreg:$0x5] =	wrdreg s25;
	s24 =	simm.s32 $0x200  }
0xd: {  	[dreg:$0x6] =	wrdreg s26;
	s25 =	simm.s32 $0x2;
	s26 =	simm.s32 $0x4400  }
0xe: {  	s8 =	sadd.s32 s8, s0;
	s9 =	sshrl.u32 s9, $0x2;
	s13 =	sshrl.u32 s10, $0x1  }
0xf: {  	s2 =	sor.u32 s6, s2;
	s6 =	sadd.s32 s9, s3;
	s9 =	sshrl.u32 s12, $0x3  }
0x10: {  	s21 =	sadd.s32 $0x5CC00, s8;
	s23 =	sadd.s32 $0x34C00, s8;
	s8 =	simm.s32 $0x8  }
0x11: {  	s2 =	sshrl.u32 s2, $0x3;
	s15 =	sadd.s32 $0x4000, s6;
	[dreg:$0xd] =	wrdreg s21  }
0x12: {  	s16 =	sadd.s32 $0x8000, s6;
	s17 =	sadd.s32 $0xC000, s6;
	[dreg:$0xe] =	wrdreg s23  }
0x13: {  	s18 =	sadd.s32 $0x10000, s6;
	s21 =	simm.s32 $0x9;
	[dreg:$0x7] =	wrdreg s15  }
0x14: {  	s23 =	simm.s32 $0x100;
	s0 =	sadd.s32 s2, s0;
	[dreg:$0x8] =	wrdreg s16  }
0x15: {  	s2 =	ssub.s32 s10, s13;
	[dreg:$0x9] =	wrdreg s17;
	s10 =	sadd.s32 s7, s9  }
0x16: {  	[dreg:$0xa] =	wrdreg s18;
	s18 =	smov.u32 s1;
	s19 =	sadd.s32 $0x20, s10  }
0x17: {  	s20 =	sadd.s32 $0x40, s10;
	s16 =	sadd.s32 $0x84C00, s0;
	s17 =	smax.u32 s2, $0x1  }
0x18: {  	s18 =	smov.u32 @p0 s14;
	s0 =	simm.s32 $0x6;
	[dreg:$0xb] =	wrdreg s19  }
0x19: {  	s2 =	simm.s32 $0x0;
	[dreg:$0xc] =	wrdreg s20;
	s19 =	sadd.s32 s22, s7  }
0x1a: {  	v0 =	vimm.f32 $0.0e+00;
	s20 =	simm.s32 $0x400;
	s22 =	simm.s32 $0x80;
	s7 =	simm.s32 $0x4  }
.LBB2_1:
0x1b: {  	s9 =	simm.s32 $0x0;
	s11 =	simm.s32 $0x200  }
.LBB2_2:
0x1c: {  	p2 =	sne.s32 s11, $0xFE00;
	[tilespmem:s9+$0x470] =	vst v0  }
0x1d: {  	[tilespmem:s9+$0x400] =	vst v0  }
0x1e: {  	[tilespmem:s9+$0x410] =	vst v0  }
.Ltmp0:
0x1f: {  	[tilespmem:s9+$0x420] =	vst v0;
	(pc) =	sbr.rel @p2 .LBB2_2-.Ltmp0, $4  }
0x20: {  	[tilespmem:s9+$0x430] =	vst v0  }
0x21: {  	[tilespmem:s9+$0x440] =	vst v0  }
0x22: {  	[tilespmem:s9+$0x450] =	vst v0  }
0x23: {  	[tilespmem:s9+$0x460] =	vst v0;
	s9 =	sshra.s32 s11, $0x2;
	s11 =	sadd.s32 $0x200, s11  }
0x24: {  	[tilespmem:s9+$0x470] =	vst v0  }
0x25: {  	[tilespmem:s9+$0x400] =	vst v0  }
0x26: {  	[tilespmem:s9+$0x410] =	vst v0  }
0x27: {  	[tilespmem:s9+$0x420] =	vst v0  }
0x28: {  	[tilespmem:s9+$0x430] =	vst v0  }
0x29: {  	[tilespmem:s9+$0x440] =	vst v0  }
0x2a: {  	[tilespmem:s9+$0x450] =	vst v0  }
0x2b: {  	[tilespmem:s9+$0x460] =	vst v0  }
0x2c: {  	[spmem:s6] =	stream.linear.scatter [tilespmem:s20], [sflag:$0x9], $0x4000, $0x38;
	[tilespmem:$0x1EC00] =	vst v63  }
0x2d: {  	_ =	swait.ge [sflag:s21], $0x4000  }
0x2e: {  	[sflag:s21] =	ssyncset.done $0x0  }
0x2f: {  	s5 =	rddreg [dreg:$0x7];
	[sflag:s21] =	ssyncadd.s32 $0xFFFFC000  }
0x30: {  	[spmem:s5] =	stream.linear.scatter [tilespmem:s20], [sflag:$0x9], $0x4000, $0x38;
	[tilespmem:$0x1EC00] =	vst v63  }
0x31: {  	_ =	swait.ge [sflag:s21], $0x4000  }
0x32: {  	[sflag:s21] =	ssyncset.done $0x0  }
0x33: {  	s12 =	rddreg [dreg:$0x8];
	[sflag:s21] =	ssyncadd.s32 $0xFFFFC000  }
0x34: {  	[spmem:s12] =	stream.linear.scatter [tilespmem:s20], [sflag:$0x9], $0x4000, $0x38;
	[tilespmem:$0x1EC00] =	vst v63  }
0x35: {  	_ =	swait.ge [sflag:s21], $0x4000  }
0x36: {  	[sflag:s21] =	ssyncset.done $0x0  }
0x37: {  	s13 =	rddreg [dreg:$0x9];
	[sflag:s21] =	ssyncadd.s32 $0xFFFFC000  }
0x38: {  	[spmem:s13] =	stream.linear.scatter [tilespmem:s20], [sflag:$0x9], $0x4000, $0x38;
	[tilespmem:$0x1EC00] =	vst v63  }
0x39: {  	_ =	swait.ge [sflag:s21], $0x4000  }
0x3a: {  	[sflag:s21] =	ssyncset.done $0x0  }
0x3b: {  	s15 =	rddreg [dreg:$0xa];
	[sflag:s21] =	ssyncadd.s32 $0xFFFFC000  }
0x3c: {  	[spmem:s15] =	stream.linear.scatter [tilespmem:s20], [sflag:$0x9], $0x4000, $0x38;
	[tilespmem:$0x1EC00] =	vst v63  }
0x3d: {  	_ =	swait.ge [sflag:s21], $0x4000  }
0x3e: {  	[sflag:s21] =	ssyncset.done $0x0  }
0x3f: {  	s9 =	simm.s32 $0x40;
	s11 =	simm.s32 $0x0;
	[sflag:s21] =	ssyncadd.s32 $0xFFFFC000  }
.LBB2_4:
0x40: {  	p2 =	sne.s32 s9, $0x9FC0;
	[tilespmem:s11+$0x1C400] =	vst v0;
	s11 =	smov.u32 s9;
	s9 =	sadd.s32 $0x40, s9  }
.Ltmp1:
0x41: {  	(pc) =	sbr.rel @p2 .LBB2_4-.Ltmp1, $2  }
0x42: {  	_ =	sdelay $0x2  }
0x43: {  	s11 =	sshra.s32 s11, $0x2  }
0x44: {  	[tilespmem:s11+$0x1C400] =	vst v0  }
0x45: {  	s9 =	simm.s32 $0x0;
	[bflag:$0x0] =	sbarrier.arrive $0xFFFF  }
0x46: {  	[tilespmem:s9], [sflag:$0x9] =	stream.linear.gather [hbm4b:s10+s9], $0x100, $0x38;
	[tilespmem:$0x1EC00] =	vst v63  }
0x47: {  	_ =	swait.ge [sflag:s21], $0x100  }
0x48: {  	[sflag:s21] =	ssyncset.done $0x0  }
0x49: {  	[sflag:s21] =	ssyncadd.s32 $0xFFFFFF00  }
0x4a: {  	[tilespmem:s20], [sflag:$0x5] =	stream.indirect.gather [hbm4b:s18+s22], $0x80, s9, s22, $0xb8;
	[tilespmem:$0x1EC00] =	vst v63  }
0x4b: {  	s5 =	rddreg [dreg:$0xb]  }
0x4c: {  	[tilespmem:s23], [sflag:$0x2] =	stream.linear.gather [hbm4b:s5+s9], $0x100, $0x38;
	[tilespmem:$0x1EC00] =	vst v63  }
0x4d: {  	s15 =	rddreg [dreg:$0xc]  }
0x4e: {  	[tilespmem:s24], [sflag:$0x3] =	stream.linear.gather [hbm4b:s15+s9], $0x100, $0x38;
	[tilespmem:$0x1EC00] =	vst v63  }
.LBB2_6:
0x4f: {  	_ =	swait.ge [sflag:s25], $0x100  }
0x50: {  	p2 =	seq.s32 s9, $0x0;
	[sflag:s25] =	ssyncset.done $0x0  }
0x51: {  	s11 =	simm.s32 @!p2 $0x8;
	[sflag:s25] =	ssyncadd.s32 $0xFFFFFF00  }
0x52: {  	_ =	swait.ge @!p2 [sflag:s11], $0x4000  }
0x53: {  	[sflag:s11] =	ssyncset.done @!p2 $0x0  }
0x54: {  	s13 =	sadd.s32 s9, s19;
	[sflag:s11] =	ssyncadd.s32 @!p2 $0xFFFFC000  }
0x55: {  	[tilespmem:s26], [sflag:$0x6] =	stream.indirect.gather [hbm4b:s18+s22], $0x80, s23, s22, $0xb8;
	[tilespmem:$0x1EC00] =	vst v63  }
0x56: {  	s11 =	sadd.s32 $0x60, s13  }
0x57: {  	[tilespmem:s28], [sflag:$0x4] =	stream.linear.gather [hbm4b:s11+s4], $0x100, $0x38;
	[tilespmem:$0x1EC00] =	vst v63  }
0x58: {  	_ =	swait.ge [sflag:s29], $0x4000  }
0x59: {  	[sflag:s29] =	ssyncset.done $0x0  }
0x5a: {  	[sflag:s29] =	ssyncadd.s32 $0xFFFFC000  }
0x5b: {  	v1 =	vld @!p1 [tilespmem:$0x80];
	_ =	sdelay $0x6  }
0x5c: {  	v2 =	vimm.f32 @!p1 $1.000000000e+00;
	s11 =	simm.s32 @!p1 $0x1C400  }
0x5d: {  	[tilespmem:v1+s11+$0x0] =	vst.idx.add.f32.msk @!p1 $0xffff, v2  }
0x5e: {  	v1 =	vld @!p1 [tilespmem:$0x90];
	_ =	sdelay $0x7  }
0x5f: {  	[tilespmem:v1+s11+$0x0] =	vst.idx.add.f32.msk @!p1 $0xffff, v2  }
0x60: {  	v1 =	vld @!p1 [tilespmem:$0xA0];
	_ =	sdelay $0x7  }
0x61: {  	[tilespmem:v1+s11+$0x0] =	vst.idx.add.f32.msk @!p1 $0xffff, v2  }
0x62: {  	v1 =	vld @!p1 [tilespmem:$0xB0];
	_ =	sdelay $0x7  }
0x63: {  	[tilespmem:v1+s11+$0x0] =	vst.idx.add.f32.msk @!p1 $0xffff, v2  }
0x64: {  	v1 =	vld @!p1 [tilespmem:$0xC0];
	_ =	sdelay $0x7  }
0x65: {  	[tilespmem:v1+s11+$0x0] =	vst.idx.add.f32.msk @!p1 $0xffff, v2  }
0x66: {  	v1 =	vld @!p1 [tilespmem:$0xD0];
	_ =	sdelay $0x7  }
0x67: {  	[tilespmem:v1+s11+$0x0] =	vst.idx.add.f32.msk @!p1 $0xffff, v2  }
0x68: {  	v1 =	vld @!p1 [tilespmem:$0xE0];
	_ =	sdelay $0x7  }
0x69: {  	[tilespmem:v1+s11+$0x0] =	vst.idx.add.f32.msk @!p1 $0xffff, v2  }
0x6a: {  	v1 =	vld @!p1 [tilespmem:$0xF0];
	_ =	sdelay $0x7  }
0x6b: {  	[tilespmem:v1+s11+$0x0] =	vst.idx.add.f32.msk @!p1 $0xffff, v2  }
0x6c: {  	[spmem:s3] =	stream.indirect.scatter.add.f32 [tilespmem:s20], [sflag:$0x7], $0x80, s22, s22, $0xb8;
	[tilespmem:$0x1EC00] =	vst v63  }
0x6d: {  	_ =	swait.ge [sflag:s30], $0x100  }
0x6e: {  	[sflag:s30] =	ssyncset.done $0x0  }
0x6f: {  	[sflag:s30] =	ssyncadd.s32 $0xFFFFFF00  }
0x70: {  	_ =	swait.ge [sflag:s31], $0x4000  }
0x71: {  	s5 =	smov.u32 s14;
	p2 =	seq.s32 s9, $0x980;
	[sflag:s31] =	ssyncset.done $0x0  }
0x72: {  	s5 =	smov.u32 @p1 s1;
	s12 =	sadd.s32 @!p2 s9, s19;
	[sflag:s31] =	ssyncadd.s32 $0xFFFFC000  }
0x73: {  	[tilespmem:s20], [sflag:$0x5] =	stream.indirect.gather [hbm4b:s5+s22], $0x80, s24, s22, $0xb8;
	[tilespmem:$0x1EC00] =	vst v63  }
0x74: {  	s13 =	simm.s32 @!p2 $0x0;
	s15 =	sadd.s32 @!p2 $0x80, s12  }
0x75: {  	[tilespmem:s13], [sflag:$0x1] =	stream.linear.gather @!p2 [hbm4b:s15+s13], $0x100, $0x38;
	[tilespmem:$0x1EC00] =	vst v63  }
0x76: {  	_ =	swait.ge [sflag:s0], $0x4000  }
0x77: {  	[sflag:s0] =	ssyncset.done $0x0  }
0x78: {  	[sflag:s0] =	ssyncadd.s32 $0xFFFFC000  }
0x79: {  	v1 =	vld @!p1 [tilespmem:$0x180];
	_ =	sdelay $0x7  }
0x7a: {  	[tilespmem:v1+s11+$0x0] =	vst.idx.add.f32.msk @!p1 $0xffff, v2  }
0x7b: {  	v1 =	vld @!p1 [tilespmem:$0x190];
	_ =	sdelay $0x7  }
0x7c: {  	[tilespmem:v1+s11+$0x0] =	vst.idx.add.f32.msk @!p1 $0xffff, v2  }
0x7d: {  	v1 =	vld @!p1 [tilespmem:$0x1A0];
	_ =	sdelay $0x7  }
0x7e: {  	[tilespmem:v1+s11+$0x0] =	vst.idx.add.f32.msk @!p1 $0xffff, v2  }
0x7f: {  	v1 =	vld @!p1 [tilespmem:$0x1B0];
	_ =	sdelay $0x7  }
0x80: {  	[tilespmem:v1+s11+$0x0] =	vst.idx.add.f32.msk @!p1 $0xffff, v2  }
0x81: {  	v1 =	vld @!p1 [tilespmem:$0x1C0];
	_ =	sdelay $0x7  }
0x82: {  	[tilespmem:v1+s11+$0x0] =	vst.idx.add.f32.msk @!p1 $0xffff, v2  }
0x83: {  	v1 =	vld @!p1 [tilespmem:$0x1D0];
	_ =	sdelay $0x7  }
0x84: {  	[tilespmem:v1+s11+$0x0] =	vst.idx.add.f32.msk @!p1 $0xffff, v2  }
0x85: {  	v1 =	vld @!p1 [tilespmem:$0x1E0];
	_ =	sdelay $0x7  }
0x86: {  	[tilespmem:v1+s11+$0x0] =	vst.idx.add.f32.msk @!p1 $0xffff, v2  }
0x87: {  	v1 =	vld @!p1 [tilespmem:$0x1F0];
	_ =	sdelay $0x7  }
0x88: {  	s15 =	rddreg [dreg:$0x4];
	[tilespmem:v1+s11+$0x0] =	vst.idx.add.f32.msk @!p1 $0xffff, v2  }
0x89: {  	[spmem:s3] =	stream.indirect.scatter.add.f32 [tilespmem:s26], [sflag:$0x8], $0x80, s15, s22, $0xb8;
	[tilespmem:$0x1EC00] =	vst v63  }
0x8a: {  	_ =	swait.ge [sflag:s7], $0x100  }
0x8b: {  	[sflag:s7] =	ssyncset.done $0x0  }
0x8c: {  	[sflag:s7] =	ssyncadd.s32 $0xFFFFFF00  }
0x8d: {  	_ =	swait.ge [sflag:s8], $0x4000  }
0x8e: {  	[sflag:s8] =	ssyncset.done $0x0  }
0x8f: {  	[sflag:s8] =	ssyncadd.s32 $0xFFFFC000  }
0x90: {  	[tilespmem:s26], [sflag:$0x6] =	stream.indirect.gather [hbm4b:s5+s22], $0x80, s28, s22, $0xb8;
	[tilespmem:$0x1EC00] =	vst v63  }
0x91: {  	s15 =	simm.s32 @!p2 $0x100;
	s5 =	sadd.s32 @!p2 $0xA0, s12  }
0x92: {  	[tilespmem:s15], [sflag:$0x2] =	stream.linear.gather @!p2 [hbm4b:s5+s13], $0x100, $0x38;
	[tilespmem:$0x1EC00] =	vst v63  }
0x93: {  	_ =	swait.ge [sflag:s29], $0x4000  }
0x94: {  	[sflag:s29] =	ssyncset.done $0x0  }
0x95: {  	[sflag:s29] =	ssyncadd.s32 $0xFFFFC000  }
0x96: {  	v1 =	vld @!p1 [tilespmem:$0x280];
	_ =	sdelay $0x7  }
0x97: {  	[tilespmem:v1+s11+$0x0] =	vst.idx.add.f32.msk @!p1 $0xffff, v2  }
0x98: {  	v1 =	vld @!p1 [tilespmem:$0x290];
	_ =	sdelay $0x7  }
0x99: {  	[tilespmem:v1+s11+$0x0] =	vst.idx.add.f32.msk @!p1 $0xffff, v2  }
0x9a: {  	v1 =	vld @!p1 [tilespmem:$0x2A0];
	_ =	sdelay $0x7  }
0x9b: {  	[tilespmem:v1+s11+$0x0] =	vst.idx.add.f32.msk @!p1 $0xffff, v2  }
0x9c: {  	v1 =	vld @!p1 [tilespmem:$0x2B0];
	_ =	sdelay $0x7  }
0x9d: {  	[tilespmem:v1+s11+$0x0] =	vst.idx.add.f32.msk @!p1 $0xffff, v2  }
0x9e: {  	v1 =	vld @!p1 [tilespmem:$0x2C0];
	_ =	sdelay $0x7  }
0x9f: {  	[tilespmem:v1+s11+$0x0] =	vst.idx.add.f32.msk @!p1 $0xffff, v2  }
0xa0: {  	v1 =	vld @!p1 [tilespmem:$0x2D0];
	_ =	sdelay $0x7  }
0xa1: {  	[tilespmem:v1+s11+$0x0] =	vst.idx.add.f32.msk @!p1 $0xffff, v2  }
0xa2: {  	v1 =	vld @!p1 [tilespmem:$0x2E0];
	_ =	sdelay $0x7  }
0xa3: {  	[tilespmem:v1+s11+$0x0] =	vst.idx.add.f32.msk @!p1 $0xffff, v2  }
0xa4: {  	v1 =	vld @!p1 [tilespmem:$0x2F0];
	_ =	sdelay $0x7  }
0xa5: {  	s5 =	simm.s32 @!p2 $0x1;
	s15 =	rddreg [dreg:$0x5];
	[tilespmem:v1+s11+$0x0] =	vst.idx.add.f32.msk @!p1 $0xffff, v2  }
0xa6: {  	[spmem:s3] =	stream.indirect.scatter.add.f32 [tilespmem:s20], [sflag:$0x7], $0x80, s15, s22, $0xb8;
	[tilespmem:$0x1EC00] =	vst v63  }
0xa7: {  	_ =	swait.ge @!p2 [sflag:s5], $0x100  }
0xa8: {  	[sflag:s5] =	ssyncset.done @!p2 $0x0  }
0xa9: {  	[sflag:s5] =	ssyncadd.s32 @!p2 $0xFFFFFF00;
	s5 =	simm.s32 @!p2 $0x7  }
0xaa: {  	_ =	swait.ge @!p2 [sflag:s5], $0x4000  }
0xab: {  	[sflag:s5] =	ssyncset.done @!p2 $0x0  }
0xac: {  	s15 =	simm.s32 @!p2 $0x400;
	[sflag:s5] =	ssyncadd.s32 @!p2 $0xFFFFC000;
	s5 =	simm.s32 @!p2 $0x80  }
0xad: {  	[tilespmem:s15], [sflag:$0x5] =	stream.indirect.gather @!p2 [hbm4b:s18+s5], $0x80, s13, s5, $0xb8;
	[tilespmem:$0x1EC00] =	vst v63  }
0xae: {  	s5 =	sadd.s32 @!p2 $0xC0, s12;
	s12 =	simm.s32 @!p2 $0x200  }
0xaf: {  	[tilespmem:s12], [sflag:$0x3] =	stream.linear.gather @!p2 [hbm4b:s5+s13], $0x100, $0x38;
	[tilespmem:$0x1EC00] =	vst v63  }
0xb0: {  	_ =	swait.ge [sflag:s0], $0x4000  }
0xb1: {  	[sflag:s0] =	ssyncset.done $0x0  }
0xb2: {  	[sflag:s0] =	ssyncadd.s32 $0xFFFFC000  }
0xb3: {  	v1 =	vld @!p1 [tilespmem:$0x380];
	_ =	sdelay $0x7  }
0xb4: {  	[tilespmem:v1+s11+$0x0] =	vst.idx.add.f32.msk @!p1 $0xffff, v2  }
0xb5: {  	v1 =	vld @!p1 [tilespmem:$0x390];
	_ =	sdelay $0x7  }
0xb6: {  	[tilespmem:v1+s11+$0x0] =	vst.idx.add.f32.msk @!p1 $0xffff, v2  }
0xb7: {  	v1 =	vld @!p1 [tilespmem:$0x3A0];
	_ =	sdelay $0x7  }
0xb8: {  	[tilespmem:v1+s11+$0x0] =	vst.idx.add.f32.msk @!p1 $0xffff, v2  }
0xb9: {  	v1 =	vld @!p1 [tilespmem:$0x3B0];
	_ =	sdelay $0x7  }
0xba: {  	[tilespmem:v1+s11+$0x0] =	vst.idx.add.f32.msk @!p1 $0xffff, v2  }
0xbb: {  	v1 =	vld @!p1 [tilespmem:$0x3C0];
	_ =	sdelay $0x7  }
0xbc: {  	[tilespmem:v1+s11+$0x0] =	vst.idx.add.f32.msk @!p1 $0xffff, v2  }
0xbd: {  	v1 =	vld @!p1 [tilespmem:$0x3D0];
	_ =	sdelay $0x7  }
0xbe: {  	[tilespmem:v1+s11+$0x0] =	vst.idx.add.f32.msk @!p1 $0xffff, v2  }
0xbf: {  	v1 =	vld @!p1 [tilespmem:$0x3E0];
	_ =	sdelay $0x7  }
0xc0: {  	[tilespmem:v1+s11+$0x0] =	vst.idx.add.f32.msk @!p1 $0xffff, v2  }
0xc1: {  	v1 =	vld @!p1 [tilespmem:$0x3F0];
	_ =	sdelay $0x2  }
0xc2: {  	s9 =	sadd.s32 $0x80, s9  }
0xc3: {  	p2 =	sne.s32 s9, $0xA00  }
.Ltmp2:
0xc4: {  	_ = 	snop;
	(pc) =	sbr.rel @p2 .LBB2_6-.Ltmp2, $3  }
0xc5: {  	_ =	sdelay $0x1  }
0xc6: {  	s15 =	rddreg [dreg:$0x6];
	[tilespmem:v1+s11+$0x0] =	vst.idx.add.f32.msk @!p1 $0xffff, v2  }
0xc7: {  	[spmem:s3] =	stream.indirect.scatter.add.f32 [tilespmem:s26], [sflag:$0x8], $0x80, s15, s22, $0xb8;
	[tilespmem:$0x1EC00] =	vst v63  }
0xc8: {  	_ =	swait.ge [sflag:s31], $0x4000  }
0xc9: {  	[sflag:s31] =	ssyncset.done $0x0  }
0xca: {  	[sflag:s31] =	ssyncadd.s32 $0xFFFFC000  }
0xcb: {  	_ =	swait.ge [sflag:s8], $0x4000  }
0xcc: {  	[sflag:s8] =	ssyncset.done $0x0  }
0xcd: {  	s12 =	stileid.u32;
	[sflag:s8] =	ssyncadd.s32 $0xFFFFC000  }
0xce: {  	s5 =	sshll.u32 @p0 s12, $0x6;
	[bflag:$0x0] =	sbarrier.arrive $0xFFFF  }
0xcf: {  	s9 =	sshrl.u32 @p0 s6, $0x3;
	s5 =	sor.u32 @p0 $0x1C09, s5;
	s11 =	rddreg [dreg:$0xe]  }
0xd0: {  	[hbm:s11], [sflag:s5] =	dma.local @p0 [spmem:s9], $0x2800  }
0xd1: {  	s5 =	simm.s32 @p0 $0x9  }
0xd2: {  	_ =	swait.ge @p0 [sflag:s5], $0x2800  }
0xd3: {  	s2 =	sadd.s32 $0x1, s2;
	s9 =	simm.s32 @p0 $0x400;
	[sflag:s5] =	ssyncset.done @p0 $0x0  }
0xd4: {  	s11 =	simm.s32 @p0 $0x1C400;
	[sflag:s5] =	ssyncadd.s32 @p0 $0xFFFFD800;
	s5 =	simm.s32 @p0 $0x80  }
0xd5: {  	[hbm4b:s16+s5] =	stream.strided.scatter @p0 [tilespmem:s11], [sflag:$0x9], $0x2800, s9, s5, $0x38;
	[tilespmem:$0x1EC00] =	vst v63  }
0xd6: {  	p2 =	sne.s32 s2, s17;
	s5 =	sshll.u32 @!p0 s12, $0x6;
	s9 =	sshrl.u32 @!p0 s6, $0x3  }
.Ltmp3:
0xd7: {  	s12 =	rddreg [dreg:$0xd];
	s5 =	sor.u32 @!p0 $0x1C09, s5;
	(pc) =	sbr.rel @p2 .LBB2_1-.Ltmp3, $4  }
0xd8: {  	[hbm:s12], [sflag:s5] =	dma.local @!p0 [spmem:s9], $0x2800  }
0xd9: {  	_ =	swait.ge [sflag:s21], $0x2800  }
0xda: {  	[sflag:s21] =	ssyncset.done $0x0  }
0xdb: {  	s11 =	stileid.u32;
	[sflag:s21] =	ssyncadd.s32 $0xFFFFD800  }
0xdc: {  	_ =	sfence.sel $0x180000  }
0xdd: {  	[bflag:$0x0] =	sbarrier.arrive $0xFFFF  }
0xde: {  	_ =	strace $0x90000047  }
0xdf: {  	[bflag:$0x2] =	sbarrier.arrive $0xFFFF  }
0xe0: {  	p0 =	sne.s32 s11, $0x0;
	s0 =	rddreg [dreg:$0x3]  }
0xe1: {  	s0 =	sadd.s32 @!p0 $0x100000, s0  }
0xe2: {  	[sflag:s0] =	ssyncadd.tile.s32 @!p0 $0x1;
	_ =	shalt  }
.Lfunc_end2:
_tile_overlayer_lowered:
.L_overlay_start_2:
0xe3: {  	(tag) =	ssettag $0x2  }
0xe4: {  	s0 =	rddreg [dreg:$0x0];
	s2 =	stileid.u32  }
0xe5: {  	s1 =	rddreg [dreg:$0x1];
	p0 =	sne.s32 s2, $0x0  }
0xe6: {  	s3 =	rddreg [dreg:$0x2];
	[bflag:$0x3] =	sbarrier.arrive $0xFFFF;
	s2 =	simm.s32 @!p0 $0x1C09  }
0xe7: {  	[timem:s3], [sflag:s2] =	dma.local @!p0 [hbm:s0], s1  }
0xe8: {  	s0 =	simm.s32 @!p0 $0x9  }
0xe9: {  	_ =	swait.ge @!p0 [sflag:s0], s1  }
0xea: {  	s1 =	ssub.s32 @!p0 $0x0, s1;
	[sflag:s0] =	ssyncset.done @!p0 $0x0  }
0xeb: {  	[sflag:s0] =	ssyncadd.s32 @!p0 s1  }
0xec: {  	[bflag:$0x3] =	sbarrier.arrive $0xFFFF  }
0xed: {  	_ =	shalt  }

// kernel: kernel.9.cloned.1.call-start
scs
__scs_entry_jumppad:
0x0: {  	(pc) =	sbr.rel $0x88, $3  }
0x1: {  	(tag) =	ssettag $0x0;
	lr =	simm.s32 $0x1  }
0x2: {  	[smem:$0x3F99] =	sst lr;
	_ =	strace $0xD0000000  }
0x3: {  	_ = 	snop  }
0x4: {  	_ = 	snop  }
0x5: {  	_ = 	snop  }
0x6: {  	_ = 	snop  }
0x7: {  	_ = 	snop  }
__scs_overlays_trampoline_lowered:
0x8: {  	[smem:$0x3FA8] =	sst s0  }
0x9: {  	[smem:$0x3FA9] =	sst s1  }
0xa: {  	[smem:$0x3FAA] =	sst s2  }
0xb: {  	[smem:$0x3FAB] =	sst s3  }
0xc: {  	[smem:$0x3FAC] =	sst s4  }
0xd: {  	[smem:$0x3FAD] =	sst s5  }
0xe: {  	[smem:$0x3FAE] =	sst s6  }
0xf: {  	[smem:$0x3FAF] =	sst s7  }
0x10: {  	[smem:$0x3FB0] =	sst s8  }
0x11: {  	[smem:$0x3FB1] =	sst s9;
	s0 =	simm.s32 @!p0 $0x0  }
0x12: {  	s1 =	sld [smem:$0x3F97];
	s0 =	simm.s32 @p0 $0x1  }
0x13: {  	[smem:$0x3FB2] =	sst s0;
	s0 =	simm.s32 @!p1 $0x0  }
0x14: {  	s2 =	sld [smem:$0x3F96];
	s0 =	simm.s32 @p1 $0x1  }
0x15: {  	[smem:$0x3FB3] =	sst s0;
	s0 =	simm.s32 @!p2 $0x0  }
0x16: {  	s3 =	sld [smem:$0x3FDB];
	s0 =	simm.s32 @p2 $0x1  }
0x17: {  	s4 =	simm.s32 $0x1BF5;
	[smem:$0x3FB5] =	sst s0  }
0x18: {  	s0 =	sld [smem:$0x3F98];
	_ =	swait.ge [sflag:s4], $0x0  }
0x19: {  	s7 =	sld [smem:$0x3F99]  }
0x1a: {  	s8 =	sadd.s32 $0xFFFFE003, lr  }
0x1b: {  	s9 =	sadd.s32 $0xFFFFFEF7, lr;
	s5 =	simm.s32 $0xFFFFFFFF;
	p2 =	slt.u32 s8, $0xFFFFF086  }
0x1c: {  	p1 =	slt.u32 s9, $0xF7A;
	s5 =	simm.s32 @!p2 $0x0  }
0x1d: {  	s5 =	simm.s32 @p1 $0x1;
	p0 =	seq.s32 s7, s2  }
0x1e: {  	s7 =	smul.u32 @!p0 $0xF7A, s2;
	p2 =	seq.s32 @!p0 s5, $0x0  }
0x1f: {  	s9 =	smul.u32 $0xF7A, s1;
	s8 =	simm.s32 @!p0 $0x1BF5;
	p2 =	por !p2, p0  }
0x20: {  	[sflag:s8] =	ssyncset.s32 @!p0 $0xFFFFF086;
	s6 =	sadd.s32 @!p0 s3, s7;
	s7 =	simm.s32 @!p0 $0x108  }
0x21: {  	s3 =	sadd.s32 s3, s9;
	s6 =	sadd.s32 @!p0 $0x88, s6;
	s7 =	simm.s32 @p2 $0x1082  }
0x22: {  	[simem:s7], [sflag:s8] =	dma.local @!p0 [hbm:s6], $0xF7A  }
0x23: {  	s9 =	sor.u32 $0xD0000000, s2;
	s6 =	simm.s32 $0x108;
	_ =	swait.ge @!p0 [sflag:s8], $0x0  }
0x24: {  	s3 =	sadd.s32 $0x88, s3;
	s6 =	simm.s32 @!p1 $0x1082;
	[sflag:s4] =	ssyncset.s32 $0xFFFFF086  }
0x25: {  	[simem:s6], [sflag:s4] =	dma.local [hbm:s3], $0xF7A  }
0x26: {  	[smem:$0x3F99] =	sst s1;
	(tag) =	ssettag s2;
	_ =	strace s9  }
0x27: {  	s1 =	sld [smem:$0x3FA9]  }
0x28: {  	s2 =	sld [smem:$0x3FAA]  }
0x29: {  	s4 =	sld [smem:$0x3FAC]  }
0x2a: {  	p0 =	seq.s32 s5, $0x0;
	s5 =	sld [smem:$0x3FAD]  }
0x2b: {  	s6 =	sld [smem:$0x3FAE]  }
0x2c: {  	s7 =	sld [smem:$0x3FAF]  }
0x2d: {  	s3 =	simm.s32 $0x108;
	s8 =	sld [smem:$0x3FB0]  }
0x2e: {  	s3 =	simm.s32 @!p0 $0x1082;
	s9 =	sld [smem:$0x3FB1]  }
0x2f: {  	lr =	sadd.s32 s0, s3;
	s0 =	sld [smem:$0x3FA8]  }
0x30: {  	s3 =	sld [smem:$0x3FAB]  }
0x31: {  	[smem:$0x3FB4] =	sst s10  }
0x32: {  	s10 =	sld [smem:$0x3FB2];
	_ =	sdelay $0x3  }
0x33: {  	p0 =	seq.s32 s10, $0x1;
	s10 =	sld [smem:$0x3FB4];
	_ =	sdelay $0x3  }
0x34: {  	[smem:$0x3FB4] =	sst s10  }
0x35: {  	s10 =	sld [smem:$0x3FB3];
	_ =	sdelay $0x3  }
0x36: {  	p1 =	seq.s32 s10, $0x1;
	s10 =	sld [smem:$0x3FB4];
	_ =	sdelay $0x3  }
0x37: {  	[smem:$0x3FB4] =	sst s10  }
0x38: {  	s10 =	sld [smem:$0x3FB5]  }
0x39: {  	_ = 	snop;
	(pc) =	sbr.ind lr, $3  }
0x3a: {  	_ = 	snop  }
0x3b: {  	_ = 	snop  }
0x3c: {  	p2 =	seq.s32 s10, $0x1;
	s10 =	sld [smem:$0x3FB4]  }
0x3d: {  	_ =	shalt  }
0x3e: {  	_ =	shalt  }
0x3f: {  	_ =	shalt  }
0x40: {  	_ =	shalt  }
0x41: {  	_ =	shalt  }
0x42: {  	_ =	shalt  }
0x43: {  	_ =	shalt  }
0x44: {  	_ =	shalt  }
0x45: {  	_ =	shalt  }
0x46: {  	_ =	shalt  }
0x47: {  	_ =	shalt  }
0x48: {  	_ =	shalt  }
0x49: {  	_ =	shalt  }
0x4a: {  	_ =	shalt  }
0x4b: {  	_ =	shalt  }
0x4c: {  	_ =	shalt  }
0x4d: {  	_ =	shalt  }
0x4e: {  	_ =	shalt  }
0x4f: {  	_ =	shalt  }
0x50: {  	_ =	shalt  }
0x51: {  	_ =	shalt  }
0x52: {  	_ =	shalt  }
0x53: {  	_ =	shalt  }
0x54: {  	_ =	shalt  }
0x55: {  	_ =	shalt  }
0x56: {  	_ =	shalt  }
0x57: {  	_ =	shalt  }
0x58: {  	_ =	shalt  }
0x59: {  	_ =	shalt  }
0x5a: {  	_ =	shalt  }
0x5b: {  	_ =	shalt  }
0x5c: {  	_ =	shalt  }
0x5d: {  	_ =	shalt  }
0x5e: {  	_ =	shalt  }
0x5f: {  	_ =	shalt  }
0x60: {  	_ =	shalt  }
0x61: {  	_ =	shalt  }
0x62: {  	_ =	shalt  }
0x63: {  	_ =	shalt  }
0x64: {  	_ =	shalt  }
0x65: {  	_ =	shalt  }
0x66: {  	_ =	shalt  }
0x67: {  	_ =	shalt  }
0x68: {  	_ =	shalt  }
0x69: {  	_ =	shalt  }
0x6a: {  	_ =	shalt  }
0x6b: {  	_ =	shalt  }
0x6c: {  	_ =	shalt  }
0x6d: {  	_ =	shalt  }
0x6e: {  	_ =	shalt  }
0x6f: {  	_ =	shalt  }
0x70: {  	_ =	shalt  }
0x71: {  	_ =	shalt  }
0x72: {  	_ =	shalt  }
0x73: {  	_ =	shalt  }
0x74: {  	_ =	shalt  }
0x75: {  	_ =	shalt  }
0x76: {  	_ =	shalt  }
0x77: {  	_ =	shalt  }
0x78: {  	_ =	shalt  }
0x79: {  	_ =	shalt  }
0x7a: {  	_ =	shalt  }
0x7b: {  	_ =	shalt  }
0x7c: {  	_ =	shalt  }
0x7d: {  	_ =	shalt  }
0x7e: {  	_ =	shalt  }
0x7f: {  	_ =	shalt  }
0x80: {  	_ =	shalt  }
0x81: {  	_ =	shalt  }
0x82: {  	_ =	shalt  }
0x83: {  	_ =	shalt  }
0x84: {  	_ =	shalt  }
0x85: {  	_ =	shalt  }
0x86: {  	_ =	shalt  }
0x87: {  	_ =	shalt  }
.Lfunc_end0:
.L_simem_size_0:
called_computation.1_lowered:
.L_overlay_start_0:
0x88: {  	s2 =	sld [smem:$0x3FD9]  }
0x89: {  	s3 =	sld [smem:$0x3FFE];
	_ =	sdelay $0x1  }
0x8a: {  	s1 =	srdreg.scid  }
0x8b: {  	s0 =	sand.u32 $0x1, s1  }
0x8c: {  	s17 =	sshll.u32 s0, $0xA;
	s2 =	sadd.s32 s3, s2  }
0x8d: {  	s2 =	sadd.s32 s2, s17  }
0x8e: {  	[smem:$0x3FC0] =	sst s2  }
0x8f: {  	_ = 	snop  }
0x90: {  	s2 =	sld [smem:$0x3FD0];
	(tm) =	ssettm $0x1  }
0x91: {  	s18 =	sld [smem:$0x3FFB];
	_ =	sdelay $0x3  }
0x92: {  	_ =	strace s18  }
0x93: {  	s3 =	sld [smem:$0x3FFC];
	_ =	sdelay $0x3  }
0x94: {  	_ =	strace s3  }
0x95: {  	s3 =	sld [smem:$0x3FFD];
	_ =	sdelay $0x3  }
0x96: {  	_ =	strace s3  }
0x97: {  	_ =	strace $0x8FFFFFFF  }
0x98: {  	s19 =	sld [smem:$0x3FDB];
	_ =	sdelay $0x1  }
0x99: {  	s4 =	simm.s32 $_scs_section_size  }
0x9a: {  	s5 =	simm.s32 $_size__tile_overlayer_lowered;
	s6 =	simm.s32 $_tile_overlayer_lowered  }
0x9b: {  	s22 =	simm.s32 $0x1BFF;
	s21 =	sshll.u32 s6, $0x1;
	s3 =	sadd.s32 s4, s19  }
0x9c: {  	s7 =	simm.s32 $0x0;
	s20 =	sshll.u32 s5, $0x1;
	s5 =	sadd.s32 s21, s3  }
0x9d: {  	[timem:s7], [sflag:s22] =	dma.local [hbm:s5], s20  }
0x9e: {  	_ =	swait.ge [sflag:s22], s20  }
0x9f: {  	s4 =	ssub.s32 $0x0, s20;
	[sflag:s22] =	ssyncset.done $0x0  }
0xa0: {  	[sflag:s22] =	ssyncadd.s32 s4;
	_ =	sdelay $0x1  }
0xa1: {  	s23 =	simm.s32 $0x1B8B  }
0xa2: {  	_ =	swait.ge [sflag:s23], $0x1  }
0xa3: {  	[sflag:s23] =	ssyncset.done $0x0  }
0xa4: {  	s25 =	simm.s32 $0x1B8E;
	s24 =	sld [smem:$0x3FFE];
	[sflag:s23] =	ssyncadd.s32 $0xFFFFFFFF  }
0xa5: {  	s26 =	simm.s32 $execute0_lowered;
	[smem:$0x3FD2] =	sst s25  }
0xa6: {  	s5 =	sshll.u32 s26, $0x1;
	_ =	strace $0x80000049;
	[dreg:$0x1] =	wrdreg $0xFFFFFFFF  }
0xa7: {  	s28 =	simm.s32 $_size_execute0_lowered;
	s3 =	sadd.s32 s3, s5;
	[dreg:$0x0] =	wrdreg $0x0  }
0xa8: {  	s5 =	sshll.u32 s28, $0x1;
	[dreg:$0x2] =	wrdreg s3  }
0xa9: {  	[dreg:$0x3] =	wrdreg s5  }
0xaa: {  	[dreg:$0x4] =	wrdreg $0xC0  }
0xab: {  	_ =	task [dreg:s7], $0x5FFFF  }
0xac: {  	[dreg:$0x1] =	wrdreg $0xFFFFFFFF  }
0xad: {  	[dreg:$0x0] =	wrdreg $0x60  }
0xae: {  	[dreg:$0x2] =	wrdreg s2  }
0xaf: {  	[dreg:$0x3] =	wrdreg s24  }
0xb0: {  	[dreg:$0x4] =	wrdreg $0x84000  }
0xb1: {  	[dreg:$0x5] =	wrdreg $0x9  }
0xb2: {  	_ =	task.clear_ibuf [dreg:s7], $0x6FFFF;
	_ =	strace $0x90000049  }
0xb3: {  	s29 =	simm.s32 $0x9;
	_ =	strace $0x8000004B  }
0xb4: {  	_ =	swait.ge [sflag:s29], $0x1  }
0xb5: {  	[sflag:s29] =	ssyncadd.s32 $0xFFFFFFFF  }
0xb6: {  	_ =	strace $0x9000004B  }
0xb7: {  	_ =	sfence  }
0xb8: {  	s30 =	sld [smem:$0x0];
	_ =	sdelay $0x2  }
0xb9: {  	s31 =	sshll.u32 s1, $0xD;
	s1 =	sshrl.u32 s1, $0x2  }
0xba: {  	s3 =	sand.u32 $0x4000, s31;
	s1 =	sadd.s32 s1, s30  }
0xbb: {  	s0 =	sor.u32 s3, s0;
	s1 =	sshll.u32 s1, $0x11  }
0xbc: {  	s0 =	sor.u32 s1, s0  }
0xbd: {  	s0 =	sadd.s32 $0x8F2B, s0  }
0xbe: {  	[sflag:s0] =	ssyncadd.remote.s32 $0x1  }
0xbf: {  	_ =	sfence.sel $0xFFFF  }
0xc0: {  	[dreg:$0x0] =	wrdreg $0xFFFFFFFF;
	(pc) =	sbr.abs _section_cstart, $3  }
0xc1: {  	[dreg:$0x1] =	wrdreg $0xFFFFFFFF  }
0xc2: {  	_ =	task.clear_ibuf [dreg:s7], $0x2FFFF;
	_ =	strace $0x9FFFFFFF  }
0xc3: {  	(tm) =	ssettm $0x7FFFFFFF  }
tec
execute0_lowered:
.L_overlay_start_1:
0x0: {  	(tag) =	ssettag $0x1  }
0x1: {  	s0 =	rddreg [dreg:$0x0]  }
0x2: {  	s2 =	rddreg [dreg:$0x1]  }
0x3: {  	s1 =	rddreg [dreg:$0x2];
	s3 =	simm.s32 $0x0  }
0x4: {  	s8 =	stileid.u32;
	s5 =	srdreg.scid;
	s25 =	simm.s32 $0x180  }
0x5: {  	s26 =	simm.s32 $0x380;
	s28 =	simm.s32 $0x6;
	s29 =	simm.s32 $0x4  }
0x6: {  	s30 =	simm.s32 $0x8;
	s31 =	simm.s32 $0x0;
	[smem:$0x7FF] =	sst s3  }
0x7: {  	s4 =	sadd.s32 $0x2C00, s2;
	s6 =	smul.u32 $0x50000, s8;
	s15 =	sadd.s32 $0x2AC00, s2  }
0x8: {  	s14 =	sadd.s32 $0x34C00, s2;
	s11 =	sand.u32 $0x1, s5;
	s10 =	smul.u32 $0x5000, s8  }
0x9: {  	s2 =	sadd.s32 $0x5CC00, s2;
	s16 =	smul.u32 $0x2800, s8;
	_ =	strace $0x8000004A  }
0xa: {  	s7 =	ssub.s32 $0x2, s11;
	p0 =	seq.s32 s11, $0x0;
	[dreg:$0x4] =	wrdreg s25  }
0xb: {  	[dreg:$0x5] =	wrdreg s26;
	s25 =	simm.s32 $0x3;
	s26 =	simm.s32 $0x7  }
0xc: {  	s17 =	sshrl.u32 s6, $0x2;
	s18 =	sshrl.u32 s7, $0x1;
	s10 =	sshrl.u32 s10, $0x3  }
0xd: {  	s4 =	smov.u32 @p0 s0;
	s2 =	smov.u32 @p0 s14;
	s5 =	sadd.s32 s17, s1  }
0xe: {  	s6 =	ssub.s32 s7, s18;
	s10 =	sadd.s32 s15, s10;
	s19 =	sadd.s32 $0x4000, s5  }
0xf: {  	s17 =	smul.u32 $0xA00, s8;
	s20 =	sadd.s32 $0x8000, s5;
	[dreg:$0x6] =	wrdreg s19  }
0x10: {  	s14 =	sadd.s32 s2, s16;
	s21 =	sadd.s32 $0xC000, s5;
	[dreg:$0x7] =	wrdreg s20  }
0x11: {  	s16 =	simm.s32 $0x400;
	s22 =	sadd.s32 $0x10000, s5;
	[dreg:$0x8] =	wrdreg s21  }
0x12: {  	s18 =	simm.s32 $0x80;
	s23 =	sadd.s32 $0x20, s10;
	[dreg:$0x9] =	wrdreg s22  }
0x13: {  	s24 =	sadd.s32 $0x40, s10;
	s13 =	smax.u32 s6, $0x1;
	[dreg:$0xa] =	wrdreg s23  }
0x14: {  	[dreg:$0xb] =	wrdreg s24;
	s15 =	sadd.s32 s17, s15;
	s17 =	simm.s32 $0x9  }
0x15: {  	s19 =	simm.s32 $0x100;
	s20 =	simm.s32 $0x200;
	s21 =	simm.s32 $0x2  }
0x16: {  	v0 =	vimm.f32 $0.0e+00;
	s22 =	simm.s32 $0x4400;
	s23 =	simm.s32 $0x300;
	s24 =	simm.s32 $0x5  }
.LBB2_1:
0x17: {  	s0 =	simm.s32 $0x0;
	s2 =	simm.s32 $0x200  }
.LBB2_2:
0x18: {  	p0 =	sne.s32 s2, $0xFE00;
	[tilespmem:s0+$0x470] =	vst v0  }
0x19: {  	[tilespmem:s0+$0x400] =	vst v0  }
0x1a: {  	[tilespmem:s0+$0x410] =	vst v0  }
.Ltmp0:
0x1b: {  	[tilespmem:s0+$0x420] =	vst v0;
	(pc) =	sbr.rel @p0 .LBB2_2-.Ltmp0, $4  }
0x1c: {  	[tilespmem:s0+$0x430] =	vst v0  }
0x1d: {  	[tilespmem:s0+$0x440] =	vst v0  }
0x1e: {  	[tilespmem:s0+$0x450] =	vst v0  }
0x1f: {  	[tilespmem:s0+$0x460] =	vst v0;
	s0 =	sshra.s32 s2, $0x2;
	s2 =	sadd.s32 $0x200, s2  }
0x20: {  	[tilespmem:s0+$0x470] =	vst v0  }
0x21: {  	[tilespmem:s0+$0x400] =	vst v0  }
0x22: {  	[tilespmem:s0+$0x410] =	vst v0  }
0x23: {  	[tilespmem:s0+$0x420] =	vst v0  }
0x24: {  	[tilespmem:s0+$0x430] =	vst v0  }
0x25: {  	[tilespmem:s0+$0x440] =	vst v0  }
0x26: {  	[tilespmem:s0+$0x450] =	vst v0  }
0x27: {  	[tilespmem:s0+$0x460] =	vst v0  }
0x28: {  	[spmem:s5] =	stream.linear.scatter [tilespmem:s16], [sflag:$0x9], $0x4000, $0x38;
	[tilespmem:$0x1C400] =	vst v63  }
0x29: {  	_ =	swait.ge [sflag:s17], $0x4000  }
0x2a: {  	[sflag:s17] =	ssyncset.done $0x0  }
0x2b: {  	s12 =	rddreg [dreg:$0x6];
	[sflag:s17] =	ssyncadd.s32 $0xFFFFC000  }
0x2c: {  	[spmem:s12] =	stream.linear.scatter [tilespmem:s16], [sflag:$0x9], $0x4000, $0x38;
	[tilespmem:$0x1C400] =	vst v63  }
0x2d: {  	_ =	swait.ge [sflag:s17], $0x4000  }
0x2e: {  	[sflag:s17] =	ssyncset.done $0x0  }
0x2f: {  	s2 =	rddreg [dreg:$0x7];
	[sflag:s17] =	ssyncadd.s32 $0xFFFFC000  }
0x30: {  	[spmem:s2] =	stream.linear.scatter [tilespmem:s16], [sflag:$0x9], $0x4000, $0x38;
	[tilespmem:$0x1C400] =	vst v63  }
0x31: {  	_ =	swait.ge [sflag:s17], $0x4000  }
0x32: {  	[sflag:s17] =	ssyncset.done $0x0  }
0x33: {  	s6 =	rddreg [dreg:$0x8];
	[sflag:s17] =	ssyncadd.s32 $0xFFFFC000  }
0x34: {  	[spmem:s6] =	stream.linear.scatter [tilespmem:s16], [sflag:$0x9], $0x4000, $0x38;
	[tilespmem:$0x1C400] =	vst v63  }
0x35: {  	_ =	swait.ge [sflag:s17], $0x4000  }
0x36: {  	[sflag:s17] =	ssyncset.done $0x0  }
0x37: {  	s7 =	rddreg [dreg:$0x9];
	[sflag:s17] =	ssyncadd.s32 $0xFFFFC000  }
0x38: {  	[spmem:s7] =	stream.linear.scatter [tilespmem:s16], [sflag:$0x9], $0x4000, $0x38;
	[tilespmem:$0x1C400] =	vst v63  }
0x39: {  	_ =	swait.ge [sflag:s17], $0x4000  }
0x3a: {  	[sflag:s17] =	ssyncset.done $0x0  }
0x3b: {  	[sflag:s17] =	ssyncadd.s32 $0xFFFFC000  }
0x3c: {  	s8 =	simm.s32 $0x0;
	[bflag:$0x0] =	sbarrier.arrive $0xFFFF  }
0x3d: {  	[tilespmem:s8], [sflag:$0x9] =	stream.linear.gather [hbm4b:s10+s8], $0x100, $0x38;
	[tilespmem:$0x1C400] =	vst v63  }
0x3e: {  	_ =	swait.ge [sflag:s17], $0x100  }
0x3f: {  	[sflag:s17] =	ssyncset.done $0x0  }
0x40: {  	[sflag:s17] =	ssyncadd.s32 $0xFFFFFF00  }
0x41: {  	[tilespmem:s16], [sflag:$0x5] =	stream.indirect.gather [hbm4b:s4+s18], $0x80, s8, s18, $0xb8;
	[tilespmem:$0x1C400] =	vst v63  }
0x42: {  	s2 =	rddreg [dreg:$0xa]  }
0x43: {  	[tilespmem:s19], [sflag:$0x2] =	stream.linear.gather [hbm4b:s2+s8], $0x100, $0x38;
	[tilespmem:$0x1C400] =	vst v63  }
0x44: {  	s9 =	rddreg [dreg:$0xb]  }
0x45: {  	[tilespmem:s20], [sflag:$0x3] =	stream.linear.gather [hbm4b:s9+s8], $0x100, $0x38;
	[tilespmem:$0x1C400] =	vst v63  }
0x46: {  	_ =	swait.ge [sflag:s21], $0x100  }
0x47: {  	p0 =	por $0x1, $0x1;
	[sflag:s21] =	ssyncset.done $0x0  }
0x48: {  	s0 =	simm.s32 @!p0 $0x8;
	[sflag:s21] =	ssyncadd.s32 $0xFFFFFF00  }
0x49: {  	_ =	swait.ge @!p0 [sflag:s0], $0x4000  }
0x4a: {  	[sflag:s0] =	ssyncset.done @!p0 $0x0  }
0x4b: {  	s11 =	sadd.s32 $0x0, s15;
	[sflag:s0] =	ssyncadd.s32 @!p0 $0xFFFFC000  }
0x4c: {  	[tilespmem:s22], [sflag:$0x6] =	stream.indirect.gather [hbm4b:s4+s18], $0x80, s19, s18, $0xb8;
	[tilespmem:$0x1C400] =	vst v63  }
0x4d: {  	s0 =	sadd.s32 $0x60, s11  }
0x4e: {  	[tilespmem:s23], [sflag:$0x4] =	stream.linear.gather [hbm4b:s0+s3], $0x100, $0x38;
	[tilespmem:$0x1C400] =	vst v63  }
0x4f: {  	_ =	swait.ge [sflag:s24], $0x4000  }
0x50: {  	[sflag:s24] =	ssyncset.done $0x0  }
0x51: {  	[sflag:s24] =	ssyncadd.s32 $0xFFFFC000  }
0x52: {  	[spmem:s1] =	stream.indirect.scatter.add.f32 [tilespmem:s16], [sflag:$0x7], $0x80, s18, s18, $0xb8;
	[tilespmem:$0x1C400] =	vst v63  }
0x53: {  	_ =	swait.ge [sflag:s25], $0x100  }
0x54: {  	[sflag:s25] =	ssyncset.done $0x0  }
0x55: {  	[sflag:s25] =	ssyncadd.s32 $0xFFFFFF00  }
0x56: {  	_ =	swait.ge [sflag:s26], $0x4000  }
0x57: {  	p0 =	por $0x0, $0x0;
	[sflag:s26] =	ssyncset.done $0x0  }
0x58: {  	s0 =	sadd.s32 @!p0 $0x0, s15;
	[sflag:s26] =	ssyncadd.s32 $0xFFFFC000  }
0x59: {  	[tilespmem:s16], [sflag:$0x5] =	stream.indirect.gather [hbm4b:s4+s18], $0x80, s20, s18, $0xb8;
	[tilespmem:$0x1C400] =	vst v63  }
0x5a: {  	s2 =	simm.s32 @!p0 $0x0;
	s6 =	sadd.s32 @!p0 $0x80, s0  }
0x5b: {  	[tilespmem:s2], [sflag:$0x1] =	stream.linear.gather @!p0 [hbm4b:s6+s2], $0x100, $0x38;
	[tilespmem:$0x1C400] =	vst v63  }
0x5c: {  	_ =	swait.ge [sflag:s28], $0x4000  }
0x5d: {  	[sflag:s28] =	ssyncset.done $0x0  }
0x5e: {  	s12 =	rddreg [dreg:$0x4];
	[sflag:s28] =	ssyncadd.s32 $0xFFFFC000  }
0x5f: {  	[spmem:s1] =	stream.indirect.scatter.add.f32 [tilespmem:s22], [sflag:$0x8], $0x80, s12, s18, $0xb8;
	[tilespmem:$0x1C400] =	vst v63  }
0x60: {  	_ =	swait.ge [sflag:s29], $0x100  }
0x61: {  	[sflag:s29] =	ssyncset.done $0x0  }
0x62: {  	[sflag:s29] =	ssyncadd.s32 $0xFFFFFF00  }
0x63: {  	_ =	swait.ge [sflag:s30], $0x4000  }
0x64: {  	[sflag:s30] =	ssyncset.done $0x0  }
0x65: {  	s6 =	simm.s32 @p0 $0x5;
	[sflag:s30] =	ssyncadd.s32 $0xFFFFC000  }
0x66: {  	[tilespmem:s22], [sflag:$0x6] =	stream.indirect.gather [hbm4b:s4+s18], $0x80, s23, s18, $0xb8;
	[tilespmem:$0x1C400] =	vst v63  }
0x67: {  	_ =	swait.ge @p0 [sflag:s6], $0x4000  }
0x68: {  	s7 =	simm.s32 @p0 $0x400;
	[sflag:s6] =	ssyncset.done @p0 $0x0  }
0x69: {  	s8 =	simm.s32 @p0 $0x80;
	[sflag:s6] =	ssyncadd.s32 @p0 $0xFFFFC000;
	s6 =	simm.s32 @p0 $0x280  }
0x6a: {  	[spmem:s1] =	stream.indirect.scatter.add.f32 @p0 [tilespmem:s7], [sflag:$0x7], $0x80, s6, s8, $0xb8;
	[tilespmem:$0x1C400] =	vst v63  }
0x6b: {  	s6 =	sadd.s32 @!p0 $0xA0, s0;
	s7 =	simm.s32 @!p0 $0x100;
	s8 =	simm.s32 @!p0 $0x5  }
0x6c: {  	[tilespmem:s7], [sflag:$0x2] =	stream.linear.gather @!p0 [hbm4b:s6+s2], $0x100, $0x38;
	[tilespmem:$0x1C400] =	vst v63  }
0x6d: {  	_ =	swait.ge @!p0 [sflag:s8], $0x4000  }
0x6e: {  	s6 =	simm.s32 @!p0 $0x400;
	[sflag:s8] =	ssyncset.done @!p0 $0x0  }
0x6f: {  	s7 =	simm.s32 @!p0 $0x80;
	[sflag:s8] =	ssyncadd.s32 @!p0 $0xFFFFC000;
	s8 =	simm.s32 @!p0 $0x280  }
0x70: {  	[spmem:s1] =	stream.indirect.scatter.add.f32 @!p0 [tilespmem:s6], [sflag:$0x7], $0x80, s8, s7, $0xb8;
	[tilespmem:$0x1C400] =	vst v63  }
0x71: {  	s8 =	simm.s32 @!p0 $0x1  }
0x72: {  	_ =	swait.ge @!p0 [sflag:s8], $0x100  }
0x73: {  	[sflag:s8] =	ssyncset.done @!p0 $0x0  }
0x74: {  	[sflag:s8] =	ssyncadd.s32 @!p0 $0xFFFFFF00;
	s8 =	simm.s32 @!p0 $0x7  }
0x75: {  	_ =	swait.ge @!p0 [sflag:s8], $0x4000  }
0x76: {  	[sflag:s8] =	ssyncset.done @!p0 $0x0  }
0x77: {  	[sflag:s8] =	ssyncadd.s32 @!p0 $0xFFFFC000  }
0x78: {  	[tilespmem:s6], [sflag:$0x5] =	stream.indirect.gather @!p0 [hbm4b:s4+s7], $0x80, s2, s7, $0xb8;
	[tilespmem:$0x1C400] =	vst v63  }
0x79: {  	s0 =	sadd.s32 @!p0 $0xC0, s0;
	s6 =	simm.s32 @!p0 $0x200  }
0x7a: {  	[tilespmem:s6], [sflag:$0x3] =	stream.linear.gather @!p0 [hbm4b:s0+s2], $0x100, $0x38;
	[tilespmem:$0x1C400] =	vst v63  }
0x7b: {  	_ =	swait.ge [sflag:s28], $0x4000  }
0x7c: {  	[sflag:s28] =	ssyncset.done $0x0  }
0x7d: {  	s0 =	simm.s32 $0x80;
	s2 =	rddreg [dreg:$0x5];
	[sflag:s28] =	ssyncadd.s32 $0xFFFFC000  }
.LBB2_4:
0x7e: {  	[spmem:s1] =	stream.indirect.scatter.add.f32 [tilespmem:s22], [sflag:$0x8], $0x80, s2, s18, $0xb8;
	[tilespmem:$0x1C400] =	vst v63  }
0x7f: {  	s6 =	smov.u32 s0;
	_ =	swait.ge [sflag:s21], $0x100  }
0x80: {  	p1 =	seq.s32 s6, $0x0;
	[sflag:s21] =	ssyncset.done $0x0  }
0x81: {  	s2 =	simm.s32 @!p1 $0x8;
	[sflag:s21] =	ssyncadd.s32 $0xFFFFFF00  }
0x82: {  	_ =	swait.ge @!p1 [sflag:s2], $0x4000  }
0x83: {  	[sflag:s2] =	ssyncset.done @!p1 $0x0  }
0x84: {  	s11 =	sadd.s32 s6, s15;
	[sflag:s2] =	ssyncadd.s32 @!p1 $0xFFFFC000  }
0x85: {  	[tilespmem:s22], [sflag:$0x6] =	stream.indirect.gather [hbm4b:s4+s18], $0x80, s19, s18, $0xb8;
	[tilespmem:$0x1C400] =	vst v63  }
0x86: {  	s2 =	sadd.s32 $0x60, s11  }
0x87: {  	[tilespmem:s23], [sflag:$0x4] =	stream.linear.gather [hbm4b:s2+s3], $0x100, $0x38;
	[tilespmem:$0x1C400] =	vst v63  }
0x88: {  	_ =	swait.ge [sflag:s24], $0x4000  }
0x89: {  	[sflag:s24] =	ssyncset.done $0x0  }
0x8a: {  	[sflag:s24] =	ssyncadd.s32 $0xFFFFC000  }
0x8b: {  	[spmem:s1] =	stream.indirect.scatter.add.f32 [tilespmem:s16], [sflag:$0x7], $0x80, s18, s18, $0xb8;
	[tilespmem:$0x1C400] =	vst v63  }
0x8c: {  	_ =	swait.ge [sflag:s25], $0x100  }
0x8d: {  	[sflag:s25] =	ssyncset.done $0x0  }
0x8e: {  	[sflag:s25] =	ssyncadd.s32 $0xFFFFFF00  }
0x8f: {  	_ =	swait.ge [sflag:s26], $0x4000  }
0x90: {  	p1 =	seq.s32 s6, $0x980;
	[sflag:s26] =	ssyncset.done $0x0  }
0x91: {  	s6 =	sadd.s32 @!p1 s6, s15;
	[sflag:s26] =	ssyncadd.s32 $0xFFFFC000  }
0x92: {  	[tilespmem:s16], [sflag:$0x5] =	stream.indirect.gather [hbm4b:s4+s18], $0x80, s20, s18, $0xb8;
	[tilespmem:$0x1C400] =	vst v63  }
0x93: {  	s7 =	sadd.s32 @!p1 $0x80, s6;
	s2 =	simm.s32 @!p1 $0x0  }
0x94: {  	[tilespmem:s2], [sflag:$0x1] =	stream.linear.gather @!p1 [hbm4b:s7+s2], $0x100, $0x38;
	[tilespmem:$0x1C400] =	vst v63  }
0x95: {  	_ =	swait.ge [sflag:s28], $0x4000  }
0x96: {  	[sflag:s28] =	ssyncset.done $0x0  }
0x97: {  	s12 =	rddreg [dreg:$0x4];
	[sflag:s28] =	ssyncadd.s32 $0xFFFFC000  }
0x98: {  	[spmem:s1] =	stream.indirect.scatter.add.f32 [tilespmem:s22], [sflag:$0x8], $0x80, s12, s18, $0xb8;
	[tilespmem:$0x1C400] =	vst v63  }
0x99: {  	_ =	swait.ge [sflag:s29], $0x100  }
0x9a: {  	[sflag:s29] =	ssyncset.done $0x0  }
0x9b: {  	[sflag:s29] =	ssyncadd.s32 $0xFFFFFF00  }
0x9c: {  	_ =	swait.ge [sflag:s30], $0x4000  }
0x9d: {  	[sflag:s30] =	ssyncset.done $0x0  }
0x9e: {  	s7 =	simm.s32 @p1 $0x5;
	[sflag:s30] =	ssyncadd.s32 $0xFFFFC000  }
0x9f: {  	[tilespmem:s22], [sflag:$0x6] =	stream.indirect.gather [hbm4b:s4+s18], $0x80, s23, s18, $0xb8;
	[tilespmem:$0x1C400] =	vst v63  }
0xa0: {  	_ =	swait.ge @p1 [sflag:s7], $0x4000  }
0xa1: {  	s9 =	simm.s32 @p1 $0x400;
	[sflag:s7] =	ssyncset.done @p1 $0x0  }
0xa2: {  	s11 =	simm.s32 @p1 $0x80;
	s12 =	simm.s32 @p1 $0x280;
	[sflag:s7] =	ssyncadd.s32 @p1 $0xFFFFC000  }
0xa3: {  	[spmem:s1] =	stream.indirect.scatter.add.f32 @p1 [tilespmem:s9], [sflag:$0x7], $0x80, s12, s11, $0xb8;
	[tilespmem:$0x1C400] =	vst v63  }
0xa4: {  	s8 =	sadd.s32 @!p1 $0xA0, s6;
	s7 =	simm.s32 @!p1 $0x100;
	s9 =	simm.s32 @!p1 $0x5  }
0xa5: {  	[tilespmem:s7], [sflag:$0x2] =	stream.linear.gather @!p1 [hbm4b:s8+s2], $0x100, $0x38;
	[tilespmem:$0x1C400] =	vst v63  }
0xa6: {  	_ =	swait.ge @!p1 [sflag:s9], $0x4000  }
0xa7: {  	s11 =	simm.s32 @!p1 $0x280;
	s7 =	simm.s32 @!p1 $0x400;
	[sflag:s9] =	ssyncset.done @!p1 $0x0  }
0xa8: {  	s8 =	simm.s32 @!p1 $0x80;
	[sflag:s9] =	ssyncadd.s32 @!p1 $0xFFFFC000;
	s9 =	simm.s32 @!p1 $0x1  }
0xa9: {  	[spmem:s1] =	stream.indirect.scatter.add.f32 @!p1 [tilespmem:s7], [sflag:$0x7], $0x80, s11, s8, $0xb8;
	[tilespmem:$0x1C400] =	vst v63  }
0xaa: {  	_ =	swait.ge @!p1 [sflag:s9], $0x100  }
0xab: {  	[sflag:s9] =	ssyncset.done @!p1 $0x0  }
0xac: {  	s11 =	simm.s32 @!p1 $0x7;
	[sflag:s9] =	ssyncadd.s32 @!p1 $0xFFFFFF00  }
0xad: {  	_ =	swait.ge @!p1 [sflag:s11], $0x4000  }
0xae: {  	s0 =	sadd.s32 $0x80, s0;
	[sflag:s11] =	ssyncset.done @!p1 $0x0  }
0xaf: {  	p0 =	sne.s32 s0, $0xA00;
	[sflag:s11] =	ssyncadd.s32 @!p1 $0xFFFFC000  }
0xb0: {  	[tilespmem:s7], [sflag:$0x5] =	stream.indirect.gather @!p1 [hbm4b:s4+s8], $0x80, s2, s8, $0xb8;
	[tilespmem:$0x1C400] =	vst v63  }
.Ltmp1:
0xb1: {  	s6 =	sadd.s32 @!p1 $0xC0, s6;
	s9 =	simm.s32 @!p1 $0x200;
	(pc) =	sbr.rel @p0 .LBB2_4-.Ltmp1, $4  }
0xb2: {  	[tilespmem:s9], [sflag:$0x3] =	stream.linear.gather @!p1 [hbm4b:s6+s2], $0x100, $0x38;
	[tilespmem:$0x1C400] =	vst v63  }
0xb3: {  	_ =	swait.ge [sflag:s28], $0x4000  }
0xb4: {  	[sflag:s28] =	ssyncset.done $0x0  }
0xb5: {  	s2 =	rddreg [dreg:$0x5];
	[sflag:s28] =	ssyncadd.s32 $0xFFFFC000  }
0xb6: {  	[spmem:s1] =	stream.indirect.scatter.add.f32 [tilespmem:s22], [sflag:$0x8], $0x80, s2, s18, $0xb8;
	[tilespmem:$0x1C400] =	vst v63  }
0xb7: {  	_ =	swait.ge [sflag:s26], $0x4000  }
0xb8: {  	[sflag:s26] =	ssyncset.done $0x0  }
0xb9: {  	[sflag:s26] =	ssyncadd.s32 $0xFFFFC000  }
0xba: {  	s0 =	stileid.u32;
	_ =	swait.ge [sflag:s30], $0x4000  }
0xbb: {  	s12 =	sshrl.u32 s5, $0x3;
	s31 =	sadd.s32 $0x1, s31;
	[sflag:s30] =	ssyncset.done $0x0  }
0xbc: {  	s0 =	sshll.u32 s0, $0x6;
	p0 =	sne.s32 s31, s13;
	[sflag:s30] =	ssyncadd.s32 $0xFFFFC000  }
.Ltmp2:
0xbd: {  	s0 =	sor.u32 $0x1C09, s0;
	[bflag:$0x0] =	sbarrier.arrive $0xFFFF;
	(pc) =	sbr.rel @p0 .LBB2_1-.Ltmp2, $4  }
0xbe: {  	[hbm:s14], [sflag:s0] =	dma.local [spmem:s12], $0x2800  }
0xbf: {  	_ =	swait.ge [sflag:s17], $0x2800  }
0xc0: {  	[sflag:s17] =	ssyncset.done $0x0  }
0xc1: {  	[sflag:s17] =	ssyncadd.s32 $0xFFFFD800  }
0xc2: {  	_ =	sfence.sel $0x180000  }
0xc3: {  	[bflag:$0x0] =	sbarrier.arrive $0xFFFF  }
0xc4: {  	_ =	strace $0x9000004A  }
0xc5: {  	s0 =	stileid.u32;
	[bflag:$0x2] =	sbarrier.arrive $0xFFFF  }
0xc6: {  	p0 =	sne.s32 s0, $0x0;
	s0 =	rddreg [dreg:$0x3]  }
0xc7: {  	s0 =	sadd.s32 @!p0 $0x100000, s0  }
0xc8: {  	[sflag:s0] =	ssyncadd.tile.s32 @!p0 $0x1;
	_ =	shalt  }
.Lfunc_end2:
_tile_overlayer_lowered:
.L_overlay_start_2:
0xc9: {  	(tag) =	ssettag $0x2  }
0xca: {  	s0 =	rddreg [dreg:$0x0];
	s2 =	stileid.u32  }
0xcb: {  	s1 =	rddreg [dreg:$0x1];
	p0 =	sne.s32 s2, $0x0  }
0xcc: {  	s3 =	rddreg [dreg:$0x2];
	[bflag:$0x3] =	sbarrier.arrive $0xFFFF;
	s2 =	simm.s32 @!p0 $0x1C09  }
0xcd: {  	[timem:s3], [sflag:s2] =	dma.local @!p0 [hbm:s0], s1  }
0xce: {  	s0 =	simm.s32 @!p0 $0x9  }
0xcf: {  	_ =	swait.ge @!p0 [sflag:s0], s1  }
0xd0: {  	s1 =	ssub.s32 @!p0 $0x0, s1;
	[sflag:s0] =	ssyncset.done @!p0 $0x0  }
0xd1: {  	[sflag:s0] =	ssyncadd.s32 @!p0 s1  }
0xd2: {  	[bflag:$0x3] =	sbarrier.arrive $0xFFFF  }
0xd3: {  	_ =	shalt  }

</sc_bundles>
